<compile_context>
chip_gen: v7x
topology: tpu7x:2x2x1
jax: 0.10.2.dev20260603
libtpu: 0.0.44.dev20260713+nightly
codegen_flags: <defaults>
</compile_context>

<pallas_src>
import functools

import jax
import jax.numpy as jnp
import numpy as np
from jax import lax
from jax.experimental import pallas as pl
from jax.experimental.pallas import tpu as pltpu
from jax.experimental.pallas import tpu_sc as plsc

_LEVEL0_CODES = [0, 1, 1, 1, 1, 2, 2, 2, 2, 3, 3, 3, 3, 3, 4, 4, 4, 4, 5, 6, 7, 7, 7]
_INTRA_DIST = [0, 0, 1, 2, 3, 0, 1, 2, 3, 0, 1, 2, 3, 4, 0, 1, 2, 3, 0, 0, 0, 1, 2]
_NCLS = 23
_NROWS = 24
_E = 32

_ONEHOT = np.zeros((_NROWS, 8), dtype=np.float32)
for _c, _m in enumerate(_LEVEL0_CODES):
    _ONEHOT[_c, _m] = 1.0
_DIST = np.zeros((_NROWS, 1), dtype=np.float32)
_DIST[:_NCLS, 0] = np.asarray(_INTRA_DIST, dtype=np.float32)


def _table_body(w_ref, b_ref, onehot_ref, dist_ref, out_ref):
    onehot = onehot_ref[...]
    dist = dist_ref[...]
    w = w_ref[...]
    b = b_ref[...]
    acc = jnp.zeros((_NROWS, _E), dtype=jnp.float32)
    for m in range(8):
        sel = onehot[:, m : m + 1]
        acc = acc + sel * (b[m : m + 1, :] + dist * w[m : m + 1, :])
    out_ref[...] = acc


def _build_table(weights, bias):
    return pl.pallas_call(
        _table_body,
        out_shape=jax.ShapeDtypeStruct((_NROWS, _E), jnp.float32),
    )(weights, bias, jnp.asarray(_ONEHOT), jnp.asarray(_DIST))


_INFO = plsc.get_sparse_core_info()
_NC = _INFO.num_cores
_NS = _INFO.num_subcores
_NW = _NC * _NS

_B = 128
_T = 32
_HW = 256
_L = 16
_NBUF = 2
_WCHUNK = 4
_NCHUNK = _HW // _WCHUNK


@functools.partial(
    pl.kernel,
    mesh=plsc.VectorSubcoreMesh(core_axis_name="c", subcore_axis_name="s"),
    compiler_params=pltpu.CompilerParams(
        use_tc_tiling_on_sc=False, needs_layout_passes=False
    ),
    out_type=jax.ShapeDtypeStruct((_T * _HW * _E * _B,), jnp.float32),
    scratch_types=[
        pltpu.VMEM((_NROWS * _E,), jnp.float32),
        pltpu.VMEM((_NROWS * _E * _L,), jnp.float32),
        pltpu.VMEM((_HW * _B,), jnp.int32),
        [pltpu.VMEM((_WCHUNK * _E * _B,), jnp.float32) for _ in range(_NBUF)],
        pltpu.SemaphoreType.DMA,
        [pltpu.SemaphoreType.DMA for _ in range(_NBUF)],
    ],
)
def _sc_gather(table_hbm, idx_hbm, out_hbm, table_v, rep_v, idx_v, rows, isem, osems):
    wid = lax.axis_index("s") * _NC + lax.axis_index("c")

    idx_cp = pltpu.async_copy(
        idx_hbm.at[pl.ds(wid * (_HW * _B), _HW * _B)], idx_v, isem
    )

    pltpu.sync_copy(table_hbm, table_v)

    @plsc.parallel_loop(0, _NROWS * _E // _L, 1)
    def _(j):
        v = table_v[pl.ds(j * _L, _L)]
        for l in range(_L):
            src = j * _L + l
            c = src >> 5
            e = src & 31
            rep_v[pl.ds((e * _NROWS + c) * _L, _L)] = (
                jnp.full((_L,), 0, jnp.float32) + v[l]
            )

    idx_cp.wait()

    def out_slice(j):
        return out_hbm.at[pl.ds((wid * _HW + j * _WCHUNK) * (_E * _B), _WCHUNK * _E * _B)]

    def step(j, carry):
        for k in range(_NBUF):
            cid = j * _NBUF + k

            @pl.when(j > 0)
            def _(k=k, cid=cid):
                pltpu.make_async_copy(rows[k], out_slice(cid - _NBUF), osems[k]).wait()

            rows_k = rows[k]
            c0 = cid * _WCHUNK

            iota = lax.broadcasted_iota(jnp.int32, (_L,), 0)

            @plsc.parallel_loop(0, _WCHUNK * 8, 1)
            def _(i):
                ul = i >> 3
                kb = i & 7
                cls = idx_v[pl.ds((c0 + ul) * _B + kb * _L, _L)]
                clsbase = (cls << 4) + iota

                obase = ul * (_E * _B) + kb * _L

                for e in range(_E):
                    val = plsc.load_gather(rep_v, [clsbase + e * (_NROWS * _L)])
                    rows_k[pl.ds(obase + e * _B, _L)] = val

            pltpu.async_copy(rows_k, out_slice(cid), osems[k])
        return carry

    lax.fori_loop(0, _NCHUNK // _NBUF, step, 0)

    for k in range(_NBUF):
        last = (_NCHUNK // _NBUF - 1) * _NBUF + k
        pltpu.make_async_copy(rows[k], out_slice(last), osems[k]).wait()


def kernel(input, weights, bias):
    table = _build_table(weights, bias)
    idx = jnp.transpose(input.reshape(_B, _T, _HW), (1, 2, 0)).reshape(-1)
    out = _sc_gather(table.reshape(-1), idx).reshape(_T, 16, 16, _E, _B)
    return jnp.transpose(out, (4, 0, 1, 2, 3))

# --- scband reference (transcript-rebuilt; emitter-appended) ---
"""Pipeline reference for scband-land-cover-embedding-13993003450887 (READ-ONLY COPY).

The authoritative reference and input builder live on the scoring server;
editing this copy changes nothing except your own understanding.
"""

import jax, jax.numpy as jnp
import numpy as np

# LCNS level-0 (major class) code per fine class; 23 fine classes -> 8 major classes.
# Group structure inferred from LAND_COVER_INTRA_DISTANCES resets:
# [0 | 0,1,2,3 | 0,1,2,3 | 0,1,2,3,4 | 0,1,2,3 | 0 | 0 | 0,1,2]
LEVEL0_CODES = [0, 1, 1, 1, 1, 2, 2, 2, 2, 3, 3, 3, 3, 3, 4, 4, 4, 4, 5, 6, 7, 7, 7]
LAND_COVER_INTRA_DISTANCES = [0, 0, 1, 2, 3, 0, 1, 2, 3, 0, 1, 2, 3, 4, 0, 1, 2, 3, 0, 0, 0, 1, 2]
N_CLASSES = 23
N_MAJOR = 8
EMBEDDING_SIZE = 32


def setup_inputs(seed: int = 0) -> dict:
    key = jax.random.key(seed)
    k1, k2 = jax.random.split(key, 2)
    # forward arg: integer LCNS class indices, shape [B, T, H, W]
    inp = jax.random.randint(k1, (128, 32, 16, 16), 0, N_CLASSES).astype(jnp.int32)
    # learned parameters (reset_parameters: normal weights, zero bias)
    weights = jax.random.normal(k2, (N_MAJOR, EMBEDDING_SIZE), dtype=jnp.float32)
    bias = jnp.zeros((N_MAJOR, EMBEDDING_SIZE), dtype=jnp.float32)
    return {"input": inp, "weights": weights, "bias": bias}


def reference(input, weights, bias):
    mapping = jnp.asarray(LEVEL0_CODES, dtype=jnp.int32)
    distances = jnp.asarray(LAND_COVER_INTRA_DISTANCES, dtype=jnp.float32)
    # mapper int path: level0 = mapping[input]  (major class per pixel)
    level0 = jnp.take(mapping, input, axis=0)
    # F.embedding(level0, bias) / F.embedding(level0, weights)
    level0_bias = jnp.take(bias, level0, axis=0)      # [B,T,H,W,E]
    level0_weights = jnp.take(weights, level0, axis=0)  # [B,T,H,W,E]
    # intra-class distance gathered per fine class index
    distance = jnp.take(distances, input, axis=0)[..., None]  # [B,T,H,W,1]
    return level0_bias + distance * level0_weights

if __name__ == "__main__":
    import jax
    _d = setup_inputs()
    print(jax.jit(kernel)(*tuple(_d.values())))

</pallas_src>

<mosaic_0001>
#map = affine_map<(d0, d1) -> (0)>
module attributes {stable_mosaic.version = 14 : i64} {
  func.func @_sc_gather(%arg0: i32, %arg1: i32, %arg2: memref<768xf32, #tpu.memory_space<hbm>>, %arg3: memref<1048576xi32, #tpu.memory_space<hbm>>, %arg4: memref<33554432xf32, #tpu.memory_space<hbm>>, %arg5: memref<768xf32, #tpu.memory_space<vmem>>, %arg6: memref<12288xf32, #tpu.memory_space<vmem>>, %arg7: memref<32768xi32, #tpu.memory_space<vmem>>, %arg8: memref<16384xf32, #tpu.memory_space<vmem>>, %arg9: memref<16384xf32, #tpu.memory_space<vmem>>, %arg10: memref<!tpu.dma_semaphore, #tpu.memory_space<semaphore_mem>>, %arg11: memref<!tpu.dma_semaphore, #tpu.memory_space<semaphore_mem>>, %arg12: memref<!tpu.dma_semaphore, #tpu.memory_space<semaphore_mem>>) attributes {dimension_semantics = [#tpu.dimension_semantics<core_parallel>, #tpu.dimension_semantics<subcore_parallel>], iteration_bounds = array<i64: 2, 16>, scalar_prefetch = 0 : i64, scratch_operands = 8 : i64, tpu.core_type = #tpu.core_type<sc_vector_subcore>, window_params = [{transform_indices = #map}, {transform_indices = #map}, {transform_indices = #map}]} {
    %mul3A = arith.constant 2 : i32
    %mul3A_0 = arith.muli %arg1, %mul3A : i32
    %add3A = arith.addi %mul3A_0, %arg0 : i32
    %mul3A_1 = arith.constant 32768 : i32
    %mul3A_2 = arith.muli %add3A, %mul3A_1 : i32
    %dma_start3A = tpu.memref_slice %arg3[%mul3A_2] : memref<1048576xi32, #tpu.memory_space<hbm>> -> memref<32768xi32, #tpu.memory_space<hbm>>
    %dma_start3A_3 = tpu.memref_slice %arg3[%mul3A_2] : memref<1048576xi32, #tpu.memory_space<hbm>> -> memref<32768xi32, #tpu.memory_space<hbm>>
    tpu.enqueue_dma source(%dma_start3A_3 : memref<32768xi32, #tpu.memory_space<hbm>>) target(%arg7 : memref<32768xi32, #tpu.memory_space<vmem>>) target_semaphore(%arg10 : memref<!tpu.dma_semaphore, #tpu.memory_space<semaphore_mem>>)
    "tpu.region"() ({
      %run_scoped3A = tpu.sem_alloc : memref<!tpu.dma_semaphore, #tpu.memory_space<semaphore_mem>>
      tpu.enqueue_dma source(%arg2 : memref<768xf32, #tpu.memory_space<hbm>>) target(%arg5 : memref<768xf32, #tpu.memory_space<vmem>>) target_semaphore(%run_scoped3A : memref<!tpu.dma_semaphore, #tpu.memory_space<semaphore_mem>>)
      tpu.wait_dma2 semaphore(%run_scoped3A : memref<!tpu.dma_semaphore, #tpu.memory_space<semaphore_mem>>) src(%arg2 : memref<768xf32, #tpu.memory_space<hbm>>) dst(%arg5 : memref<768xf32, #tpu.memory_space<vmem>>)
      tpu.yield
    }) : () -> ()
    %parallel_loop3A = arith.constant 0 : i32
    %parallel_loop3A_4 = arith.constant 48 : i32
    %parallel_loop3A_5 = arith.constant 1 : i32
    scf.for %parallel_loop3A_28 = %parallel_loop3A to %parallel_loop3A_4 step %parallel_loop3A_5  : i32 {
      %parallel_loop3A_29 = arith.constant 16 : i32
      %parallel_loop3A_30 = arith.muli %parallel_loop3A_28, %parallel_loop3A_29 : i32
      %parallel_loop3A_31 = arith.index_cast %parallel_loop3A_30 : i32 to index
      %parallel_loop3A_32 = tpu.vector_load %arg5[%parallel_loop3A_31] {strides = array<i32>} : memref<768xf32, #tpu.memory_space<vmem>>, vector<16xf32>,
      %parallel_loop3A_33 = arith.constant 16 : i32
      %parallel_loop3A_34 = arith.muli %parallel_loop3A_28, %parallel_loop3A_33 : i32
      %parallel_loop3A_35 = arith.constant 0 : i32
      %parallel_loop3A_36 = arith.addi %parallel_loop3A_34, %parallel_loop3A_35 : i32
      %parallel_loop3A_37 = arith.constant 5 : i32
      %parallel_loop3A_38 = arith.shrsi %parallel_loop3A_36, %parallel_loop3A_37 : i32
      %parallel_loop3A_39 = arith.constant 31 : i32
      %parallel_loop3A_40 = arith.andi %parallel_loop3A_36, %parallel_loop3A_39 : i32
      %parallel_loop3A_41 = arith.constant 0.000000e+00 : f32
      %parallel_loop3A_42 = vector.broadcast %parallel_loop3A_41 : f32 to vector<16xf32>
      %parallel_loop3A_43 = vector.extract_strided_slice %parallel_loop3A_32 {offsets = [0], sizes = [1], strides = [1]} : vector<16xf32> to vector<1xf32>
      %parallel_loop3A_44 = vector.extract %parallel_loop3A_43[0] : f32 from vector<1xf32>
      %parallel_loop3A_45 = vector.broadcast %parallel_loop3A_44 : f32 to vector<16xf32>
      %parallel_loop3A_46 = arith.addf %parallel_loop3A_42, %parallel_loop3A_45 : vector<16xf32>
      %parallel_loop3A_47 = arith.constant 24 : i32
      %parallel_loop3A_48 = arith.muli %parallel_loop3A_40, %parallel_loop3A_47 : i32
      %parallel_loop3A_49 = arith.addi %parallel_loop3A_48, %parallel_loop3A_38 : i32
      %parallel_loop3A_50 = arith.constant 16 : i32
      %parallel_loop3A_51 = arith.muli %parallel_loop3A_49, %parallel_loop3A_50 : i32
      %parallel_loop3A_52 = arith.index_cast %parallel_loop3A_51 : i32 to index
      %parallel_loop3A_53 = tpu.vector_load %arg6[%parallel_loop3A_52] {strides = array<i32>} : memref<12288xf32, #tpu.memory_space<vmem>>, vector<16xf32>,
      tpu.vector_store %arg6[%parallel_loop3A_52], %parallel_loop3A_46 {strides = array<i32>} : memref<12288xf32, #tpu.memory_space<vmem>>, vector<16xf32>,
      %parallel_loop3A_54 = arith.constant 16 : i32
      %parallel_loop3A_55 = arith.muli %parallel_loop3A_28, %parallel_loop3A_54 : i32
      %parallel_loop3A_56 = arith.constant 1 : i32
      %parallel_loop3A_57 = arith.addi %parallel_loop3A_55, %parallel_loop3A_56 : i32
      %parallel_loop3A_58 = arith.constant 5 : i32
      %parallel_loop3A_59 = arith.shrsi %parallel_loop3A_57, %parallel_loop3A_58 : i32
      %parallel_loop3A_60 = arith.constant 31 : i32
      %parallel_loop3A_61 = arith.andi %parallel_loop3A_57, %parallel_loop3A_60 : i32
      %parallel_loop3A_62 = arith.constant 0.000000e+00 : f32
      %parallel_loop3A_63 = vector.broadcast %parallel_loop3A_62 : f32 to vector<16xf32>
      %parallel_loop3A_64 = vector.extract_strided_slice %parallel_loop3A_32 {offsets = [1], sizes = [1], strides = [1]} : vector<16xf32> to vector<1xf32>
      %parallel_loop3A_65 = vector.extract %parallel_loop3A_64[0] : f32 from vector<1xf32>
      %parallel_loop3A_66 = vector.broadcast %parallel_loop3A_65 : f32 to vector<16xf32>
      %parallel_loop3A_67 = arith.addf %parallel_loop3A_63, %parallel_loop3A_66 : vector<16xf32>
      %parallel_loop3A_68 = arith.constant 24 : i32
      %parallel_loop3A_69 = arith.muli %parallel_loop3A_61, %parallel_loop3A_68 : i32
      %parallel_loop3A_70 = arith.addi %parallel_loop3A_69, %parallel_loop3A_59 : i32
      %parallel_loop3A_71 = arith.constant 16 : i32
      %parallel_loop3A_72 = arith.muli %parallel_loop3A_70, %parallel_loop3A_71 : i32
      %parallel_loop3A_73 = arith.index_cast %parallel_loop3A_72 : i32 to index
      %parallel_loop3A_74 = tpu.vector_load %arg6[%parallel_loop3A_73] {strides = array<i32>} : memref<12288xf32, #tpu.memory_space<vmem>>, vector<16xf32>,
      tpu.vector_store %arg6[%parallel_loop3A_73], %parallel_loop3A_67 {strides = array<i32>} : memref<12288xf32, #tpu.memory_space<vmem>>, vector<16xf32>,
      %parallel_loop3A_75 = arith.constant 16 : i32
      %parallel_loop3A_76 = arith.muli %parallel_loop3A_28, %parallel_loop3A_75 : i32
      %parallel_loop3A_77 = arith.constant 2 : i32
      %parallel_loop3A_78 = arith.addi %parallel_loop3A_76, %parallel_loop3A_77 : i32
      %parallel_loop3A_79 = arith.constant 5 : i32
      %parallel_loop3A_80 = arith.shrsi %parallel_loop3A_78, %parallel_loop3A_79 : i32
      %parallel_loop3A_81 = arith.constant 31 : i32
      %parallel_loop3A_82 = arith.andi %parallel_loop3A_78, %parallel_loop3A_81 : i32
      %parallel_loop3A_83 = arith.constant 0.000000e+00 : f32
      %parallel_loop3A_84 = vector.broadcast %parallel_loop3A_83 : f32 to vector<16xf32>
      %parallel_loop3A_85 = vector.extract_strided_slice %parallel_loop3A_32 {offsets = [2], sizes = [1], strides = [1]} : vector<16xf32> to vector<1xf32>
      %parallel_loop3A_86 = vector.extract %parallel_loop3A_85[0] : f32 from vector<1xf32>
      %parallel_loop3A_87 = vector.broadcast %parallel_loop3A_86 : f32 to vector<16xf32>
      %parallel_loop3A_88 = arith.addf %parallel_loop3A_84, %parallel_loop3A_87 : vector<16xf32>
      %parallel_loop3A_89 = arith.constant 24 : i32
      %parallel_loop3A_90 = arith.muli %parallel_loop3A_82, %parallel_loop3A_89 : i32
      %parallel_loop3A_91 = arith.addi %parallel_loop3A_90, %parallel_loop3A_80 : i32
      %parallel_loop3A_92 = arith.constant 16 : i32
      %parallel_loop3A_93 = arith.muli %parallel_loop3A_91, %parallel_loop3A_92 : i32
      %parallel_loop3A_94 = arith.index_cast %parallel_loop3A_93 : i32 to index
      %parallel_loop3A_95 = tpu.vector_load %arg6[%parallel_loop3A_94] {strides = array<i32>} : memref<12288xf32, #tpu.memory_space<vmem>>, vector<16xf32>,
      tpu.vector_store %arg6[%parallel_loop3A_94], %parallel_loop3A_88 {strides = array<i32>} : memref<12288xf32, #tpu.memory_space<vmem>>, vector<16xf32>,
      %parallel_loop3A_96 = arith.constant 16 : i32
      %parallel_loop3A_97 = arith.muli %parallel_loop3A_28, %parallel_loop3A_96 : i32
      %parallel_loop3A_98 = arith.constant 3 : i32
      %parallel_loop3A_99 = arith.addi %parallel_loop3A_97, %parallel_loop3A_98 : i32
      %parallel_loop3A_100 = arith.constant 5 : i32
      %parallel_loop3A_101 = arith.shrsi %parallel_loop3A_99, %parallel_loop3A_100 : i32
      %parallel_loop3A_102 = arith.constant 31 : i32
      %parallel_loop3A_103 = arith.andi %parallel_loop3A_99, %parallel_loop3A_102 : i32
      %parallel_loop3A_104 = arith.constant 0.000000e+00 : f32
      %parallel_loop3A_105 = vector.broadcast %parallel_loop3A_104 : f32 to vector<16xf32>
      %parallel_loop3A_106 = vector.extract_strided_slice %parallel_loop3A_32 {offsets = [3], sizes = [1], strides = [1]} : vector<16xf32> to vector<1xf32>
      %parallel_loop3A_107 = vector.extract %parallel_loop3A_106[0] : f32 from vector<1xf32>
      %parallel_loop3A_108 = vector.broadcast %parallel_loop3A_107 : f32 to vector<16xf32>
      %parallel_loop3A_109 = arith.addf %parallel_loop3A_105, %parallel_loop3A_108 : vector<16xf32>
      %parallel_loop3A_110 = arith.constant 24 : i32
      %parallel_loop3A_111 = arith.muli %parallel_loop3A_103, %parallel_loop3A_110 : i32
      %parallel_loop3A_112 = arith.addi %parallel_loop3A_111, %parallel_loop3A_101 : i32
      %parallel_loop3A_113 = arith.constant 16 : i32
      %parallel_loop3A_114 = arith.muli %parallel_loop3A_112, %parallel_loop3A_113 : i32
      %parallel_loop3A_115 = arith.index_cast %parallel_loop3A_114 : i32 to index
      %parallel_loop3A_116 = tpu.vector_load %arg6[%parallel_loop3A_115] {strides = array<i32>} : memref<12288xf32, #tpu.memory_space<vmem>>, vector<16xf32>,
      tpu.vector_store %arg6[%parallel_loop3A_115], %parallel_loop3A_109 {strides = array<i32>} : memref<12288xf32, #tpu.memory_space<vmem>>, vector<16xf32>,
      %parallel_loop3A_117 = arith.constant 16 : i32
      %parallel_loop3A_118 = arith.muli %parallel_loop3A_28, %parallel_loop3A_117 : i32
      %parallel_loop3A_119 = arith.constant 4 : i32
      %parallel_loop3A_120 = arith.addi %parallel_loop3A_118, %parallel_loop3A_119 : i32
      %parallel_loop3A_121 = arith.constant 5 : i32
      %parallel_loop3A_122 = arith.shrsi %parallel_loop3A_120, %parallel_loop3A_121 : i32
      %parallel_loop3A_123 = arith.constant 31 : i32
      %parallel_loop3A_124 = arith.andi %parallel_loop3A_120, %parallel_loop3A_123 : i32
      %parallel_loop3A_125 = arith.constant 0.000000e+00 : f32
      %parallel_loop3A_126 = vector.broadcast %parallel_loop3A_125 : f32 to vector<16xf32>
      %parallel_loop3A_127 = vector.extract_strided_slice %parallel_loop3A_32 {offsets = [4], sizes = [1], strides = [1]} : vector<16xf32> to vector<1xf32>
      %parallel_loop3A_128 = vector.extract %parallel_loop3A_127[0] : f32 from vector<1xf32>
      %parallel_loop3A_129 = vector.broadcast %parallel_loop3A_128 : f32 to vector<16xf32>
      %parallel_loop3A_130 = arith.addf %parallel_loop3A_126, %parallel_loop3A_129 : vector<16xf32>
      %parallel_loop3A_131 = arith.constant 24 : i32
      %parallel_loop3A_132 = arith.muli %parallel_loop3A_124, %parallel_loop3A_131 : i32
      %parallel_loop3A_133 = arith.addi %parallel_loop3A_132, %parallel_loop3A_122 : i32
      %parallel_loop3A_134 = arith.constant 16 : i32
      %parallel_loop3A_135 = arith.muli %parallel_loop3A_133, %parallel_loop3A_134 : i32
      %parallel_loop3A_136 = arith.index_cast %parallel_loop3A_135 : i32 to index
      %parallel_loop3A_137 = tpu.vector_load %arg6[%parallel_loop3A_136] {strides = array<i32>} : memref<12288xf32, #tpu.memory_space<vmem>>, vector<16xf32>,
      tpu.vector_store %arg6[%parallel_loop3A_136], %parallel_loop3A_130 {strides = array<i32>} : memref<12288xf32, #tpu.memory_space<vmem>>, vector<16xf32>,
      %parallel_loop3A_138 = arith.constant 16 : i32
      %parallel_loop3A_139 = arith.muli %parallel_loop3A_28, %parallel_loop3A_138 : i32
      %parallel_loop3A_140 = arith.constant 5 : i32
      %parallel_loop3A_141 = arith.addi %parallel_loop3A_139, %parallel_loop3A_140 : i32
      %parallel_loop3A_142 = arith.constant 5 : i32
      %parallel_loop3A_143 = arith.shrsi %parallel_loop3A_141, %parallel_loop3A_142 : i32
      %parallel_loop3A_144 = arith.constant 31 : i32
      %parallel_loop3A_145 = arith.andi %parallel_loop3A_141, %parallel_loop3A_144 : i32
      %parallel_loop3A_146 = arith.constant 0.000000e+00 : f32
      %parallel_loop3A_147 = vector.broadcast %parallel_loop3A_146 : f32 to vector<16xf32>
      %parallel_loop3A_148 = vector.extract_strided_slice %parallel_loop3A_32 {offsets = [5], sizes = [1], strides = [1]} : vector<16xf32> to vector<1xf32>
      %parallel_loop3A_149 = vector.extract %parallel_loop3A_148[0] : f32 from vector<1xf32>
      %parallel_loop3A_150 = vector.broadcast %parallel_loop3A_149 : f32 to vector<16xf32>
      %parallel_loop3A_151 = arith.addf %parallel_loop3A_147, %parallel_loop3A_150 : vector<16xf32>
      %parallel_loop3A_152 = arith.constant 24 : i32
      %parallel_loop3A_153 = arith.muli %parallel_loop3A_145, %parallel_loop3A_152 : i32
      %parallel_loop3A_154 = arith.addi %parallel_loop3A_153, %parallel_loop3A_143 : i32
      %parallel_loop3A_155 = arith.constant 16 : i32
      %parallel_loop3A_156 = arith.muli %parallel_loop3A_154, %parallel_loop3A_155 : i32
      %parallel_loop3A_157 = arith.index_cast %parallel_loop3A_156 : i32 to index
      %parallel_loop3A_158 = tpu.vector_load %arg6[%parallel_loop3A_157] {strides = array<i32>} : memref<12288xf32, #tpu.memory_space<vmem>>, vector<16xf32>,
      tpu.vector_store %arg6[%parallel_loop3A_157], %parallel_loop3A_151 {strides = array<i32>} : memref<12288xf32, #tpu.memory_space<vmem>>, vector<16xf32>,
      %parallel_loop3A_159 = arith.constant 16 : i32
      %parallel_loop3A_160 = arith.muli %parallel_loop3A_28, %parallel_loop3A_159 : i32
      %parallel_loop3A_161 = arith.constant 6 : i32
      %parallel_loop3A_162 = arith.addi %parallel_loop3A_160, %parallel_loop3A_161 : i32
      %parallel_loop3A_163 = arith.constant 5 : i32
      %parallel_loop3A_164 = arith.shrsi %parallel_loop3A_162, %parallel_loop3A_163 : i32
      %parallel_loop3A_165 = arith.constant 31 : i32
      %parallel_loop3A_166 = arith.andi %parallel_loop3A_162, %parallel_loop3A_165 : i32
      %parallel_loop3A_167 = arith.constant 0.000000e+00 : f32
      %parallel_loop3A_168 = vector.broadcast %parallel_loop3A_167 : f32 to vector<16xf32>
      %parallel_loop3A_169 = vector.extract_strided_slice %parallel_loop3A_32 {offsets = [6], sizes = [1], strides = [1]} : vector<16xf32> to vector<1xf32>
      %parallel_loop3A_170 = vector.extract %parallel_loop3A_169[0] : f32 from vector<1xf32>
      %parallel_loop3A_171 = vector.broadcast %parallel_loop3A_170 : f32 to vector<16xf32>
      %parallel_loop3A_172 = arith.addf %parallel_loop3A_168, %parallel_loop3A_171 : vector<16xf32>
      %parallel_loop3A_173 = arith.constant 24 : i32
      %parallel_loop3A_174 = arith.muli %parallel_loop3A_166, %parallel_loop3A_173 : i32
      %parallel_loop3A_175 = arith.addi %parallel_loop3A_174, %parallel_loop3A_164 : i32
      %parallel_loop3A_176 = arith.constant 16 : i32
      %parallel_loop3A_177 = arith.muli %parallel_loop3A_175, %parallel_loop3A_176 : i32
      %parallel_loop3A_178 = arith.index_cast %parallel_loop3A_177 : i32 to index
      %parallel_loop3A_179 = tpu.vector_load %arg6[%parallel_loop3A_178] {strides = array<i32>} : memref<12288xf32, #tpu.memory_space<vmem>>, vector<16xf32>,
      tpu.vector_store %arg6[%parallel_loop3A_178], %parallel_loop3A_172 {strides = array<i32>} : memref<12288xf32, #tpu.memory_space<vmem>>, vector<16xf32>,
      %parallel_loop3A_180 = arith.constant 16 : i32
      %parallel_loop3A_181 = arith.muli %parallel_loop3A_28, %parallel_loop3A_180 : i32
      %parallel_loop3A_182 = arith.constant 7 : i32
      %parallel_loop3A_183 = arith.addi %parallel_loop3A_181, %parallel_loop3A_182 : i32
      %parallel_loop3A_184 = arith.constant 5 : i32
      %parallel_loop3A_185 = arith.shrsi %parallel_loop3A_183, %parallel_loop3A_184 : i32
      %parallel_loop3A_186 = arith.constant 31 : i32
      %parallel_loop3A_187 = arith.andi %parallel_loop3A_183, %parallel_loop3A_186 : i32
      %parallel_loop3A_188 = arith.constant 0.000000e+00 : f32
      %parallel_loop3A_189 = vector.broadcast %parallel_loop3A_188 : f32 to vector<16xf32>
      %parallel_loop3A_190 = vector.extract_strided_slice %parallel_loop3A_32 {offsets = [7], sizes = [1], strides = [1]} : vector<16xf32> to vector<1xf32>
      %parallel_loop3A_191 = vector.extract %parallel_loop3A_190[0] : f32 from vector<1xf32>
      %parallel_loop3A_192 = vector.broadcast %parallel_loop3A_191 : f32 to vector<16xf32>
      %parallel_loop3A_193 = arith.addf %parallel_loop3A_189, %parallel_loop3A_192 : vector<16xf32>
      %parallel_loop3A_194 = arith.constant 24 : i32
      %parallel_loop3A_195 = arith.muli %parallel_loop3A_187, %parallel_loop3A_194 : i32
      %parallel_loop3A_196 = arith.addi %parallel_loop3A_195, %parallel_loop3A_185 : i32
      %parallel_loop3A_197 = arith.constant 16 : i32
      %parallel_loop3A_198 = arith.muli %parallel_loop3A_196, %parallel_loop3A_197 : i32
      %parallel_loop3A_199 = arith.index_cast %parallel_loop3A_198 : i32 to index
      %parallel_loop3A_200 = tpu.vector_load %arg6[%parallel_loop3A_199] {strides = array<i32>} : memref<12288xf32, #tpu.memory_space<vmem>>, vector<16xf32>,
      tpu.vector_store %arg6[%parallel_loop3A_199], %parallel_loop3A_193 {strides = array<i32>} : memref<12288xf32, #tpu.memory_space<vmem>>, vector<16xf32>,
      %parallel_loop3A_201 = arith.constant 16 : i32
      %parallel_loop3A_202 = arith.muli %parallel_loop3A_28, %parallel_loop3A_201 : i32
      %parallel_loop3A_203 = arith.constant 8 : i32
      %parallel_loop3A_204 = arith.addi %parallel_loop3A_202, %parallel_loop3A_203 : i32
      %parallel_loop3A_205 = arith.constant 5 : i32
      %parallel_loop3A_206 = arith.shrsi %parallel_loop3A_204, %parallel_loop3A_205 : i32
      %parallel_loop3A_207 = arith.constant 31 : i32
      %parallel_loop3A_208 = arith.andi %parallel_loop3A_204, %parallel_loop3A_207 : i32
      %parallel_loop3A_209 = arith.constant 0.000000e+00 : f32
      %parallel_loop3A_210 = vector.broadcast %parallel_loop3A_209 : f32 to vector<16xf32>
      %parallel_loop3A_211 = vector.extract_strided_slice %parallel_loop3A_32 {offsets = [8], sizes = [1], strides = [1]} : vector<16xf32> to vector<1xf32>
      %parallel_loop3A_212 = vector.extract %parallel_loop3A_211[0] : f32 from vector<1xf32>
      %parallel_loop3A_213 = vector.broadcast %parallel_loop3A_212 : f32 to vector<16xf32>
      %parallel_loop3A_214 = arith.addf %parallel_loop3A_210, %parallel_loop3A_213 : vector<16xf32>
      %parallel_loop3A_215 = arith.constant 24 : i32
      %parallel_loop3A_216 = arith.muli %parallel_loop3A_208, %parallel_loop3A_215 : i32
      %parallel_loop3A_217 = arith.addi %parallel_loop3A_216, %parallel_loop3A_206 : i32
      %parallel_loop3A_218 = arith.constant 16 : i32
      %parallel_loop3A_219 = arith.muli %parallel_loop3A_217, %parallel_loop3A_218 : i32
      %parallel_loop3A_220 = arith.index_cast %parallel_loop3A_219 : i32 to index
      %parallel_loop3A_221 = tpu.vector_load %arg6[%parallel_loop3A_220] {strides = array<i32>} : memref<12288xf32, #tpu.memory_space<vmem>>, vector<16xf32>,
      tpu.vector_store %arg6[%parallel_loop3A_220], %parallel_loop3A_214 {strides = array<i32>} : memref<12288xf32, #tpu.memory_space<vmem>>, vector<16xf32>,
      %parallel_loop3A_222 = arith.constant 16 : i32
      %parallel_loop3A_223 = arith.muli %parallel_loop3A_28, %parallel_loop3A_222 : i32
      %parallel_loop3A_224 = arith.constant 9 : i32
      %parallel_loop3A_225 = arith.addi %parallel_loop3A_223, %parallel_loop3A_224 : i32
      %parallel_loop3A_226 = arith.constant 5 : i32
      %parallel_loop3A_227 = arith.shrsi %parallel_loop3A_225, %parallel_loop3A_226 : i32
      %parallel_loop3A_228 = arith.constant 31 : i32
      %parallel_loop3A_229 = arith.andi %parallel_loop3A_225, %parallel_loop3A_228 : i32
      %parallel_loop3A_230 = arith.constant 0.000000e+00 : f32
      %parallel_loop3A_231 = vector.broadcast %parallel_loop3A_230 : f32 to vector<16xf32>
      %parallel_loop3A_232 = vector.extract_strided_slice %parallel_loop3A_32 {offsets = [9], sizes = [1], strides = [1]} : vector<16xf32> to vector<1xf32>
      %parallel_loop3A_233 = vector.extract %parallel_loop3A_232[0] : f32 from vector<1xf32>
      %parallel_loop3A_234 = vector.broadcast %parallel_loop3A_233 : f32 to vector<16xf32>
      %parallel_loop3A_235 = arith.addf %parallel_loop3A_231, %parallel_loop3A_234 : vector<16xf32>
      %parallel_loop3A_236 = arith.constant 24 : i32
      %parallel_loop3A_237 = arith.muli %parallel_loop3A_229, %parallel_loop3A_236 : i32
      %parallel_loop3A_238 = arith.addi %parallel_loop3A_237, %parallel_loop3A_227 : i32
      %parallel_loop3A_239 = arith.constant 16 : i32
      %parallel_loop3A_240 = arith.muli %parallel_loop3A_238, %parallel_loop3A_239 : i32
      %parallel_loop3A_241 = arith.index_cast %parallel_loop3A_240 : i32 to index
      %parallel_loop3A_242 = tpu.vector_load %arg6[%parallel_loop3A_241] {strides = array<i32>} : memref<12288xf32, #tpu.memory_space<vmem>>, vector<16xf32>,
      tpu.vector_store %arg6[%parallel_loop3A_241], %parallel_loop3A_235 {strides = array<i32>} : memref<12288xf32, #tpu.memory_space<vmem>>, vector<16xf32>,
      %parallel_loop3A_243 = arith.constant 16 : i32
      %parallel_loop3A_244 = arith.muli %parallel_loop3A_28, %parallel_loop3A_243 : i32
      %parallel_loop3A_245 = arith.constant 10 : i32
      %parallel_loop3A_246 = arith.addi %parallel_loop3A_244, %parallel_loop3A_245 : i32
      %parallel_loop3A_247 = arith.constant 5 : i32
      %parallel_loop3A_248 = arith.shrsi %parallel_loop3A_246, %parallel_loop3A_247 : i32
      %parallel_loop3A_249 = arith.constant 31 : i32
      %parallel_loop3A_250 = arith.andi %parallel_loop3A_246, %parallel_loop3A_249 : i32
      %parallel_loop3A_251 = arith.constant 0.000000e+00 : f32
      %parallel_loop3A_252 = vector.broadcast %parallel_loop3A_251 : f32 to vector<16xf32>
      %parallel_loop3A_253 = vector.extract_strided_slice %parallel_loop3A_32 {offsets = [10], sizes = [1], strides = [1]} : vector<16xf32> to vector<1xf32>
      %parallel_loop3A_254 = vector.extract %parallel_loop3A_253[0] : f32 from vector<1xf32>
      %parallel_loop3A_255 = vector.broadcast %parallel_loop3A_254 : f32 to vector<16xf32>
      %parallel_loop3A_256 = arith.addf %parallel_loop3A_252, %parallel_loop3A_255 : vector<16xf32>
      %parallel_loop3A_257 = arith.constant 24 : i32
      %parallel_loop3A_258 = arith.muli %parallel_loop3A_250, %parallel_loop3A_257 : i32
      %parallel_loop3A_259 = arith.addi %parallel_loop3A_258, %parallel_loop3A_248 : i32
      %parallel_loop3A_260 = arith.constant 16 : i32
      %parallel_loop3A_261 = arith.muli %parallel_loop3A_259, %parallel_loop3A_260 : i32
      %parallel_loop3A_262 = arith.index_cast %parallel_loop3A_261 : i32 to index
      %parallel_loop3A_263 = tpu.vector_load %arg6[%parallel_loop3A_262] {strides = array<i32>} : memref<12288xf32, #tpu.memory_space<vmem>>, vector<16xf32>,
      tpu.vector_store %arg6[%parallel_loop3A_262], %parallel_loop3A_256 {strides = array<i32>} : memref<12288xf32, #tpu.memory_space<vmem>>, vector<16xf32>,
      %parallel_loop3A_264 = arith.constant 16 : i32
      %parallel_loop3A_265 = arith.muli %parallel_loop3A_28, %parallel_loop3A_264 : i32
      %parallel_loop3A_266 = arith.constant 11 : i32
      %parallel_loop3A_267 = arith.addi %parallel_loop3A_265, %parallel_loop3A_266 : i32
      %parallel_loop3A_268 = arith.constant 5 : i32
      %parallel_loop3A_269 = arith.shrsi %parallel_loop3A_267, %parallel_loop3A_268 : i32
      %parallel_loop3A_270 = arith.constant 31 : i32
      %parallel_loop3A_271 = arith.andi %parallel_loop3A_267, %parallel_loop3A_270 : i32
      %parallel_loop3A_272 = arith.constant 0.000000e+00 : f32
      %parallel_loop3A_273 = vector.broadcast %parallel_loop3A_272 : f32 to vector<16xf32>
      %parallel_loop3A_274 = vector.extract_strided_slice %parallel_loop3A_32 {offsets = [11], sizes = [1], strides = [1]} : vector<16xf32> to vector<1xf32>
      %parallel_loop3A_275 = vector.extract %parallel_loop3A_274[0] : f32 from vector<1xf32>
      %parallel_loop3A_276 = vector.broadcast %parallel_loop3A_275 : f32 to vector<16xf32>
      %parallel_loop3A_277 = arith.addf %parallel_loop3A_273, %parallel_loop3A_276 : vector<16xf32>
      %parallel_loop3A_278 = arith.constant 24 : i32
      %parallel_loop3A_279 = arith.muli %parallel_loop3A_271, %parallel_loop3A_278 : i32
      %parallel_loop3A_280 = arith.addi %parallel_loop3A_279, %parallel_loop3A_269 : i32
      %parallel_loop3A_281 = arith.constant 16 : i32
      %parallel_loop3A_282 = arith.muli %parallel_loop3A_280, %parallel_loop3A_281 : i32
      %parallel_loop3A_283 = arith.index_cast %parallel_loop3A_282 : i32 to index
      %parallel_loop3A_284 = tpu.vector_load %arg6[%parallel_loop3A_283] {strides = array<i32>} : memref<12288xf32, #tpu.memory_space<vmem>>, vector<16xf32>,
      tpu.vector_store %arg6[%parallel_loop3A_283], %parallel_loop3A_277 {strides = array<i32>} : memref<12288xf32, #tpu.memory_space<vmem>>, vector<16xf32>,
      %parallel_loop3A_285 = arith.constant 16 : i32
      %parallel_loop3A_286 = arith.muli %parallel_loop3A_28, %parallel_loop3A_285 : i32
      %parallel_loop3A_287 = arith.constant 12 : i32
      %parallel_loop3A_288 = arith.addi %parallel_loop3A_286, %parallel_loop3A_287 : i32
      %parallel_loop3A_289 = arith.constant 5 : i32
      %parallel_loop3A_290 = arith.shrsi %parallel_loop3A_288, %parallel_loop3A_289 : i32
      %parallel_loop3A_291 = arith.constant 31 : i32
      %parallel_loop3A_292 = arith.andi %parallel_loop3A_288, %parallel_loop3A_291 : i32
      %parallel_loop3A_293 = arith.constant 0.000000e+00 : f32
      %parallel_loop3A_294 = vector.broadcast %parallel_loop3A_293 : f32 to vector<16xf32>
      %parallel_loop3A_295 = vector.extract_strided_slice %parallel_loop3A_32 {offsets = [12], sizes = [1], strides = [1]} : vector<16xf32> to vector<1xf32>
      %parallel_loop3A_296 = vector.extract %parallel_loop3A_295[0] : f32 from vector<1xf32>
      %parallel_loop3A_297 = vector.broadcast %parallel_loop3A_296 : f32 to vector<16xf32>
      %parallel_loop3A_298 = arith.addf %parallel_loop3A_294, %parallel_loop3A_297 : vector<16xf32>
      %parallel_loop3A_299 = arith.constant 24 : i32
      %parallel_loop3A_300 = arith.muli %parallel_loop3A_292, %parallel_loop3A_299 : i32
      %parallel_loop3A_301 = arith.addi %parallel_loop3A_300, %parallel_loop3A_290 : i32
      %parallel_loop3A_302 = arith.constant 16 : i32
      %parallel_loop3A_303 = arith.muli %parallel_loop3A_301, %parallel_loop3A_302 : i32
      %parallel_loop3A_304 = arith.index_cast %parallel_loop3A_303 : i32 to index
      %parallel_loop3A_305 = tpu.vector_load %arg6[%parallel_loop3A_304] {strides = array<i32>} : memref<12288xf32, #tpu.memory_space<vmem>>, vector<16xf32>,
      tpu.vector_store %arg6[%parallel_loop3A_304], %parallel_loop3A_298 {strides = array<i32>} : memref<12288xf32, #tpu.memory_space<vmem>>, vector<16xf32>,
      %parallel_loop3A_306 = arith.constant 16 : i32
      %parallel_loop3A_307 = arith.muli %parallel_loop3A_28, %parallel_loop3A_306 : i32
      %parallel_loop3A_308 = arith.constant 13 : i32
      %parallel_loop3A_309 = arith.addi %parallel_loop3A_307, %parallel_loop3A_308 : i32
      %parallel_loop3A_310 = arith.constant 5 : i32
      %parallel_loop3A_311 = arith.shrsi %parallel_loop3A_309, %parallel_loop3A_310 : i32
      %parallel_loop3A_312 = arith.constant 31 : i32
      %parallel_loop3A_313 = arith.andi %parallel_loop3A_309, %parallel_loop3A_312 : i32
      %parallel_loop3A_314 = arith.constant 0.000000e+00 : f32
      %parallel_loop3A_315 = vector.broadcast %parallel_loop3A_314 : f32 to vector<16xf32>
      %parallel_loop3A_316 = vector.extract_strided_slice %parallel_loop3A_32 {offsets = [13], sizes = [1], strides = [1]} : vector<16xf32> to vector<1xf32>
      %parallel_loop3A_317 = vector.extract %parallel_loop3A_316[0] : f32 from vector<1xf32>
      %parallel_loop3A_318 = vector.broadcast %parallel_loop3A_317 : f32 to vector<16xf32>
      %parallel_loop3A_319 = arith.addf %parallel_loop3A_315, %parallel_loop3A_318 : vector<16xf32>
      %parallel_loop3A_320 = arith.constant 24 : i32
      %parallel_loop3A_321 = arith.muli %parallel_loop3A_313, %parallel_loop3A_320 : i32
      %parallel_loop3A_322 = arith.addi %parallel_loop3A_321, %parallel_loop3A_311 : i32
      %parallel_loop3A_323 = arith.constant 16 : i32
      %parallel_loop3A_324 = arith.muli %parallel_loop3A_322, %parallel_loop3A_323 : i32
      %parallel_loop3A_325 = arith.index_cast %parallel_loop3A_324 : i32 to index
      %parallel_loop3A_326 = tpu.vector_load %arg6[%parallel_loop3A_325] {strides = array<i32>} : memref<12288xf32, #tpu.memory_space<vmem>>, vector<16xf32>,
      tpu.vector_store %arg6[%parallel_loop3A_325], %parallel_loop3A_319 {strides = array<i32>} : memref<12288xf32, #tpu.memory_space<vmem>>, vector<16xf32>,
      %parallel_loop3A_327 = arith.constant 16 : i32
      %parallel_loop3A_328 = arith.muli %parallel_loop3A_28, %parallel_loop3A_327 : i32
      %parallel_loop3A_329 = arith.constant 14 : i32
      %parallel_loop3A_330 = arith.addi %parallel_loop3A_328, %parallel_loop3A_329 : i32
      %parallel_loop3A_331 = arith.constant 5 : i32
      %parallel_loop3A_332 = arith.shrsi %parallel_loop3A_330, %parallel_loop3A_331 : i32
      %parallel_loop3A_333 = arith.constant 31 : i32
      %parallel_loop3A_334 = arith.andi %parallel_loop3A_330, %parallel_loop3A_333 : i32
      %parallel_loop3A_335 = arith.constant 0.000000e+00 : f32
      %parallel_loop3A_336 = vector.broadcast %parallel_loop3A_335 : f32 to vector<16xf32>
      %parallel_loop3A_337 = vector.extract_strided_slice %parallel_loop3A_32 {offsets = [14], sizes = [1], strides = [1]} : vector<16xf32> to vector<1xf32>
      %parallel_loop3A_338 = vector.extract %parallel_loop3A_337[0] : f32 from vector<1xf32>
      %parallel_loop3A_339 = vector.broadcast %parallel_loop3A_338 : f32 to vector<16xf32>
      %parallel_loop3A_340 = arith.addf %parallel_loop3A_336, %parallel_loop3A_339 : vector<16xf32>
      %parallel_loop3A_341 = arith.constant 24 : i32
      %parallel_loop3A_342 = arith.muli %parallel_loop3A_334, %parallel_loop3A_341 : i32
      %parallel_loop3A_343 = arith.addi %parallel_loop3A_342, %parallel_loop3A_332 : i32
      %parallel_loop3A_344 = arith.constant 16 : i32
      %parallel_loop3A_345 = arith.muli %parallel_loop3A_343, %parallel_loop3A_344 : i32
      %parallel_loop3A_346 = arith.index_cast %parallel_loop3A_345 : i32 to index
      %parallel_loop3A_347 = tpu.vector_load %arg6[%parallel_loop3A_346] {strides = array<i32>} : memref<12288xf32, #tpu.memory_space<vmem>>, vector<16xf32>,
      tpu.vector_store %arg6[%parallel_loop3A_346], %parallel_loop3A_340 {strides = array<i32>} : memref<12288xf32, #tpu.memory_space<vmem>>, vector<16xf32>,
      %parallel_loop3A_348 = arith.constant 16 : i32
      %parallel_loop3A_349 = arith.muli %parallel_loop3A_28, %parallel_loop3A_348 : i32
      %parallel_loop3A_350 = arith.constant 15 : i32
      %parallel_loop3A_351 = arith.addi %parallel_loop3A_349, %parallel_loop3A_350 : i32
      %parallel_loop3A_352 = arith.constant 5 : i32
      %parallel_loop3A_353 = arith.shrsi %parallel_loop3A_351, %parallel_loop3A_352 : i32
      %parallel_loop3A_354 = arith.constant 31 : i32
      %parallel_loop3A_355 = arith.andi %parallel_loop3A_351, %parallel_loop3A_354 : i32
      %parallel_loop3A_356 = arith.constant 0.000000e+00 : f32
      %parallel_loop3A_357 = vector.broadcast %parallel_loop3A_356 : f32 to vector<16xf32>
      %parallel_loop3A_358 = vector.extract_strided_slice %parallel_loop3A_32 {offsets = [15], sizes = [1], strides = [1]} : vector<16xf32> to vector<1xf32>
      %parallel_loop3A_359 = vector.extract %parallel_loop3A_358[0] : f32 from vector<1xf32>
      %parallel_loop3A_360 = vector.broadcast %parallel_loop3A_359 : f32 to vector<16xf32>
      %parallel_loop3A_361 = arith.addf %parallel_loop3A_357, %parallel_loop3A_360 : vector<16xf32>
      %parallel_loop3A_362 = arith.constant 24 : i32
      %parallel_loop3A_363 = arith.muli %parallel_loop3A_355, %parallel_loop3A_362 : i32
      %parallel_loop3A_364 = arith.addi %parallel_loop3A_363, %parallel_loop3A_353 : i32
      %parallel_loop3A_365 = arith.constant 16 : i32
      %parallel_loop3A_366 = arith.muli %parallel_loop3A_364, %parallel_loop3A_365 : i32
      %parallel_loop3A_367 = arith.index_cast %parallel_loop3A_366 : i32 to index
      %parallel_loop3A_368 = tpu.vector_load %arg6[%parallel_loop3A_367] {strides = array<i32>} : memref<12288xf32, #tpu.memory_space<vmem>>, vector<16xf32>,
      tpu.vector_store %arg6[%parallel_loop3A_367], %parallel_loop3A_361 {strides = array<i32>} : memref<12288xf32, #tpu.memory_space<vmem>>, vector<16xf32>,
    } {sc.loop_unroll_factor = 1 : i64, sc.parallel_access}
    %dma_wait3A = tpu.memref_slice %arg3[%mul3A_2] : memref<1048576xi32, #tpu.memory_space<hbm>> -> memref<32768xi32, #tpu.memory_space<hbm>>
    %dma_wait3A_6 = tpu.memref_slice %arg3[%mul3A_2] : memref<1048576xi32, #tpu.memory_space<hbm>> -> memref<32768xi32, #tpu.memory_space<hbm>>
    tpu.wait_dma2 semaphore(%arg10 : memref<!tpu.dma_semaphore, #tpu.memory_space<semaphore_mem>>) src(%dma_wait3A_6 : memref<32768xi32, #tpu.memory_space<hbm>>) dst(%arg7 : memref<32768xi32, #tpu.memory_space<vmem>>)
    %scan3A = arith.constant 0 : i32
    %scan3A_7 = arith.constant 0 : i32
    %scan3A_8 = arith.constant 32 : i32
    %scan3A_9 = arith.addi %scan3A_7, %scan3A_8 : i32
    %scan3A_10 = arith.constant 1 : i32
    scf.for %scan3A_28 = %scan3A_7 to %scan3A_9 step %scan3A_10  : i32 {
      %mul3A_29 = arith.constant 2 : i32
      %mul3A_30 = arith.muli %scan3A_28, %mul3A_29 : i32
      %add3A_31 = arith.constant 0 : i32
      %add3A_32 = arith.addi %mul3A_30, %add3A_31 : i32
      %gt3A = arith.constant 0 : i32
      %gt3A_33 = arith.cmpi sgt, %scan3A_28, %gt3A : i32
      %convert_element_type3A = arith.extui %gt3A_33 : i1 to i32
      %cond3A = arith.constant 0 : i32
      %cond3A_34 = arith.cmpi ne, %convert_element_type3A, %cond3A : i32
      scf.if %cond3A_34 {
        %sub3A = arith.constant 2 : i32
        %sub3A_73 = arith.subi %add3A_32, %sub3A : i32
        %mul3A_74 = arith.constant 256 : i32
        %mul3A_75 = arith.muli %add3A, %mul3A_74 : i32
        %mul3A_76 = arith.constant 4 : i32
        %mul3A_77 = arith.muli %sub3A_73, %mul3A_76 : i32
        %add3A_78 = arith.addi %mul3A_75, %mul3A_77 : i32
        %mul3A_79 = arith.constant 4096 : i32
        %mul3A_80 = arith.muli %add3A_78, %mul3A_79 : i32
        %dma_wait3A_81 = tpu.memref_slice %arg4[%mul3A_80] : memref<33554432xf32, #tpu.memory_space<hbm>> -> memref<16384xf32, #tpu.memory_space<hbm>>
        %dma_wait3A_82 = tpu.memref_slice %arg4[%mul3A_80] : memref<33554432xf32, #tpu.memory_space<hbm>> -> memref<16384xf32, #tpu.memory_space<hbm>>
        tpu.wait_dma2 semaphore(%arg11 : memref<!tpu.dma_semaphore, #tpu.memory_space<semaphore_mem>>) src(%arg8 : memref<16384xf32, #tpu.memory_space<vmem>>) dst(%dma_wait3A_82 : memref<16384xf32, #tpu.memory_space<hbm>>)
      } else {
      }
      %mul3A_35 = arith.constant 4 : i32
      %mul3A_36 = arith.muli %add3A_32, %mul3A_35 : i32
      %iota3A = tpu.iota {dimensions = array<i32: 0>} : vector<16xi32>
      %parallel_loop3A_37 = arith.constant 0 : i32
      %parallel_loop3A_38 = arith.constant 32 : i32
      %parallel_loop3A_39 = arith.constant 1 : i32
      scf.for %parallel_loop3A_73 = %parallel_loop3A_37 to %parallel_loop3A_38 step %parallel_loop3A_39  : i32 {
        %parallel_loop3A_74 = arith.constant 3 : i32
        %parallel_loop3A_75 = arith.shrsi %parallel_loop3A_73, %parallel_loop3A_74 : i32
        %parallel_loop3A_76 = arith.constant 7 : i32
        %parallel_loop3A_77 = arith.andi %parallel_loop3A_73, %parallel_loop3A_76 : i32
        %parallel_loop3A_78 = arith.addi %mul3A_36, %parallel_loop3A_75 : i32
        %parallel_loop3A_79 = arith.constant 128 : i32
        %parallel_loop3A_80 = arith.muli %parallel_loop3A_78, %parallel_loop3A_79 : i32
        %parallel_loop3A_81 = arith.constant 16 : i32
        %parallel_loop3A_82 = arith.muli %parallel_loop3A_77, %parallel_loop3A_81 : i32
        %parallel_loop3A_83 = arith.addi %parallel_loop3A_80, %parallel_loop3A_82 : i32
        %parallel_loop3A_84 = arith.index_cast %parallel_loop3A_83 : i32 to index
        %parallel_loop3A_85 = tpu.vector_load %arg7[%parallel_loop3A_84] {strides = array<i32>} : memref<32768xi32, #tpu.memory_space<vmem>>, vector<16xi32>,
        %parallel_loop3A_86 = arith.constant 4 : i32
        %parallel_loop3A_87 = vector.broadcast %parallel_loop3A_86 : i32 to vector<16xi32>
        %parallel_loop3A_88 = arith.shli %parallel_loop3A_85, %parallel_loop3A_87 : vector<16xi32>
        %parallel_loop3A_89 = arith.addi %parallel_loop3A_88, %iota3A : vector<16xi32>
        %parallel_loop3A_90 = arith.constant 4096 : i32
        %parallel_loop3A_91 = arith.muli %parallel_loop3A_75, %parallel_loop3A_90 : i32
        %parallel_loop3A_92 = arith.constant 16 : i32
        %parallel_loop3A_93 = arith.muli %parallel_loop3A_77, %parallel_loop3A_92 : i32
        %parallel_loop3A_94 = arith.addi %parallel_loop3A_91, %parallel_loop3A_93 : i32
        %parallel_loop3A_95 = arith.constant 0 : i32
        %parallel_loop3A_96 = vector.broadcast %parallel_loop3A_95 : i32 to vector<16xi32>
        %parallel_loop3A_97 = arith.addi %parallel_loop3A_89, %parallel_loop3A_96 : vector<16xi32>
        %parallel_loop3A_98 = tpu.vector_load_idx %arg6[%parallel_loop3A_97] : memref<12288xf32, #tpu.memory_space<vmem>>[vector<16xi32>], vector<16xf32>,
        %parallel_loop3A_99 = arith.constant 0 : i32
        %parallel_loop3A_100 = arith.addi %parallel_loop3A_94, %parallel_loop3A_99 : i32
        %parallel_loop3A_101 = arith.index_cast %parallel_loop3A_100 : i32 to index
        %parallel_loop3A_102 = tpu.vector_load %arg8[%parallel_loop3A_101] {strides = array<i32>} : memref<16384xf32, #tpu.memory_space<vmem>>, vector<16xf32>,
        tpu.vector_store %arg8[%parallel_loop3A_101], %parallel_loop3A_98 {strides = array<i32>} : memref<16384xf32, #tpu.memory_space<vmem>>, vector<16xf32>,
        %parallel_loop3A_103 = arith.constant 384 : i32
        %parallel_loop3A_104 = vector.broadcast %parallel_loop3A_103 : i32 to vector<16xi32>
        %parallel_loop3A_105 = arith.addi %parallel_loop3A_89, %parallel_loop3A_104 : vector<16xi32>
        %parallel_loop3A_106 = tpu.vector_load_idx %arg6[%parallel_loop3A_105] : memref<12288xf32, #tpu.memory_space<vmem>>[vector<16xi32>], vector<16xf32>,
        %parallel_loop3A_107 = arith.constant 128 : i32
        %parallel_loop3A_108 = arith.addi %parallel_loop3A_94, %parallel_loop3A_107 : i32
        %parallel_loop3A_109 = arith.index_cast %parallel_loop3A_108 : i32 to index
        %parallel_loop3A_110 = tpu.vector_load %arg8[%parallel_loop3A_109] {strides = array<i32>} : memref<16384xf32, #tpu.memory_space<vmem>>, vector<16xf32>,
        tpu.vector_store %arg8[%parallel_loop3A_109], %parallel_loop3A_106 {strides = array<i32>} : memref<16384xf32, #tpu.memory_space<vmem>>, vector<16xf32>,
        %parallel_loop3A_111 = arith.constant 768 : i32
        %parallel_loop3A_112 = vector.broadcast %parallel_loop3A_111 : i32 to vector<16xi32>
        %parallel_loop3A_113 = arith.addi %parallel_loop3A_89, %parallel_loop3A_112 : vector<16xi32>
        %parallel_loop3A_114 = tpu.vector_load_idx %arg6[%parallel_loop3A_113] : memref<12288xf32, #tpu.memory_space<vmem>>[vector<16xi32>], vector<16xf32>,
        %parallel_loop3A_115 = arith.constant 256 : i32
        %parallel_loop3A_116 = arith.addi %parallel_loop3A_94, %parallel_loop3A_115 : i32
        %parallel_loop3A_117 = arith.index_cast %parallel_loop3A_116 : i32 to index
        %parallel_loop3A_118 = tpu.vector_load %arg8[%parallel_loop3A_117] {strides = array<i32>} : memref<16384xf32, #tpu.memory_space<vmem>>, vector<16xf32>,
        tpu.vector_store %arg8[%parallel_loop3A_117], %parallel_loop3A_114 {strides = array<i32>} : memref<16384xf32, #tpu.memory_space<vmem>>, vector<16xf32>,
        %parallel_loop3A_119 = arith.constant 1152 : i32
        %parallel_loop3A_120 = vector.broadcast %parallel_loop3A_119 : i32 to vector<16xi32>
        %parallel_loop3A_121 = arith.addi %parallel_loop3A_89, %parallel_loop3A_120 : vector<16xi32>
        %parallel_loop3A_122 = tpu.vector_load_idx %arg6[%parallel_loop3A_121] : memref<12288xf32, #tpu.memory_space<vmem>>[vector<16xi32>], vector<16xf32>,
        %parallel_loop3A_123 = arith.constant 384 : i32
        %parallel_loop3A_124 = arith.addi %parallel_loop3A_94, %parallel_loop3A_123 : i32
        %parallel_loop3A_125 = arith.index_cast %parallel_loop3A_124 : i32 to index
        %parallel_loop3A_126 = tpu.vector_load %arg8[%parallel_loop3A_125] {strides = array<i32>} : memref<16384xf32, #tpu.memory_space<vmem>>, vector<16xf32>,
        tpu.vector_store %arg8[%parallel_loop3A_125], %parallel_loop3A_122 {strides = array<i32>} : memref<16384xf32, #tpu.memory_space<vmem>>, vector<16xf32>,
        %parallel_loop3A_127 = arith.constant 1536 : i32
        %parallel_loop3A_128 = vector.broadcast %parallel_loop3A_127 : i32 to vector<16xi32>
        %parallel_loop3A_129 = arith.addi %parallel_loop3A_89, %parallel_loop3A_128 : vector<16xi32>
        %parallel_loop3A_130 = tpu.vector_load_idx %arg6[%parallel_loop3A_129] : memref<12288xf32, #tpu.memory_space<vmem>>[vector<16xi32>], vector<16xf32>,
        %parallel_loop3A_131 = arith.constant 512 : i32
        %parallel_loop3A_132 = arith.addi %parallel_loop3A_94, %parallel_loop3A_131 : i32
        %parallel_loop3A_133 = arith.index_cast %parallel_loop3A_132 : i32 to index
        %parallel_loop3A_134 = tpu.vector_load %arg8[%parallel_loop3A_133] {strides = array<i32>} : memref<16384xf32, #tpu.memory_space<vmem>>, vector<16xf32>,
        tpu.vector_store %arg8[%parallel_loop3A_133], %parallel_loop3A_130 {strides = array<i32>} : memref<16384xf32, #tpu.memory_space<vmem>>, vector<16xf32>,
        %parallel_loop3A_135 = arith.constant 1920 : i32
        %parallel_loop3A_136 = vector.broadcast %parallel_loop3A_135 : i32 to vector<16xi32>
        %parallel_loop3A_137 = arith.addi %parallel_loop3A_89, %parallel_loop3A_136 : vector<16xi32>
        %parallel_loop3A_138 = tpu.vector_load_idx %arg6[%parallel_loop3A_137] : memref<12288xf32, #tpu.memory_space<vmem>>[vector<16xi32>], vector<16xf32>,
        %parallel_loop3A_139 = arith.constant 640 : i32
        %parallel_loop3A_140 = arith.addi %parallel_loop3A_94, %parallel_loop3A_139 : i32
        %parallel_loop3A_141 = arith.index_cast %parallel_loop3A_140 : i32 to index
        %parallel_loop3A_142 = tpu.vector_load %arg8[%parallel_loop3A_141] {strides = array<i32>} : memref<16384xf32, #tpu.memory_space<vmem>>, vector<16xf32>,
        tpu.vector_store %arg8[%parallel_loop3A_141], %parallel_loop3A_138 {strides = array<i32>} : memref<16384xf32, #tpu.memory_space<vmem>>, vector<16xf32>,
        %parallel_loop3A_143 = arith.constant 2304 : i32
        %parallel_loop3A_144 = vector.broadcast %parallel_loop3A_143 : i32 to vector<16xi32>
        %parallel_loop3A_145 = arith.addi %parallel_loop3A_89, %parallel_loop3A_144 : vector<16xi32>
        %parallel_loop3A_146 = tpu.vector_load_idx %arg6[%parallel_loop3A_145] : memref<12288xf32, #tpu.memory_space<vmem>>[vector<16xi32>], vector<16xf32>,
        %parallel_loop3A_147 = arith.constant 768 : i32
        %parallel_loop3A_148 = arith.addi %parallel_loop3A_94, %parallel_loop3A_147 : i32
        %parallel_loop3A_149 = arith.index_cast %parallel_loop3A_148 : i32 to index
        %parallel_loop3A_150 = tpu.vector_load %arg8[%parallel_loop3A_149] {strides = array<i32>} : memref<16384xf32, #tpu.memory_space<vmem>>, vector<16xf32>,
        tpu.vector_store %arg8[%parallel_loop3A_149], %parallel_loop3A_146 {strides = array<i32>} : memref<16384xf32, #tpu.memory_space<vmem>>, vector<16xf32>,
        %parallel_loop3A_151 = arith.constant 2688 : i32
        %parallel_loop3A_152 = vector.broadcast %parallel_loop3A_151 : i32 to vector<16xi32>
        %parallel_loop3A_153 = arith.addi %parallel_loop3A_89, %parallel_loop3A_152 : vector<16xi32>
        %parallel_loop3A_154 = tpu.vector_load_idx %arg6[%parallel_loop3A_153] : memref<12288xf32, #tpu.memory_space<vmem>>[vector<16xi32>], vector<16xf32>,
        %parallel_loop3A_155 = arith.constant 896 : i32
        %parallel_loop3A_156 = arith.addi %parallel_loop3A_94, %parallel_loop3A_155 : i32
        %parallel_loop3A_157 = arith.index_cast %parallel_loop3A_156 : i32 to index
        %parallel_loop3A_158 = tpu.vector_load %arg8[%parallel_loop3A_157] {strides = array<i32>} : memref<16384xf32, #tpu.memory_space<vmem>>, vector<16xf32>,
        tpu.vector_store %arg8[%parallel_loop3A_157], %parallel_loop3A_154 {strides = array<i32>} : memref<16384xf32, #tpu.memory_space<vmem>>, vector<16xf32>,
        %parallel_loop3A_159 = arith.constant 3072 : i32
        %parallel_loop3A_160 = vector.broadcast %parallel_loop3A_159 : i32 to vector<16xi32>
        %parallel_loop3A_161 = arith.addi %parallel_loop3A_89, %parallel_loop3A_160 : vector<16xi32>
        %parallel_loop3A_162 = tpu.vector_load_idx %arg6[%parallel_loop3A_161] : memref<12288xf32, #tpu.memory_space<vmem>>[vector<16xi32>], vector<16xf32>,
        %parallel_loop3A_163 = arith.constant 1024 : i32
        %parallel_loop3A_164 = arith.addi %parallel_loop3A_94, %parallel_loop3A_163 : i32
        %parallel_loop3A_165 = arith.index_cast %parallel_loop3A_164 : i32 to index
        %parallel_loop3A_166 = tpu.vector_load %arg8[%parallel_loop3A_165] {strides = array<i32>} : memref<16384xf32, #tpu.memory_space<vmem>>, vector<16xf32>,
        tpu.vector_store %arg8[%parallel_loop3A_165], %parallel_loop3A_162 {strides = array<i32>} : memref<16384xf32, #tpu.memory_space<vmem>>, vector<16xf32>,
        %parallel_loop3A_167 = arith.constant 3456 : i32
        %parallel_loop3A_168 = vector.broadcast %parallel_loop3A_167 : i32 to vector<16xi32>
        %parallel_loop3A_169 = arith.addi %parallel_loop3A_89, %parallel_loop3A_168 : vector<16xi32>
        %parallel_loop3A_170 = tpu.vector_load_idx %arg6[%parallel_loop3A_169] : memref<12288xf32, #tpu.memory_space<vmem>>[vector<16xi32>], vector<16xf32>,
        %parallel_loop3A_171 = arith.constant 1152 : i32
        %parallel_loop3A_172 = arith.addi %parallel_loop3A_94, %parallel_loop3A_171 : i32
        %parallel_loop3A_173 = arith.index_cast %parallel_loop3A_172 : i32 to index
        %parallel_loop3A_174 = tpu.vector_load %arg8[%parallel_loop3A_173] {strides = array<i32>} : memref<16384xf32, #tpu.memory_space<vmem>>, vector<16xf32>,
        tpu.vector_store %arg8[%parallel_loop3A_173], %parallel_loop3A_170 {strides = array<i32>} : memref<16384xf32, #tpu.memory_space<vmem>>, vector<16xf32>,
        %parallel_loop3A_175 = arith.constant 3840 : i32
        %parallel_loop3A_176 = vector.broadcast %parallel_loop3A_175 : i32 to vector<16xi32>
        %parallel_loop3A_177 = arith.addi %parallel_loop3A_89, %parallel_loop3A_176 : vector<16xi32>
        %parallel_loop3A_178 = tpu.vector_load_idx %arg6[%parallel_loop3A_177] : memref<12288xf32, #tpu.memory_space<vmem>>[vector<16xi32>], vector<16xf32>,
        %parallel_loop3A_179 = arith.constant 1280 : i32
        %parallel_loop3A_180 = arith.addi %parallel_loop3A_94, %parallel_loop3A_179 : i32
        %parallel_loop3A_181 = arith.index_cast %parallel_loop3A_180 : i32 to index
        %parallel_loop3A_182 = tpu.vector_load %arg8[%parallel_loop3A_181] {strides = array<i32>} : memref<16384xf32, #tpu.memory_space<vmem>>, vector<16xf32>,
        tpu.vector_store %arg8[%parallel_loop3A_181], %parallel_loop3A_178 {strides = array<i32>} : memref<16384xf32, #tpu.memory_space<vmem>>, vector<16xf32>,
        %parallel_loop3A_183 = arith.constant 4224 : i32
        %parallel_loop3A_184 = vector.broadcast %parallel_loop3A_183 : i32 to vector<16xi32>
        %parallel_loop3A_185 = arith.addi %parallel_loop3A_89, %parallel_loop3A_184 : vector<16xi32>
        %parallel_loop3A_186 = tpu.vector_load_idx %arg6[%parallel_loop3A_185] : memref<12288xf32, #tpu.memory_space<vmem>>[vector<16xi32>], vector<16xf32>,
        %parallel_loop3A_187 = arith.constant 1408 : i32
        %parallel_loop3A_188 = arith.addi %parallel_loop3A_94, %parallel_loop3A_187 : i32
        %parallel_loop3A_189 = arith.index_cast %parallel_loop3A_188 : i32 to index
        %parallel_loop3A_190 = tpu.vector_load %arg8[%parallel_loop3A_189] {strides = array<i32>} : memref<16384xf32, #tpu.memory_space<vmem>>, vector<16xf32>,
        tpu.vector_store %arg8[%parallel_loop3A_189], %parallel_loop3A_186 {strides = array<i32>} : memref<16384xf32, #tpu.memory_space<vmem>>, vector<16xf32>,
        %parallel_loop3A_191 = arith.constant 4608 : i32
        %parallel_loop3A_192 = vector.broadcast %parallel_loop3A_191 : i32 to vector<16xi32>
        %parallel_loop3A_193 = arith.addi %parallel_loop3A_89, %parallel_loop3A_192 : vector<16xi32>
        %parallel_loop3A_194 = tpu.vector_load_idx %arg6[%parallel_loop3A_193] : memref<12288xf32, #tpu.memory_space<vmem>>[vector<16xi32>], vector<16xf32>,
        %parallel_loop3A_195 = arith.constant 1536 : i32
        %parallel_loop3A_196 = arith.addi %parallel_loop3A_94, %parallel_loop3A_195 : i32
        %parallel_loop3A_197 = arith.index_cast %parallel_loop3A_196 : i32 to index
        %parallel_loop3A_198 = tpu.vector_load %arg8[%parallel_loop3A_197] {strides = array<i32>} : memref<16384xf32, #tpu.memory_space<vmem>>, vector<16xf32>,
        tpu.vector_store %arg8[%parallel_loop3A_197], %parallel_loop3A_194 {strides = array<i32>} : memref<16384xf32, #tpu.memory_space<vmem>>, vector<16xf32>,
        %parallel_loop3A_199 = arith.constant 4992 : i32
        %parallel_loop3A_200 = vector.broadcast %parallel_loop3A_199 : i32 to vector<16xi32>
        %parallel_loop3A_201 = arith.addi %parallel_loop3A_89, %parallel_loop3A_200 : vector<16xi32>
        %parallel_loop3A_202 = tpu.vector_load_idx %arg6[%parallel_loop3A_201] : memref<12288xf32, #tpu.memory_space<vmem>>[vector<16xi32>], vector<16xf32>,
        %parallel_loop3A_203 = arith.constant 1664 : i32
        %parallel_loop3A_204 = arith.addi %parallel_loop3A_94, %parallel_loop3A_203 : i32
        %parallel_loop3A_205 = arith.index_cast %parallel_loop3A_204 : i32 to index
        %parallel_loop3A_206 = tpu.vector_load %arg8[%parallel_loop3A_205] {strides = array<i32>} : memref<16384xf32, #tpu.memory_space<vmem>>, vector<16xf32>,
        tpu.vector_store %arg8[%parallel_loop3A_205], %parallel_loop3A_202 {strides = array<i32>} : memref<16384xf32, #tpu.memory_space<vmem>>, vector<16xf32>,
        %parallel_loop3A_207 = arith.constant 5376 : i32
        %parallel_loop3A_208 = vector.broadcast %parallel_loop3A_207 : i32 to vector<16xi32>
        %parallel_loop3A_209 = arith.addi %parallel_loop3A_89, %parallel_loop3A_208 : vector<16xi32>
        %parallel_loop3A_210 = tpu.vector_load_idx %arg6[%parallel_loop3A_209] : memref<12288xf32, #tpu.memory_space<vmem>>[vector<16xi32>], vector<16xf32>,
        %parallel_loop3A_211 = arith.constant 1792 : i32
        %parallel_loop3A_212 = arith.addi %parallel_loop3A_94, %parallel_loop3A_211 : i32
        %parallel_loop3A_213 = arith.index_cast %parallel_loop3A_212 : i32 to index
        %parallel_loop3A_214 = tpu.vector_load %arg8[%parallel_loop3A_213] {strides = array<i32>} : memref<16384xf32, #tpu.memory_space<vmem>>, vector<16xf32>,
        tpu.vector_store %arg8[%parallel_loop3A_213], %parallel_loop3A_210 {strides = array<i32>} : memref<16384xf32, #tpu.memory_space<vmem>>, vector<16xf32>,
        %parallel_loop3A_215 = arith.constant 5760 : i32
        %parallel_loop3A_216 = vector.broadcast %parallel_loop3A_215 : i32 to vector<16xi32>
        %parallel_loop3A_217 = arith.addi %parallel_loop3A_89, %parallel_loop3A_216 : vector<16xi32>
        %parallel_loop3A_218 = tpu.vector_load_idx %arg6[%parallel_loop3A_217] : memref<12288xf32, #tpu.memory_space<vmem>>[vector<16xi32>], vector<16xf32>,
        %parallel_loop3A_219 = arith.constant 1920 : i32
        %parallel_loop3A_220 = arith.addi %parallel_loop3A_94, %parallel_loop3A_219 : i32
        %parallel_loop3A_221 = arith.index_cast %parallel_loop3A_220 : i32 to index
        %parallel_loop3A_222 = tpu.vector_load %arg8[%parallel_loop3A_221] {strides = array<i32>} : memref<16384xf32, #tpu.memory_space<vmem>>, vector<16xf32>,
        tpu.vector_store %arg8[%parallel_loop3A_221], %parallel_loop3A_218 {strides = array<i32>} : memref<16384xf32, #tpu.memory_space<vmem>>, vector<16xf32>,
        %parallel_loop3A_223 = arith.constant 6144 : i32
        %parallel_loop3A_224 = vector.broadcast %parallel_loop3A_223 : i32 to vector<16xi32>
        %parallel_loop3A_225 = arith.addi %parallel_loop3A_89, %parallel_loop3A_224 : vector<16xi32>
        %parallel_loop3A_226 = tpu.vector_load_idx %arg6[%parallel_loop3A_225] : memref<12288xf32, #tpu.memory_space<vmem>>[vector<16xi32>], vector<16xf32>,
        %parallel_loop3A_227 = arith.constant 2048 : i32
        %parallel_loop3A_228 = arith.addi %parallel_loop3A_94, %parallel_loop3A_227 : i32
        %parallel_loop3A_229 = arith.index_cast %parallel_loop3A_228 : i32 to index
        %parallel_loop3A_230 = tpu.vector_load %arg8[%parallel_loop3A_229] {strides = array<i32>} : memref<16384xf32, #tpu.memory_space<vmem>>, vector<16xf32>,
        tpu.vector_store %arg8[%parallel_loop3A_229], %parallel_loop3A_226 {strides = array<i32>} : memref<16384xf32, #tpu.memory_space<vmem>>, vector<16xf32>,
        %parallel_loop3A_231 = arith.constant 6528 : i32
        %parallel_loop3A_232 = vector.broadcast %parallel_loop3A_231 : i32 to vector<16xi32>
        %parallel_loop3A_233 = arith.addi %parallel_loop3A_89, %parallel_loop3A_232 : vector<16xi32>
        %parallel_loop3A_234 = tpu.vector_load_idx %arg6[%parallel_loop3A_233] : memref<12288xf32, #tpu.memory_space<vmem>>[vector<16xi32>], vector<16xf32>,
        %parallel_loop3A_235 = arith.constant 2176 : i32
        %parallel_loop3A_236 = arith.addi %parallel_loop3A_94, %parallel_loop3A_235 : i32
        %parallel_loop3A_237 = arith.index_cast %parallel_loop3A_236 : i32 to index
        %parallel_loop3A_238 = tpu.vector_load %arg8[%parallel_loop3A_237] {strides = array<i32>} : memref<16384xf32, #tpu.memory_space<vmem>>, vector<16xf32>,
        tpu.vector_store %arg8[%parallel_loop3A_237], %parallel_loop3A_234 {strides = array<i32>} : memref<16384xf32, #tpu.memory_space<vmem>>, vector<16xf32>,
        %parallel_loop3A_239 = arith.constant 6912 : i32
        %parallel_loop3A_240 = vector.broadcast %parallel_loop3A_239 : i32 to vector<16xi32>
        %parallel_loop3A_241 = arith.addi %parallel_loop3A_89, %parallel_loop3A_240 : vector<16xi32>
        %parallel_loop3A_242 = tpu.vector_load_idx %arg6[%parallel_loop3A_241] : memref<12288xf32, #tpu.memory_space<vmem>>[vector<16xi32>], vector<16xf32>,
        %parallel_loop3A_243 = arith.constant 2304 : i32
        %parallel_loop3A_244 = arith.addi %parallel_loop3A_94, %parallel_loop3A_243 : i32
        %parallel_loop3A_245 = arith.index_cast %parallel_loop3A_244 : i32 to index
        %parallel_loop3A_246 = tpu.vector_load %arg8[%parallel_loop3A_245] {strides = array<i32>} : memref<16384xf32, #tpu.memory_space<vmem>>, vector<16xf32>,
        tpu.vector_store %arg8[%parallel_loop3A_245], %parallel_loop3A_242 {strides = array<i32>} : memref<16384xf32, #tpu.memory_space<vmem>>, vector<16xf32>,
        %parallel_loop3A_247 = arith.constant 7296 : i32
        %parallel_loop3A_248 = vector.broadcast %parallel_loop3A_247 : i32 to vector<16xi32>
        %parallel_loop3A_249 = arith.addi %parallel_loop3A_89, %parallel_loop3A_248 : vector<16xi32>
        %parallel_loop3A_250 = tpu.vector_load_idx %arg6[%parallel_loop3A_249] : memref<12288xf32, #tpu.memory_space<vmem>>[vector<16xi32>], vector<16xf32>,
        %parallel_loop3A_251 = arith.constant 2432 : i32
        %parallel_loop3A_252 = arith.addi %parallel_loop3A_94, %parallel_loop3A_251 : i32
        %parallel_loop3A_253 = arith.index_cast %parallel_loop3A_252 : i32 to index
        %parallel_loop3A_254 = tpu.vector_load %arg8[%parallel_loop3A_253] {strides = array<i32>} : memref<16384xf32, #tpu.memory_space<vmem>>, vector<16xf32>,
        tpu.vector_store %arg8[%parallel_loop3A_253], %parallel_loop3A_250 {strides = array<i32>} : memref<16384xf32, #tpu.memory_space<vmem>>, vector<16xf32>,
        %parallel_loop3A_255 = arith.constant 7680 : i32
        %parallel_loop3A_256 = vector.broadcast %parallel_loop3A_255 : i32 to vector<16xi32>
        %parallel_loop3A_257 = arith.addi %parallel_loop3A_89, %parallel_loop3A_256 : vector<16xi32>
        %parallel_loop3A_258 = tpu.vector_load_idx %arg6[%parallel_loop3A_257] : memref<12288xf32, #tpu.memory_space<vmem>>[vector<16xi32>], vector<16xf32>,
        %parallel_loop3A_259 = arith.constant 2560 : i32
        %parallel_loop3A_260 = arith.addi %parallel_loop3A_94, %parallel_loop3A_259 : i32
        %parallel_loop3A_261 = arith.index_cast %parallel_loop3A_260 : i32 to index
        %parallel_loop3A_262 = tpu.vector_load %arg8[%parallel_loop3A_261] {strides = array<i32>} : memref<16384xf32, #tpu.memory_space<vmem>>, vector<16xf32>,
        tpu.vector_store %arg8[%parallel_loop3A_261], %parallel_loop3A_258 {strides = array<i32>} : memref<16384xf32, #tpu.memory_space<vmem>>, vector<16xf32>,
        %parallel_loop3A_263 = arith.constant 8064 : i32
        %parallel_loop3A_264 = vector.broadcast %parallel_loop3A_263 : i32 to vector<16xi32>
        %parallel_loop3A_265 = arith.addi %parallel_loop3A_89, %parallel_loop3A_264 : vector<16xi32>
        %parallel_loop3A_266 = tpu.vector_load_idx %arg6[%parallel_loop3A_265] : memref<12288xf32, #tpu.memory_space<vmem>>[vector<16xi32>], vector<16xf32>,
        %parallel_loop3A_267 = arith.constant 2688 : i32
        %parallel_loop3A_268 = arith.addi %parallel_loop3A_94, %parallel_loop3A_267 : i32
        %parallel_loop3A_269 = arith.index_cast %parallel_loop3A_268 : i32 to index
        %parallel_loop3A_270 = tpu.vector_load %arg8[%parallel_loop3A_269] {strides = array<i32>} : memref<16384xf32, #tpu.memory_space<vmem>>, vector<16xf32>,
        tpu.vector_store %arg8[%parallel_loop3A_269], %parallel_loop3A_266 {strides = array<i32>} : memref<16384xf32, #tpu.memory_space<vmem>>, vector<16xf32>,
        %parallel_loop3A_271 = arith.constant 8448 : i32
        %parallel_loop3A_272 = vector.broadcast %parallel_loop3A_271 : i32 to vector<16xi32>
        %parallel_loop3A_273 = arith.addi %parallel_loop3A_89, %parallel_loop3A_272 : vector<16xi32>
        %parallel_loop3A_274 = tpu.vector_load_idx %arg6[%parallel_loop3A_273] : memref<12288xf32, #tpu.memory_space<vmem>>[vector<16xi32>], vector<16xf32>,
        %parallel_loop3A_275 = arith.constant 2816 : i32
        %parallel_loop3A_276 = arith.addi %parallel_loop3A_94, %parallel_loop3A_275 : i32
        %parallel_loop3A_277 = arith.index_cast %parallel_loop3A_276 : i32 to index
        %parallel_loop3A_278 = tpu.vector_load %arg8[%parallel_loop3A_277] {strides = array<i32>} : memref<16384xf32, #tpu.memory_space<vmem>>, vector<16xf32>,
        tpu.vector_store %arg8[%parallel_loop3A_277], %parallel_loop3A_274 {strides = array<i32>} : memref<16384xf32, #tpu.memory_space<vmem>>, vector<16xf32>,
        %parallel_loop3A_279 = arith.constant 8832 : i32
        %parallel_loop3A_280 = vector.broadcast %parallel_loop3A_279 : i32 to vector<16xi32>
        %parallel_loop3A_281 = arith.addi %parallel_loop3A_89, %parallel_loop3A_280 : vector<16xi32>
        %parallel_loop3A_282 = tpu.vector_load_idx %arg6[%parallel_loop3A_281] : memref<12288xf32, #tpu.memory_space<vmem>>[vector<16xi32>], vector<16xf32>,
        %parallel_loop3A_283 = arith.constant 2944 : i32
        %parallel_loop3A_284 = arith.addi %parallel_loop3A_94, %parallel_loop3A_283 : i32
        %parallel_loop3A_285 = arith.index_cast %parallel_loop3A_284 : i32 to index
        %parallel_loop3A_286 = tpu.vector_load %arg8[%parallel_loop3A_285] {strides = array<i32>} : memref<16384xf32, #tpu.memory_space<vmem>>, vector<16xf32>,
        tpu.vector_store %arg8[%parallel_loop3A_285], %parallel_loop3A_282 {strides = array<i32>} : memref<16384xf32, #tpu.memory_space<vmem>>, vector<16xf32>,
        %parallel_loop3A_287 = arith.constant 9216 : i32
        %parallel_loop3A_288 = vector.broadcast %parallel_loop3A_287 : i32 to vector<16xi32>
        %parallel_loop3A_289 = arith.addi %parallel_loop3A_89, %parallel_loop3A_288 : vector<16xi32>
        %parallel_loop3A_290 = tpu.vector_load_idx %arg6[%parallel_loop3A_289] : memref<12288xf32, #tpu.memory_space<vmem>>[vector<16xi32>], vector<16xf32>,
        %parallel_loop3A_291 = arith.constant 3072 : i32
        %parallel_loop3A_292 = arith.addi %parallel_loop3A_94, %parallel_loop3A_291 : i32
        %parallel_loop3A_293 = arith.index_cast %parallel_loop3A_292 : i32 to index
        %parallel_loop3A_294 = tpu.vector_load %arg8[%parallel_loop3A_293] {strides = array<i32>} : memref<16384xf32, #tpu.memory_space<vmem>>, vector<16xf32>,
        tpu.vector_store %arg8[%parallel_loop3A_293], %parallel_loop3A_290 {strides = array<i32>} : memref<16384xf32, #tpu.memory_space<vmem>>, vector<16xf32>,
        %parallel_loop3A_295 = arith.constant 9600 : i32
        %parallel_loop3A_296 = vector.broadcast %parallel_loop3A_295 : i32 to vector<16xi32>
        %parallel_loop3A_297 = arith.addi %parallel_loop3A_89, %parallel_loop3A_296 : vector<16xi32>
        %parallel_loop3A_298 = tpu.vector_load_idx %arg6[%parallel_loop3A_297] : memref<12288xf32, #tpu.memory_space<vmem>>[vector<16xi32>], vector<16xf32>,
        %parallel_loop3A_299 = arith.constant 3200 : i32
        %parallel_loop3A_300 = arith.addi %parallel_loop3A_94, %parallel_loop3A_299 : i32
        %parallel_loop3A_301 = arith.index_cast %parallel_loop3A_300 : i32 to index
        %parallel_loop3A_302 = tpu.vector_load %arg8[%parallel_loop3A_301] {strides = array<i32>} : memref<16384xf32, #tpu.memory_space<vmem>>, vector<16xf32>,
        tpu.vector_store %arg8[%parallel_loop3A_301], %parallel_loop3A_298 {strides = array<i32>} : memref<16384xf32, #tpu.memory_space<vmem>>, vector<16xf32>,
        %parallel_loop3A_303 = arith.constant 9984 : i32
        %parallel_loop3A_304 = vector.broadcast %parallel_loop3A_303 : i32 to vector<16xi32>
        %parallel_loop3A_305 = arith.addi %parallel_loop3A_89, %parallel_loop3A_304 : vector<16xi32>
        %parallel_loop3A_306 = tpu.vector_load_idx %arg6[%parallel_loop3A_305] : memref<12288xf32, #tpu.memory_space<vmem>>[vector<16xi32>], vector<16xf32>,
        %parallel_loop3A_307 = arith.constant 3328 : i32
        %parallel_loop3A_308 = arith.addi %parallel_loop3A_94, %parallel_loop3A_307 : i32
        %parallel_loop3A_309 = arith.index_cast %parallel_loop3A_308 : i32 to index
        %parallel_loop3A_310 = tpu.vector_load %arg8[%parallel_loop3A_309] {strides = array<i32>} : memref<16384xf32, #tpu.memory_space<vmem>>, vector<16xf32>,
        tpu.vector_store %arg8[%parallel_loop3A_309], %parallel_loop3A_306 {strides = array<i32>} : memref<16384xf32, #tpu.memory_space<vmem>>, vector<16xf32>,
        %parallel_loop3A_311 = arith.constant 10368 : i32
        %parallel_loop3A_312 = vector.broadcast %parallel_loop3A_311 : i32 to vector<16xi32>
        %parallel_loop3A_313 = arith.addi %parallel_loop3A_89, %parallel_loop3A_312 : vector<16xi32>
        %parallel_loop3A_314 = tpu.vector_load_idx %arg6[%parallel_loop3A_313] : memref<12288xf32, #tpu.memory_space<vmem>>[vector<16xi32>], vector<16xf32>,
        %parallel_loop3A_315 = arith.constant 3456 : i32
        %parallel_loop3A_316 = arith.addi %parallel_loop3A_94, %parallel_loop3A_315 : i32
        %parallel_loop3A_317 = arith.index_cast %parallel_loop3A_316 : i32 to index
        %parallel_loop3A_318 = tpu.vector_load %arg8[%parallel_loop3A_317] {strides = array<i32>} : memref<16384xf32, #tpu.memory_space<vmem>>, vector<16xf32>,
        tpu.vector_store %arg8[%parallel_loop3A_317], %parallel_loop3A_314 {strides = array<i32>} : memref<16384xf32, #tpu.memory_space<vmem>>, vector<16xf32>,
        %parallel_loop3A_319 = arith.constant 10752 : i32
        %parallel_loop3A_320 = vector.broadcast %parallel_loop3A_319 : i32 to vector<16xi32>
        %parallel_loop3A_321 = arith.addi %parallel_loop3A_89, %parallel_loop3A_320 : vector<16xi32>
        %parallel_loop3A_322 = tpu.vector_load_idx %arg6[%parallel_loop3A_321] : memref<12288xf32, #tpu.memory_space<vmem>>[vector<16xi32>], vector<16xf32>,
        %parallel_loop3A_323 = arith.constant 3584 : i32
        %parallel_loop3A_324 = arith.addi %parallel_loop3A_94, %parallel_loop3A_323 : i32
        %parallel_loop3A_325 = arith.index_cast %parallel_loop3A_324 : i32 to index
        %parallel_loop3A_326 = tpu.vector_load %arg8[%parallel_loop3A_325] {strides = array<i32>} : memref<16384xf32, #tpu.memory_space<vmem>>, vector<16xf32>,
        tpu.vector_store %arg8[%parallel_loop3A_325], %parallel_loop3A_322 {strides = array<i32>} : memref<16384xf32, #tpu.memory_space<vmem>>, vector<16xf32>,
        %parallel_loop3A_327 = arith.constant 11136 : i32
        %parallel_loop3A_328 = vector.broadcast %parallel_loop3A_327 : i32 to vector<16xi32>
        %parallel_loop3A_329 = arith.addi %parallel_loop3A_89, %parallel_loop3A_328 : vector<16xi32>
        %parallel_loop3A_330 = tpu.vector_load_idx %arg6[%parallel_loop3A_329] : memref<12288xf32, #tpu.memory_space<vmem>>[vector<16xi32>], vector<16xf32>,
        %parallel_loop3A_331 = arith.constant 3712 : i32
        %parallel_loop3A_332 = arith.addi %parallel_loop3A_94, %parallel_loop3A_331 : i32
        %parallel_loop3A_333 = arith.index_cast %parallel_loop3A_332 : i32 to index
        %parallel_loop3A_334 = tpu.vector_load %arg8[%parallel_loop3A_333] {strides = array<i32>} : memref<16384xf32, #tpu.memory_space<vmem>>, vector<16xf32>,
        tpu.vector_store %arg8[%parallel_loop3A_333], %parallel_loop3A_330 {strides = array<i32>} : memref<16384xf32, #tpu.memory_space<vmem>>, vector<16xf32>,
        %parallel_loop3A_335 = arith.constant 11520 : i32
        %parallel_loop3A_336 = vector.broadcast %parallel_loop3A_335 : i32 to vector<16xi32>
        %parallel_loop3A_337 = arith.addi %parallel_loop3A_89, %parallel_loop3A_336 : vector<16xi32>
        %parallel_loop3A_338 = tpu.vector_load_idx %arg6[%parallel_loop3A_337] : memref<12288xf32, #tpu.memory_space<vmem>>[vector<16xi32>], vector<16xf32>,
        %parallel_loop3A_339 = arith.constant 3840 : i32
        %parallel_loop3A_340 = arith.addi %parallel_loop3A_94, %parallel_loop3A_339 : i32
        %parallel_loop3A_341 = arith.index_cast %parallel_loop3A_340 : i32 to index
        %parallel_loop3A_342 = tpu.vector_load %arg8[%parallel_loop3A_341] {strides = array<i32>} : memref<16384xf32, #tpu.memory_space<vmem>>, vector<16xf32>,
        tpu.vector_store %arg8[%parallel_loop3A_341], %parallel_loop3A_338 {strides = array<i32>} : memref<16384xf32, #tpu.memory_space<vmem>>, vector<16xf32>,
        %parallel_loop3A_343 = arith.constant 11904 : i32
        %parallel_loop3A_344 = vector.broadcast %parallel_loop3A_343 : i32 to vector<16xi32>
        %parallel_loop3A_345 = arith.addi %parallel_loop3A_89, %parallel_loop3A_344 : vector<16xi32>
        %parallel_loop3A_346 = tpu.vector_load_idx %arg6[%parallel_loop3A_345] : memref<12288xf32, #tpu.memory_space<vmem>>[vector<16xi32>], vector<16xf32>,
        %parallel_loop3A_347 = arith.constant 3968 : i32
        %parallel_loop3A_348 = arith.addi %parallel_loop3A_94, %parallel_loop3A_347 : i32
        %parallel_loop3A_349 = arith.index_cast %parallel_loop3A_348 : i32 to index
        %parallel_loop3A_350 = tpu.vector_load %arg8[%parallel_loop3A_349] {strides = array<i32>} : memref<16384xf32, #tpu.memory_space<vmem>>, vector<16xf32>,
        tpu.vector_store %arg8[%parallel_loop3A_349], %parallel_loop3A_346 {strides = array<i32>} : memref<16384xf32, #tpu.memory_space<vmem>>, vector<16xf32>,
      } {sc.loop_unroll_factor = 1 : i64, sc.parallel_access}
      %mul3A_40 = arith.constant 256 : i32
      %mul3A_41 = arith.muli %add3A, %mul3A_40 : i32
      %mul3A_42 = arith.constant 4 : i32
      %mul3A_43 = arith.muli %add3A_32, %mul3A_42 : i32
      %add3A_44 = arith.addi %mul3A_41, %mul3A_43 : i32
      %mul3A_45 = arith.constant 4096 : i32
      %mul3A_46 = arith.muli %add3A_44, %mul3A_45 : i32
      %dma_start3A_47 = tpu.memref_slice %arg4[%mul3A_46] : memref<33554432xf32, #tpu.memory_space<hbm>> -> memref<16384xf32, #tpu.memory_space<hbm>>
      %dma_start3A_48 = tpu.memref_slice %arg4[%mul3A_46] : memref<33554432xf32, #tpu.memory_space<hbm>> -> memref<16384xf32, #tpu.memory_space<hbm>>
      tpu.enqueue_dma source(%arg8 : memref<16384xf32, #tpu.memory_space<vmem>>) target(%dma_start3A_48 : memref<16384xf32, #tpu.memory_space<hbm>>) target_semaphore(%arg11 : memref<!tpu.dma_semaphore, #tpu.memory_space<semaphore_mem>>)
      %mul3A_49 = arith.constant 2 : i32
      %mul3A_50 = arith.muli %scan3A_28, %mul3A_49 : i32
      %add3A_51 = arith.constant 1 : i32
      %add3A_52 = arith.addi %mul3A_50, %add3A_51 : i32
      %gt3A_53 = arith.constant 0 : i32
      %gt3A_54 = arith.cmpi sgt, %scan3A_28, %gt3A_53 : i32
      %convert_element_type3A_55 = arith.extui %gt3A_54 : i1 to i32
      %cond3A_56 = arith.constant 0 : i32
      %cond3A_57 = arith.cmpi ne, %convert_element_type3A_55, %cond3A_56 : i32
      scf.if %cond3A_57 {
        %sub3A = arith.constant 2 : i32
        %sub3A_73 = arith.subi %add3A_52, %sub3A : i32
        %mul3A_74 = arith.constant 256 : i32
        %mul3A_75 = arith.muli %add3A, %mul3A_74 : i32
        %mul3A_76 = arith.constant 4 : i32
        %mul3A_77 = arith.muli %sub3A_73, %mul3A_76 : i32
        %add3A_78 = arith.addi %mul3A_75, %mul3A_77 : i32
        %mul3A_79 = arith.constant 4096 : i32
        %mul3A_80 = arith.muli %add3A_78, %mul3A_79 : i32
        %dma_wait3A_81 = tpu.memref_slice %arg4[%mul3A_80] : memref<33554432xf32, #tpu.memory_space<hbm>> -> memref<16384xf32, #tpu.memory_space<hbm>>
        %dma_wait3A_82 = tpu.memref_slice %arg4[%mul3A_80] : memref<33554432xf32, #tpu.memory_space<hbm>> -> memref<16384xf32, #tpu.memory_space<hbm>>
        tpu.wait_dma2 semaphore(%arg12 : memref<!tpu.dma_semaphore, #tpu.memory_space<semaphore_mem>>) src(%arg9 : memref<16384xf32, #tpu.memory_space<vmem>>) dst(%dma_wait3A_82 : memref<16384xf32, #tpu.memory_space<hbm>>)
      } else {
      }
      %mul3A_58 = arith.constant 4 : i32
      %mul3A_59 = arith.muli %add3A_52, %mul3A_58 : i32
      %iota3A_60 = tpu.iota {dimensions = array<i32: 0>} : vector<16xi32>
      %parallel_loop3A_61 = arith.constant 0 : i32
      %parallel_loop3A_62 = arith.constant 32 : i32
      %parallel_loop3A_63 = arith.constant 1 : i32
      scf.for %parallel_loop3A_73 = %parallel_loop3A_61 to %parallel_loop3A_62 step %parallel_loop3A_63  : i32 {
        %parallel_loop3A_74 = arith.constant 3 : i32
        %parallel_loop3A_75 = arith.shrsi %parallel_loop3A_73, %parallel_loop3A_74 : i32
        %parallel_loop3A_76 = arith.constant 7 : i32
        %parallel_loop3A_77 = arith.andi %parallel_loop3A_73, %parallel_loop3A_76 : i32
        %parallel_loop3A_78 = arith.addi %mul3A_59, %parallel_loop3A_75 : i32
        %parallel_loop3A_79 = arith.constant 128 : i32
        %parallel_loop3A_80 = arith.muli %parallel_loop3A_78, %parallel_loop3A_79 : i32
        %parallel_loop3A_81 = arith.constant 16 : i32
        %parallel_loop3A_82 = arith.muli %parallel_loop3A_77, %parallel_loop3A_81 : i32
        %parallel_loop3A_83 = arith.addi %parallel_loop3A_80, %parallel_loop3A_82 : i32
        %parallel_loop3A_84 = arith.index_cast %parallel_loop3A_83 : i32 to index
        %parallel_loop3A_85 = tpu.vector_load %arg7[%parallel_loop3A_84] {strides = array<i32>} : memref<32768xi32, #tpu.memory_space<vmem>>, vector<16xi32>,
        %parallel_loop3A_86 = arith.constant 4 : i32
        %parallel_loop3A_87 = vector.broadcast %parallel_loop3A_86 : i32 to vector<16xi32>
        %parallel_loop3A_88 = arith.shli %parallel_loop3A_85, %parallel_loop3A_87 : vector<16xi32>
        %parallel_loop3A_89 = arith.addi %parallel_loop3A_88, %iota3A_60 : vector<16xi32>
        %parallel_loop3A_90 = arith.constant 4096 : i32
        %parallel_loop3A_91 = arith.muli %parallel_loop3A_75, %parallel_loop3A_90 : i32
        %parallel_loop3A_92 = arith.constant 16 : i32
        %parallel_loop3A_93 = arith.muli %parallel_loop3A_77, %parallel_loop3A_92 : i32
        %parallel_loop3A_94 = arith.addi %parallel_loop3A_91, %parallel_loop3A_93 : i32
        %parallel_loop3A_95 = arith.constant 0 : i32
        %parallel_loop3A_96 = vector.broadcast %parallel_loop3A_95 : i32 to vector<16xi32>
        %parallel_loop3A_97 = arith.addi %parallel_loop3A_89, %parallel_loop3A_96 : vector<16xi32>
        %parallel_loop3A_98 = tpu.vector_load_idx %arg6[%parallel_loop3A_97] : memref<12288xf32, #tpu.memory_space<vmem>>[vector<16xi32>], vector<16xf32>,
        %parallel_loop3A_99 = arith.constant 0 : i32
        %parallel_loop3A_100 = arith.addi %parallel_loop3A_94, %parallel_loop3A_99 : i32
        %parallel_loop3A_101 = arith.index_cast %parallel_loop3A_100 : i32 to index
        %parallel_loop3A_102 = tpu.vector_load %arg9[%parallel_loop3A_101] {strides = array<i32>} : memref<16384xf32, #tpu.memory_space<vmem>>, vector<16xf32>,
        tpu.vector_store %arg9[%parallel_loop3A_101], %parallel_loop3A_98 {strides = array<i32>} : memref<16384xf32, #tpu.memory_space<vmem>>, vector<16xf32>,
        %parallel_loop3A_103 = arith.constant 384 : i32
        %parallel_loop3A_104 = vector.broadcast %parallel_loop3A_103 : i32 to vector<16xi32>
        %parallel_loop3A_105 = arith.addi %parallel_loop3A_89, %parallel_loop3A_104 : vector<16xi32>
        %parallel_loop3A_106 = tpu.vector_load_idx %arg6[%parallel_loop3A_105] : memref<12288xf32, #tpu.memory_space<vmem>>[vector<16xi32>], vector<16xf32>,
        %parallel_loop3A_107 = arith.constant 128 : i32
        %parallel_loop3A_108 = arith.addi %parallel_loop3A_94, %parallel_loop3A_107 : i32
        %parallel_loop3A_109 = arith.index_cast %parallel_loop3A_108 : i32 to index
        %parallel_loop3A_110 = tpu.vector_load %arg9[%parallel_loop3A_109] {strides = array<i32>} : memref<16384xf32, #tpu.memory_space<vmem>>, vector<16xf32>,
        tpu.vector_store %arg9[%parallel_loop3A_109], %parallel_loop3A_106 {strides = array<i32>} : memref<16384xf32, #tpu.memory_space<vmem>>, vector<16xf32>,
        %parallel_loop3A_111 = arith.constant 768 : i32
        %parallel_loop3A_112 = vector.broadcast %parallel_loop3A_111 : i32 to vector<16xi32>
        %parallel_loop3A_113 = arith.addi %parallel_loop3A_89, %parallel_loop3A_112 : vector<16xi32>
        %parallel_loop3A_114 = tpu.vector_load_idx %arg6[%parallel_loop3A_113] : memref<12288xf32, #tpu.memory_space<vmem>>[vector<16xi32>], vector<16xf32>,
        %parallel_loop3A_115 = arith.constant 256 : i32
        %parallel_loop3A_116 = arith.addi %parallel_loop3A_94, %parallel_loop3A_115 : i32
        %parallel_loop3A_117 = arith.index_cast %parallel_loop3A_116 : i32 to index
        %parallel_loop3A_118 = tpu.vector_load %arg9[%parallel_loop3A_117] {strides = array<i32>} : memref<16384xf32, #tpu.memory_space<vmem>>, vector<16xf32>,
        tpu.vector_store %arg9[%parallel_loop3A_117], %parallel_loop3A_114 {strides = array<i32>} : memref<16384xf32, #tpu.memory_space<vmem>>, vector<16xf32>,
        %parallel_loop3A_119 = arith.constant 1152 : i32
        %parallel_loop3A_120 = vector.broadcast %parallel_loop3A_119 : i32 to vector<16xi32>
        %parallel_loop3A_121 = arith.addi %parallel_loop3A_89, %parallel_loop3A_120 : vector<16xi32>
        %parallel_loop3A_122 = tpu.vector_load_idx %arg6[%parallel_loop3A_121] : memref<12288xf32, #tpu.memory_space<vmem>>[vector<16xi32>], vector<16xf32>,
        %parallel_loop3A_123 = arith.constant 384 : i32
        %parallel_loop3A_124 = arith.addi %parallel_loop3A_94, %parallel_loop3A_123 : i32
        %parallel_loop3A_125 = arith.index_cast %parallel_loop3A_124 : i32 to index
        %parallel_loop3A_126 = tpu.vector_load %arg9[%parallel_loop3A_125] {strides = array<i32>} : memref<16384xf32, #tpu.memory_space<vmem>>, vector<16xf32>,
        tpu.vector_store %arg9[%parallel_loop3A_125], %parallel_loop3A_122 {strides = array<i32>} : memref<16384xf32, #tpu.memory_space<vmem>>, vector<16xf32>,
        %parallel_loop3A_127 = arith.constant 1536 : i32
        %parallel_loop3A_128 = vector.broadcast %parallel_loop3A_127 : i32 to vector<16xi32>
        %parallel_loop3A_129 = arith.addi %parallel_loop3A_89, %parallel_loop3A_128 : vector<16xi32>
        %parallel_loop3A_130 = tpu.vector_load_idx %arg6[%parallel_loop3A_129] : memref<12288xf32, #tpu.memory_space<vmem>>[vector<16xi32>], vector<16xf32>,
        %parallel_loop3A_131 = arith.constant 512 : i32
        %parallel_loop3A_132 = arith.addi %parallel_loop3A_94, %parallel_loop3A_131 : i32
        %parallel_loop3A_133 = arith.index_cast %parallel_loop3A_132 : i32 to index
        %parallel_loop3A_134 = tpu.vector_load %arg9[%parallel_loop3A_133] {strides = array<i32>} : memref<16384xf32, #tpu.memory_space<vmem>>, vector<16xf32>,
        tpu.vector_store %arg9[%parallel_loop3A_133], %parallel_loop3A_130 {strides = array<i32>} : memref<16384xf32, #tpu.memory_space<vmem>>, vector<16xf32>,
        %parallel_loop3A_135 = arith.constant 1920 : i32
        %parallel_loop3A_136 = vector.broadcast %parallel_loop3A_135 : i32 to vector<16xi32>
        %parallel_loop3A_137 = arith.addi %parallel_loop3A_89, %parallel_loop3A_136 : vector<16xi32>
        %parallel_loop3A_138 = tpu.vector_load_idx %arg6[%parallel_loop3A_137] : memref<12288xf32, #tpu.memory_space<vmem>>[vector<16xi32>], vector<16xf32>,
        %parallel_loop3A_139 = arith.constant 640 : i32
        %parallel_loop3A_140 = arith.addi %parallel_loop3A_94, %parallel_loop3A_139 : i32
        %parallel_loop3A_141 = arith.index_cast %parallel_loop3A_140 : i32 to index
        %parallel_loop3A_142 = tpu.vector_load %arg9[%parallel_loop3A_141] {strides = array<i32>} : memref<16384xf32, #tpu.memory_space<vmem>>, vector<16xf32>,
        tpu.vector_store %arg9[%parallel_loop3A_141], %parallel_loop3A_138 {strides = array<i32>} : memref<16384xf32, #tpu.memory_space<vmem>>, vector<16xf32>,
        %parallel_loop3A_143 = arith.constant 2304 : i32
        %parallel_loop3A_144 = vector.broadcast %parallel_loop3A_143 : i32 to vector<16xi32>
        %parallel_loop3A_145 = arith.addi %parallel_loop3A_89, %parallel_loop3A_144 : vector<16xi32>
        %parallel_loop3A_146 = tpu.vector_load_idx %arg6[%parallel_loop3A_145] : memref<12288xf32, #tpu.memory_space<vmem>>[vector<16xi32>], vector<16xf32>,
        %parallel_loop3A_147 = arith.constant 768 : i32
        %parallel_loop3A_148 = arith.addi %parallel_loop3A_94, %parallel_loop3A_147 : i32
        %parallel_loop3A_149 = arith.index_cast %parallel_loop3A_148 : i32 to index
        %parallel_loop3A_150 = tpu.vector_load %arg9[%parallel_loop3A_149] {strides = array<i32>} : memref<16384xf32, #tpu.memory_space<vmem>>, vector<16xf32>,
        tpu.vector_store %arg9[%parallel_loop3A_149], %parallel_loop3A_146 {strides = array<i32>} : memref<16384xf32, #tpu.memory_space<vmem>>, vector<16xf32>,
        %parallel_loop3A_151 = arith.constant 2688 : i32
        %parallel_loop3A_152 = vector.broadcast %parallel_loop3A_151 : i32 to vector<16xi32>
        %parallel_loop3A_153 = arith.addi %parallel_loop3A_89, %parallel_loop3A_152 : vector<16xi32>
        %parallel_loop3A_154 = tpu.vector_load_idx %arg6[%parallel_loop3A_153] : memref<12288xf32, #tpu.memory_space<vmem>>[vector<16xi32>], vector<16xf32>,
        %parallel_loop3A_155 = arith.constant 896 : i32
        %parallel_loop3A_156 = arith.addi %parallel_loop3A_94, %parallel_loop3A_155 : i32
        %parallel_loop3A_157 = arith.index_cast %parallel_loop3A_156 : i32 to index
        %parallel_loop3A_158 = tpu.vector_load %arg9[%parallel_loop3A_157] {strides = array<i32>} : memref<16384xf32, #tpu.memory_space<vmem>>, vector<16xf32>,
        tpu.vector_store %arg9[%parallel_loop3A_157], %parallel_loop3A_154 {strides = array<i32>} : memref<16384xf32, #tpu.memory_space<vmem>>, vector<16xf32>,
        %parallel_loop3A_159 = arith.constant 3072 : i32
        %parallel_loop3A_160 = vector.broadcast %parallel_loop3A_159 : i32 to vector<16xi32>
        %parallel_loop3A_161 = arith.addi %parallel_loop3A_89, %parallel_loop3A_160 : vector<16xi32>
        %parallel_loop3A_162 = tpu.vector_load_idx %arg6[%parallel_loop3A_161] : memref<12288xf32, #tpu.memory_space<vmem>>[vector<16xi32>], vector<16xf32>,
        %parallel_loop3A_163 = arith.constant 1024 : i32
        %parallel_loop3A_164 = arith.addi %parallel_loop3A_94, %parallel_loop3A_163 : i32
        %parallel_loop3A_165 = arith.index_cast %parallel_loop3A_164 : i32 to index
        %parallel_loop3A_166 = tpu.vector_load %arg9[%parallel_loop3A_165] {strides = array<i32>} : memref<16384xf32, #tpu.memory_space<vmem>>, vector<16xf32>,
        tpu.vector_store %arg9[%parallel_loop3A_165], %parallel_loop3A_162 {strides = array<i32>} : memref<16384xf32, #tpu.memory_space<vmem>>, vector<16xf32>,
        %parallel_loop3A_167 = arith.constant 3456 : i32
        %parallel_loop3A_168 = vector.broadcast %parallel_loop3A_167 : i32 to vector<16xi32>
        %parallel_loop3A_169 = arith.addi %parallel_loop3A_89, %parallel_loop3A_168 : vector<16xi32>
        %parallel_loop3A_170 = tpu.vector_load_idx %arg6[%parallel_loop3A_169] : memref<12288xf32, #tpu.memory_space<vmem>>[vector<16xi32>], vector<16xf32>,
        %parallel_loop3A_171 = arith.constant 1152 : i32
        %parallel_loop3A_172 = arith.addi %parallel_loop3A_94, %parallel_loop3A_171 : i32
        %parallel_loop3A_173 = arith.index_cast %parallel_loop3A_172 : i32 to index
        %parallel_loop3A_174 = tpu.vector_load %arg9[%parallel_loop3A_173] {strides = array<i32>} : memref<16384xf32, #tpu.memory_space<vmem>>, vector<16xf32>,
        tpu.vector_store %arg9[%parallel_loop3A_173], %parallel_loop3A_170 {strides = array<i32>} : memref<16384xf32, #tpu.memory_space<vmem>>, vector<16xf32>,
        %parallel_loop3A_175 = arith.constant 3840 : i32
        %parallel_loop3A_176 = vector.broadcast %parallel_loop3A_175 : i32 to vector<16xi32>
        %parallel_loop3A_177 = arith.addi %parallel_loop3A_89, %parallel_loop3A_176 : vector<16xi32>
        %parallel_loop3A_178 = tpu.vector_load_idx %arg6[%parallel_loop3A_177] : memref<12288xf32, #tpu.memory_space<vmem>>[vector<16xi32>], vector<16xf32>,
        %parallel_loop3A_179 = arith.constant 1280 : i32
        %parallel_loop3A_180 = arith.addi %parallel_loop3A_94, %parallel_loop3A_179 : i32
        %parallel_loop3A_181 = arith.index_cast %parallel_loop3A_180 : i32 to index
        %parallel_loop3A_182 = tpu.vector_load %arg9[%parallel_loop3A_181] {strides = array<i32>} : memref<16384xf32, #tpu.memory_space<vmem>>, vector<16xf32>,
        tpu.vector_store %arg9[%parallel_loop3A_181], %parallel_loop3A_178 {strides = array<i32>} : memref<16384xf32, #tpu.memory_space<vmem>>, vector<16xf32>,
        %parallel_loop3A_183 = arith.constant 4224 : i32
        %parallel_loop3A_184 = vector.broadcast %parallel_loop3A_183 : i32 to vector<16xi32>
        %parallel_loop3A_185 = arith.addi %parallel_loop3A_89, %parallel_loop3A_184 : vector<16xi32>
        %parallel_loop3A_186 = tpu.vector_load_idx %arg6[%parallel_loop3A_185] : memref<12288xf32, #tpu.memory_space<vmem>>[vector<16xi32>], vector<16xf32>,
        %parallel_loop3A_187 = arith.constant 1408 : i32
        %parallel_loop3A_188 = arith.addi %parallel_loop3A_94, %parallel_loop3A_187 : i32
        %parallel_loop3A_189 = arith.index_cast %parallel_loop3A_188 : i32 to index
        %parallel_loop3A_190 = tpu.vector_load %arg9[%parallel_loop3A_189] {strides = array<i32>} : memref<16384xf32, #tpu.memory_space<vmem>>, vector<16xf32>,
        tpu.vector_store %arg9[%parallel_loop3A_189], %parallel_loop3A_186 {strides = array<i32>} : memref<16384xf32, #tpu.memory_space<vmem>>, vector<16xf32>,
        %parallel_loop3A_191 = arith.constant 4608 : i32
        %parallel_loop3A_192 = vector.broadcast %parallel_loop3A_191 : i32 to vector<16xi32>
        %parallel_loop3A_193 = arith.addi %parallel_loop3A_89, %parallel_loop3A_192 : vector<16xi32>
        %parallel_loop3A_194 = tpu.vector_load_idx %arg6[%parallel_loop3A_193] : memref<12288xf32, #tpu.memory_space<vmem>>[vector<16xi32>], vector<16xf32>,
        %parallel_loop3A_195 = arith.constant 1536 : i32
        %parallel_loop3A_196 = arith.addi %parallel_loop3A_94, %parallel_loop3A_195 : i32
        %parallel_loop3A_197 = arith.index_cast %parallel_loop3A_196 : i32 to index
        %parallel_loop3A_198 = tpu.vector_load %arg9[%parallel_loop3A_197] {strides = array<i32>} : memref<16384xf32, #tpu.memory_space<vmem>>, vector<16xf32>,
        tpu.vector_store %arg9[%parallel_loop3A_197], %parallel_loop3A_194 {strides = array<i32>} : memref<16384xf32, #tpu.memory_space<vmem>>, vector<16xf32>,
        %parallel_loop3A_199 = arith.constant 4992 : i32
        %parallel_loop3A_200 = vector.broadcast %parallel_loop3A_199 : i32 to vector<16xi32>
        %parallel_loop3A_201 = arith.addi %parallel_loop3A_89, %parallel_loop3A_200 : vector<16xi32>
        %parallel_loop3A_202 = tpu.vector_load_idx %arg6[%parallel_loop3A_201] : memref<12288xf32, #tpu.memory_space<vmem>>[vector<16xi32>], vector<16xf32>,
        %parallel_loop3A_203 = arith.constant 1664 : i32
        %parallel_loop3A_204 = arith.addi %parallel_loop3A_94, %parallel_loop3A_203 : i32
        %parallel_loop3A_205 = arith.index_cast %parallel_loop3A_204 : i32 to index
        %parallel_loop3A_206 = tpu.vector_load %arg9[%parallel_loop3A_205] {strides = array<i32>} : memref<16384xf32, #tpu.memory_space<vmem>>, vector<16xf32>,
        tpu.vector_store %arg9[%parallel_loop3A_205], %parallel_loop3A_202 {strides = array<i32>} : memref<16384xf32, #tpu.memory_space<vmem>>, vector<16xf32>,
        %parallel_loop3A_207 = arith.constant 5376 : i32
        %parallel_loop3A_208 = vector.broadcast %parallel_loop3A_207 : i32 to vector<16xi32>
        %parallel_loop3A_209 = arith.addi %parallel_loop3A_89, %parallel_loop3A_208 : vector<16xi32>
        %parallel_loop3A_210 = tpu.vector_load_idx %arg6[%parallel_loop3A_209] : memref<12288xf32, #tpu.memory_space<vmem>>[vector<16xi32>], vector<16xf32>,
        %parallel_loop3A_211 = arith.constant 1792 : i32
        %parallel_loop3A_212 = arith.addi %parallel_loop3A_94, %parallel_loop3A_211 : i32
        %parallel_loop3A_213 = arith.index_cast %parallel_loop3A_212 : i32 to index
        %parallel_loop3A_214 = tpu.vector_load %arg9[%parallel_loop3A_213] {strides = array<i32>} : memref<16384xf32, #tpu.memory_space<vmem>>, vector<16xf32>,
        tpu.vector_store %arg9[%parallel_loop3A_213], %parallel_loop3A_210 {strides = array<i32>} : memref<16384xf32, #tpu.memory_space<vmem>>, vector<16xf32>,
        %parallel_loop3A_215 = arith.constant 5760 : i32
        %parallel_loop3A_216 = vector.broadcast %parallel_loop3A_215 : i32 to vector<16xi32>
        %parallel_loop3A_217 = arith.addi %parallel_loop3A_89, %parallel_loop3A_216 : vector<16xi32>
        %parallel_loop3A_218 = tpu.vector_load_idx %arg6[%parallel_loop3A_217] : memref<12288xf32, #tpu.memory_space<vmem>>[vector<16xi32>], vector<16xf32>,
        %parallel_loop3A_219 = arith.constant 1920 : i32
        %parallel_loop3A_220 = arith.addi %parallel_loop3A_94, %parallel_loop3A_219 : i32
        %parallel_loop3A_221 = arith.index_cast %parallel_loop3A_220 : i32 to index
        %parallel_loop3A_222 = tpu.vector_load %arg9[%parallel_loop3A_221] {strides = array<i32>} : memref<16384xf32, #tpu.memory_space<vmem>>, vector<16xf32>,
        tpu.vector_store %arg9[%parallel_loop3A_221], %parallel_loop3A_218 {strides = array<i32>} : memref<16384xf32, #tpu.memory_space<vmem>>, vector<16xf32>,
        %parallel_loop3A_223 = arith.constant 6144 : i32
        %parallel_loop3A_224 = vector.broadcast %parallel_loop3A_223 : i32 to vector<16xi32>
        %parallel_loop3A_225 = arith.addi %parallel_loop3A_89, %parallel_loop3A_224 : vector<16xi32>
        %parallel_loop3A_226 = tpu.vector_load_idx %arg6[%parallel_loop3A_225] : memref<12288xf32, #tpu.memory_space<vmem>>[vector<16xi32>], vector<16xf32>,
        %parallel_loop3A_227 = arith.constant 2048 : i32
        %parallel_loop3A_228 = arith.addi %parallel_loop3A_94, %parallel_loop3A_227 : i32
        %parallel_loop3A_229 = arith.index_cast %parallel_loop3A_228 : i32 to index
        %parallel_loop3A_230 = tpu.vector_load %arg9[%parallel_loop3A_229] {strides = array<i32>} : memref<16384xf32, #tpu.memory_space<vmem>>, vector<16xf32>,
        tpu.vector_store %arg9[%parallel_loop3A_229], %parallel_loop3A_226 {strides = array<i32>} : memref<16384xf32, #tpu.memory_space<vmem>>, vector<16xf32>,
        %parallel_loop3A_231 = arith.constant 6528 : i32
        %parallel_loop3A_232 = vector.broadcast %parallel_loop3A_231 : i32 to vector<16xi32>
        %parallel_loop3A_233 = arith.addi %parallel_loop3A_89, %parallel_loop3A_232 : vector<16xi32>
        %parallel_loop3A_234 = tpu.vector_load_idx %arg6[%parallel_loop3A_233] : memref<12288xf32, #tpu.memory_space<vmem>>[vector<16xi32>], vector<16xf32>,
        %parallel_loop3A_235 = arith.constant 2176 : i32
        %parallel_loop3A_236 = arith.addi %parallel_loop3A_94, %parallel_loop3A_235 : i32
        %parallel_loop3A_237 = arith.index_cast %parallel_loop3A_236 : i32 to index
        %parallel_loop3A_238 = tpu.vector_load %arg9[%parallel_loop3A_237] {strides = array<i32>} : memref<16384xf32, #tpu.memory_space<vmem>>, vector<16xf32>,
        tpu.vector_store %arg9[%parallel_loop3A_237], %parallel_loop3A_234 {strides = array<i32>} : memref<16384xf32, #tpu.memory_space<vmem>>, vector<16xf32>,
        %parallel_loop3A_239 = arith.constant 6912 : i32
        %parallel_loop3A_240 = vector.broadcast %parallel_loop3A_239 : i32 to vector<16xi32>
        %parallel_loop3A_241 = arith.addi %parallel_loop3A_89, %parallel_loop3A_240 : vector<16xi32>
        %parallel_loop3A_242 = tpu.vector_load_idx %arg6[%parallel_loop3A_241] : memref<12288xf32, #tpu.memory_space<vmem>>[vector<16xi32>], vector<16xf32>,
        %parallel_loop3A_243 = arith.constant 2304 : i32
        %parallel_loop3A_244 = arith.addi %parallel_loop3A_94, %parallel_loop3A_243 : i32
        %parallel_loop3A_245 = arith.index_cast %parallel_loop3A_244 : i32 to index
        %parallel_loop3A_246 = tpu.vector_load %arg9[%parallel_loop3A_245] {strides = array<i32>} : memref<16384xf32, #tpu.memory_space<vmem>>, vector<16xf32>,
        tpu.vector_store %arg9[%parallel_loop3A_245], %parallel_loop3A_242 {strides = array<i32>} : memref<16384xf32, #tpu.memory_space<vmem>>, vector<16xf32>,
        %parallel_loop3A_247 = arith.constant 7296 : i32
        %parallel_loop3A_248 = vector.broadcast %parallel_loop3A_247 : i32 to vector<16xi32>
        %parallel_loop3A_249 = arith.addi %parallel_loop3A_89, %parallel_loop3A_248 : vector<16xi32>
        %parallel_loop3A_250 = tpu.vector_load_idx %arg6[%parallel_loop3A_249] : memref<12288xf32, #tpu.memory_space<vmem>>[vector<16xi32>], vector<16xf32>,
        %parallel_loop3A_251 = arith.constant 2432 : i32
        %parallel_loop3A_252 = arith.addi %parallel_loop3A_94, %parallel_loop3A_251 : i32
        %parallel_loop3A_253 = arith.index_cast %parallel_loop3A_252 : i32 to index
        %parallel_loop3A_254 = tpu.vector_load %arg9[%parallel_loop3A_253] {strides = array<i32>} : memref<16384xf32, #tpu.memory_space<vmem>>, vector<16xf32>,
        tpu.vector_store %arg9[%parallel_loop3A_253], %parallel_loop3A_250 {strides = array<i32>} : memref<16384xf32, #tpu.memory_space<vmem>>, vector<16xf32>,
        %parallel_loop3A_255 = arith.constant 7680 : i32
        %parallel_loop3A_256 = vector.broadcast %parallel_loop3A_255 : i32 to vector<16xi32>
        %parallel_loop3A_257 = arith.addi %parallel_loop3A_89, %parallel_loop3A_256 : vector<16xi32>
        %parallel_loop3A_258 = tpu.vector_load_idx %arg6[%parallel_loop3A_257] : memref<12288xf32, #tpu.memory_space<vmem>>[vector<16xi32>], vector<16xf32>,
        %parallel_loop3A_259 = arith.constant 2560 : i32
        %parallel_loop3A_260 = arith.addi %parallel_loop3A_94, %parallel_loop3A_259 : i32
        %parallel_loop3A_261 = arith.index_cast %parallel_loop3A_260 : i32 to index
        %parallel_loop3A_262 = tpu.vector_load %arg9[%parallel_loop3A_261] {strides = array<i32>} : memref<16384xf32, #tpu.memory_space<vmem>>, vector<16xf32>,
        tpu.vector_store %arg9[%parallel_loop3A_261], %parallel_loop3A_258 {strides = array<i32>} : memref<16384xf32, #tpu.memory_space<vmem>>, vector<16xf32>,
        %parallel_loop3A_263 = arith.constant 8064 : i32
        %parallel_loop3A_264 = vector.broadcast %parallel_loop3A_263 : i32 to vector<16xi32>
        %parallel_loop3A_265 = arith.addi %parallel_loop3A_89, %parallel_loop3A_264 : vector<16xi32>
        %parallel_loop3A_266 = tpu.vector_load_idx %arg6[%parallel_loop3A_265] : memref<12288xf32, #tpu.memory_space<vmem>>[vector<16xi32>], vector<16xf32>,
        %parallel_loop3A_267 = arith.constant 2688 : i32
        %parallel_loop3A_268 = arith.addi %parallel_loop3A_94, %parallel_loop3A_267 : i32
        %parallel_loop3A_269 = arith.index_cast %parallel_loop3A_268 : i32 to index
        %parallel_loop3A_270 = tpu.vector_load %arg9[%parallel_loop3A_269] {strides = array<i32>} : memref<16384xf32, #tpu.memory_space<vmem>>, vector<16xf32>,
        tpu.vector_store %arg9[%parallel_loop3A_269], %parallel_loop3A_266 {strides = array<i32>} : memref<16384xf32, #tpu.memory_space<vmem>>, vector<16xf32>,
        %parallel_loop3A_271 = arith.constant 8448 : i32
        %parallel_loop3A_272 = vector.broadcast %parallel_loop3A_271 : i32 to vector<16xi32>
        %parallel_loop3A_273 = arith.addi %parallel_loop3A_89, %parallel_loop3A_272 : vector<16xi32>
        %parallel_loop3A_274 = tpu.vector_load_idx %arg6[%parallel_loop3A_273] : memref<12288xf32, #tpu.memory_space<vmem>>[vector<16xi32>], vector<16xf32>,
        %parallel_loop3A_275 = arith.constant 2816 : i32
        %parallel_loop3A_276 = arith.addi %parallel_loop3A_94, %parallel_loop3A_275 : i32
        %parallel_loop3A_277 = arith.index_cast %parallel_loop3A_276 : i32 to index
        %parallel_loop3A_278 = tpu.vector_load %arg9[%parallel_loop3A_277] {strides = array<i32>} : memref<16384xf32, #tpu.memory_space<vmem>>, vector<16xf32>,
        tpu.vector_store %arg9[%parallel_loop3A_277], %parallel_loop3A_274 {strides = array<i32>} : memref<16384xf32, #tpu.memory_space<vmem>>, vector<16xf32>,
        %parallel_loop3A_279 = arith.constant 8832 : i32
        %parallel_loop3A_280 = vector.broadcast %parallel_loop3A_279 : i32 to vector<16xi32>
        %parallel_loop3A_281 = arith.addi %parallel_loop3A_89, %parallel_loop3A_280 : vector<16xi32>
        %parallel_loop3A_282 = tpu.vector_load_idx %arg6[%parallel_loop3A_281] : memref<12288xf32, #tpu.memory_space<vmem>>[vector<16xi32>], vector<16xf32>,
        %parallel_loop3A_283 = arith.constant 2944 : i32
        %parallel_loop3A_284 = arith.addi %parallel_loop3A_94, %parallel_loop3A_283 : i32
        %parallel_loop3A_285 = arith.index_cast %parallel_loop3A_284 : i32 to index
        %parallel_loop3A_286 = tpu.vector_load %arg9[%parallel_loop3A_285] {strides = array<i32>} : memref<16384xf32, #tpu.memory_space<vmem>>, vector<16xf32>,
        tpu.vector_store %arg9[%parallel_loop3A_285], %parallel_loop3A_282 {strides = array<i32>} : memref<16384xf32, #tpu.memory_space<vmem>>, vector<16xf32>,
        %parallel_loop3A_287 = arith.constant 9216 : i32
        %parallel_loop3A_288 = vector.broadcast %parallel_loop3A_287 : i32 to vector<16xi32>
        %parallel_loop3A_289 = arith.addi %parallel_loop3A_89, %parallel_loop3A_288 : vector<16xi32>
        %parallel_loop3A_290 = tpu.vector_load_idx %arg6[%parallel_loop3A_289] : memref<12288xf32, #tpu.memory_space<vmem>>[vector<16xi32>], vector<16xf32>,
        %parallel_loop3A_291 = arith.constant 3072 : i32
        %parallel_loop3A_292 = arith.addi %parallel_loop3A_94, %parallel_loop3A_291 : i32
        %parallel_loop3A_293 = arith.index_cast %parallel_loop3A_292 : i32 to index
        %parallel_loop3A_294 = tpu.vector_load %arg9[%parallel_loop3A_293] {strides = array<i32>} : memref<16384xf32, #tpu.memory_space<vmem>>, vector<16xf32>,
        tpu.vector_store %arg9[%parallel_loop3A_293], %parallel_loop3A_290 {strides = array<i32>} : memref<16384xf32, #tpu.memory_space<vmem>>, vector<16xf32>,
        %parallel_loop3A_295 = arith.constant 9600 : i32
        %parallel_loop3A_296 = vector.broadcast %parallel_loop3A_295 : i32 to vector<16xi32>
        %parallel_loop3A_297 = arith.addi %parallel_loop3A_89, %parallel_loop3A_296 : vector<16xi32>
        %parallel_loop3A_298 = tpu.vector_load_idx %arg6[%parallel_loop3A_297] : memref<12288xf32, #tpu.memory_space<vmem>>[vector<16xi32>], vector<16xf32>,
        %parallel_loop3A_299 = arith.constant 3200 : i32
        %parallel_loop3A_300 = arith.addi %parallel_loop3A_94, %parallel_loop3A_299 : i32
        %parallel_loop3A_301 = arith.index_cast %parallel_loop3A_300 : i32 to index
        %parallel_loop3A_302 = tpu.vector_load %arg9[%parallel_loop3A_301] {strides = array<i32>} : memref<16384xf32, #tpu.memory_space<vmem>>, vector<16xf32>,
        tpu.vector_store %arg9[%parallel_loop3A_301], %parallel_loop3A_298 {strides = array<i32>} : memref<16384xf32, #tpu.memory_space<vmem>>, vector<16xf32>,
        %parallel_loop3A_303 = arith.constant 9984 : i32
        %parallel_loop3A_304 = vector.broadcast %parallel_loop3A_303 : i32 to vector<16xi32>
        %parallel_loop3A_305 = arith.addi %parallel_loop3A_89, %parallel_loop3A_304 : vector<16xi32>
        %parallel_loop3A_306 = tpu.vector_load_idx %arg6[%parallel_loop3A_305] : memref<12288xf32, #tpu.memory_space<vmem>>[vector<16xi32>], vector<16xf32>,
        %parallel_loop3A_307 = arith.constant 3328 : i32
        %parallel_loop3A_308 = arith.addi %parallel_loop3A_94, %parallel_loop3A_307 : i32
        %parallel_loop3A_309 = arith.index_cast %parallel_loop3A_308 : i32 to index
        %parallel_loop3A_310 = tpu.vector_load %arg9[%parallel_loop3A_309] {strides = array<i32>} : memref<16384xf32, #tpu.memory_space<vmem>>, vector<16xf32>,
        tpu.vector_store %arg9[%parallel_loop3A_309], %parallel_loop3A_306 {strides = array<i32>} : memref<16384xf32, #tpu.memory_space<vmem>>, vector<16xf32>,
        %parallel_loop3A_311 = arith.constant 10368 : i32
        %parallel_loop3A_312 = vector.broadcast %parallel_loop3A_311 : i32 to vector<16xi32>
        %parallel_loop3A_313 = arith.addi %parallel_loop3A_89, %parallel_loop3A_312 : vector<16xi32>
        %parallel_loop3A_314 = tpu.vector_load_idx %arg6[%parallel_loop3A_313] : memref<12288xf32, #tpu.memory_space<vmem>>[vector<16xi32>], vector<16xf32>,
        %parallel_loop3A_315 = arith.constant 3456 : i32
        %parallel_loop3A_316 = arith.addi %parallel_loop3A_94, %parallel_loop3A_315 : i32
        %parallel_loop3A_317 = arith.index_cast %parallel_loop3A_316 : i32 to index
        %parallel_loop3A_318 = tpu.vector_load %arg9[%parallel_loop3A_317] {strides = array<i32>} : memref<16384xf32, #tpu.memory_space<vmem>>, vector<16xf32>,
        tpu.vector_store %arg9[%parallel_loop3A_317], %parallel_loop3A_314 {strides = array<i32>} : memref<16384xf32, #tpu.memory_space<vmem>>, vector<16xf32>,
        %parallel_loop3A_319 = arith.constant 10752 : i32
        %parallel_loop3A_320 = vector.broadcast %parallel_loop3A_319 : i32 to vector<16xi32>
        %parallel_loop3A_321 = arith.addi %parallel_loop3A_89, %parallel_loop3A_320 : vector<16xi32>
        %parallel_loop3A_322 = tpu.vector_load_idx %arg6[%parallel_loop3A_321] : memref<12288xf32, #tpu.memory_space<vmem>>[vector<16xi32>], vector<16xf32>,
        %parallel_loop3A_323 = arith.constant 3584 : i32
        %parallel_loop3A_324 = arith.addi %parallel_loop3A_94, %parallel_loop3A_323 : i32
        %parallel_loop3A_325 = arith.index_cast %parallel_loop3A_324 : i32 to index
        %parallel_loop3A_326 = tpu.vector_load %arg9[%parallel_loop3A_325] {strides = array<i32>} : memref<16384xf32, #tpu.memory_space<vmem>>, vector<16xf32>,
        tpu.vector_store %arg9[%parallel_loop3A_325], %parallel_loop3A_322 {strides = array<i32>} : memref<16384xf32, #tpu.memory_space<vmem>>, vector<16xf32>,
        %parallel_loop3A_327 = arith.constant 11136 : i32
        %parallel_loop3A_328 = vector.broadcast %parallel_loop3A_327 : i32 to vector<16xi32>
        %parallel_loop3A_329 = arith.addi %parallel_loop3A_89, %parallel_loop3A_328 : vector<16xi32>
        %parallel_loop3A_330 = tpu.vector_load_idx %arg6[%parallel_loop3A_329] : memref<12288xf32, #tpu.memory_space<vmem>>[vector<16xi32>], vector<16xf32>,
        %parallel_loop3A_331 = arith.constant 3712 : i32
        %parallel_loop3A_332 = arith.addi %parallel_loop3A_94, %parallel_loop3A_331 : i32
        %parallel_loop3A_333 = arith.index_cast %parallel_loop3A_332 : i32 to index
        %parallel_loop3A_334 = tpu.vector_load %arg9[%parallel_loop3A_333] {strides = array<i32>} : memref<16384xf32, #tpu.memory_space<vmem>>, vector<16xf32>,
        tpu.vector_store %arg9[%parallel_loop3A_333], %parallel_loop3A_330 {strides = array<i32>} : memref<16384xf32, #tpu.memory_space<vmem>>, vector<16xf32>,
        %parallel_loop3A_335 = arith.constant 11520 : i32
        %parallel_loop3A_336 = vector.broadcast %parallel_loop3A_335 : i32 to vector<16xi32>
        %parallel_loop3A_337 = arith.addi %parallel_loop3A_89, %parallel_loop3A_336 : vector<16xi32>
        %parallel_loop3A_338 = tpu.vector_load_idx %arg6[%parallel_loop3A_337] : memref<12288xf32, #tpu.memory_space<vmem>>[vector<16xi32>], vector<16xf32>,
        %parallel_loop3A_339 = arith.constant 3840 : i32
        %parallel_loop3A_340 = arith.addi %parallel_loop3A_94, %parallel_loop3A_339 : i32
        %parallel_loop3A_341 = arith.index_cast %parallel_loop3A_340 : i32 to index
        %parallel_loop3A_342 = tpu.vector_load %arg9[%parallel_loop3A_341] {strides = array<i32>} : memref<16384xf32, #tpu.memory_space<vmem>>, vector<16xf32>,
        tpu.vector_store %arg9[%parallel_loop3A_341], %parallel_loop3A_338 {strides = array<i32>} : memref<16384xf32, #tpu.memory_space<vmem>>, vector<16xf32>,
        %parallel_loop3A_343 = arith.constant 11904 : i32
        %parallel_loop3A_344 = vector.broadcast %parallel_loop3A_343 : i32 to vector<16xi32>
        %parallel_loop3A_345 = arith.addi %parallel_loop3A_89, %parallel_loop3A_344 : vector<16xi32>
        %parallel_loop3A_346 = tpu.vector_load_idx %arg6[%parallel_loop3A_345] : memref<12288xf32, #tpu.memory_space<vmem>>[vector<16xi32>], vector<16xf32>,
        %parallel_loop3A_347 = arith.constant 3968 : i32
        %parallel_loop3A_348 = arith.addi %parallel_loop3A_94, %parallel_loop3A_347 : i32
        %parallel_loop3A_349 = arith.index_cast %parallel_loop3A_348 : i32 to index
        %parallel_loop3A_350 = tpu.vector_load %arg9[%parallel_loop3A_349] {strides = array<i32>} : memref<16384xf32, #tpu.memory_space<vmem>>, vector<16xf32>,
        tpu.vector_store %arg9[%parallel_loop3A_349], %parallel_loop3A_346 {strides = array<i32>} : memref<16384xf32, #tpu.memory_space<vmem>>, vector<16xf32>,
      } {sc.loop_unroll_factor = 1 : i64, sc.parallel_access}
      %mul3A_64 = arith.constant 256 : i32
      %mul3A_65 = arith.muli %add3A, %mul3A_64 : i32
      %mul3A_66 = arith.constant 4 : i32
      %mul3A_67 = arith.muli %add3A_52, %mul3A_66 : i32
      %add3A_68 = arith.addi %mul3A_65, %mul3A_67 : i32
      %mul3A_69 = arith.constant 4096 : i32
      %mul3A_70 = arith.muli %add3A_68, %mul3A_69 : i32
      %dma_start3A_71 = tpu.memref_slice %arg4[%mul3A_70] : memref<33554432xf32, #tpu.memory_space<hbm>> -> memref<16384xf32, #tpu.memory_space<hbm>>
      %dma_start3A_72 = tpu.memref_slice %arg4[%mul3A_70] : memref<33554432xf32, #tpu.memory_space<hbm>> -> memref<16384xf32, #tpu.memory_space<hbm>>
      tpu.enqueue_dma source(%arg9 : memref<16384xf32, #tpu.memory_space<vmem>>) target(%dma_start3A_72 : memref<16384xf32, #tpu.memory_space<hbm>>) target_semaphore(%arg12 : memref<!tpu.dma_semaphore, #tpu.memory_space<semaphore_mem>>)
    }
    %scan3A_11 = arith.constant 32 : i32
    %mul3A_12 = arith.constant 256 : i32
    %mul3A_13 = arith.muli %add3A, %mul3A_12 : i32
    %add3A_14 = arith.constant 248 : i32
    %add3A_15 = arith.addi %mul3A_13, %add3A_14 : i32
    %mul3A_16 = arith.constant 4096 : i32
    %mul3A_17 = arith.muli %add3A_15, %mul3A_16 : i32
    %dma_wait3A_18 = tpu.memref_slice %arg4[%mul3A_17] : memref<33554432xf32, #tpu.memory_space<hbm>> -> memref<16384xf32, #tpu.memory_space<hbm>>
    %dma_wait3A_19 = tpu.memref_slice %arg4[%mul3A_17] : memref<33554432xf32, #tpu.memory_space<hbm>> -> memref<16384xf32, #tpu.memory_space<hbm>>
    tpu.wait_dma2 semaphore(%arg11 : memref<!tpu.dma_semaphore, #tpu.memory_space<semaphore_mem>>) src(%arg8 : memref<16384xf32, #tpu.memory_space<vmem>>) dst(%dma_wait3A_19 : memref<16384xf32, #tpu.memory_space<hbm>>)
    %mul3A_20 = arith.constant 256 : i32
    %mul3A_21 = arith.muli %add3A, %mul3A_20 : i32
    %add3A_22 = arith.constant 252 : i32
    %add3A_23 = arith.addi %mul3A_21, %add3A_22 : i32
    %mul3A_24 = arith.constant 4096 : i32
    %mul3A_25 = arith.muli %add3A_23, %mul3A_24 : i32
    %dma_wait3A_26 = tpu.memref_slice %arg4[%mul3A_25] : memref<33554432xf32, #tpu.memory_space<hbm>> -> memref<16384xf32, #tpu.memory_space<hbm>>
    %dma_wait3A_27 = tpu.memref_slice %arg4[%mul3A_25] : memref<33554432xf32, #tpu.memory_space<hbm>> -> memref<16384xf32, #tpu.memory_space<hbm>>
    tpu.wait_dma2 semaphore(%arg12 : memref<!tpu.dma_semaphore, #tpu.memory_space<semaphore_mem>>) src(%arg9 : memref<16384xf32, #tpu.memory_space<vmem>>) dst(%dma_wait3A_27 : memref<16384xf32, #tpu.memory_space<hbm>>)
    return
  }
}

module attributes {stable_mosaic.version = 14 : i64} {
  func.func @_table_body(%arg0: memref<8x32xf32, #tpu.memory_space<vmem>>, %arg1: memref<8x32xf32, #tpu.memory_space<vmem>>, %arg2: memref<24x8xf32, #tpu.memory_space<vmem>>, %arg3: memref<24x1xf32, #tpu.memory_space<vmem>>, %arg4: memref<24x32xf32, #tpu.memory_space<vmem>>) attributes {dimension_semantics = [], scalar_prefetch = 0 : i64, scratch_operands = 0 : i64, tpu.core_type = #tpu.core_type<tc>} {
    %get3A = arith.constant 0 : index
    %get3A_0 = arith.constant 0 : index
    %get3A_1 = vector.load %arg2[%get3A, %get3A_0] : memref<24x8xf32, #tpu.memory_space<vmem>>, vector<24x8xf32>
    %get3A_2 = arith.constant 0 : index
    %get3A_3 = arith.constant 0 : index
    %get3A_4 = vector.load %arg3[%get3A_2, %get3A_3] : memref<24x1xf32, #tpu.memory_space<vmem>>, vector<24x1xf32>
    %get3A_5 = arith.constant 0 : index
    %get3A_6 = arith.constant 0 : index
    %get3A_7 = vector.load %arg0[%get3A_5, %get3A_6] : memref<8x32xf32, #tpu.memory_space<vmem>>, vector<8x32xf32>
    %get3A_8 = arith.constant 0 : index
    %get3A_9 = arith.constant 0 : index
    %get3A_10 = vector.load %arg1[%get3A_8, %get3A_9] : memref<8x32xf32, #tpu.memory_space<vmem>>, vector<8x32xf32>
    %broadcast_in_dim3A = arith.constant 0.000000e+00 : f32
    %broadcast_in_dim3A_11 = vector.broadcast %broadcast_in_dim3A : f32 to vector<24x32xf32>
    %slice3A = vector.extract_strided_slice %get3A_1 {offsets = [0, 0], sizes = [24, 1], strides = [1, 1]} : vector<24x8xf32> to vector<24x1xf32>
    %slice3A_12 = vector.extract_strided_slice %get3A_10 {offsets = [0, 0], sizes = [1, 32], strides = [1, 1]} : vector<8x32xf32> to vector<1x32xf32>
    %slice3A_13 = vector.extract_strided_slice %get3A_7 {offsets = [0, 0], sizes = [1, 32], strides = [1, 1]} : vector<8x32xf32> to vector<1x32xf32>
    %mul3A = vector.broadcast %get3A_4 : vector<24x1xf32> to vector<24x32xf32>
    %mul3A_14 = vector.broadcast %slice3A_13 : vector<1x32xf32> to vector<24x32xf32>
    %mul3A_15 = arith.mulf %mul3A, %mul3A_14 : vector<24x32xf32>
    %add3A = vector.broadcast %slice3A_12 : vector<1x32xf32> to vector<24x32xf32>
    %add3A_16 = arith.addf %add3A, %mul3A_15 : vector<24x32xf32>
    %mul3A_17 = vector.broadcast %slice3A : vector<24x1xf32> to vector<24x32xf32>
    %mul3A_18 = arith.mulf %mul3A_17, %add3A_16 : vector<24x32xf32>
    %add3A_19 = arith.addf %broadcast_in_dim3A_11, %mul3A_18 : vector<24x32xf32>
    %slice3A_20 = vector.extract_strided_slice %get3A_1 {offsets = [0, 1], sizes = [24, 1], strides = [1, 1]} : vector<24x8xf32> to vector<24x1xf32>
    %slice3A_21 = vector.extract_strided_slice %get3A_10 {offsets = [1, 0], sizes = [1, 32], strides = [1, 1]} : vector<8x32xf32> to vector<1x32xf32>
    %slice3A_22 = vector.extract_strided_slice %get3A_7 {offsets = [1, 0], sizes = [1, 32], strides = [1, 1]} : vector<8x32xf32> to vector<1x32xf32>
    %mul3A_23 = vector.broadcast %get3A_4 : vector<24x1xf32> to vector<24x32xf32>
    %mul3A_24 = vector.broadcast %slice3A_22 : vector<1x32xf32> to vector<24x32xf32>
    %mul3A_25 = arith.mulf %mul3A_23, %mul3A_24 : vector<24x32xf32>
    %add3A_26 = vector.broadcast %slice3A_21 : vector<1x32xf32> to vector<24x32xf32>
    %add3A_27 = arith.addf %add3A_26, %mul3A_25 : vector<24x32xf32>
    %mul3A_28 = vector.broadcast %slice3A_20 : vector<24x1xf32> to vector<24x32xf32>
    %mul3A_29 = arith.mulf %mul3A_28, %add3A_27 : vector<24x32xf32>
    %add3A_30 = arith.addf %add3A_19, %mul3A_29 : vector<24x32xf32>
    %slice3A_31 = vector.extract_strided_slice %get3A_1 {offsets = [0, 2], sizes = [24, 1], strides = [1, 1]} : vector<24x8xf32> to vector<24x1xf32>
    %slice3A_32 = vector.extract_strided_slice %get3A_10 {offsets = [2, 0], sizes = [1, 32], strides = [1, 1]} : vector<8x32xf32> to vector<1x32xf32>
    %slice3A_33 = vector.extract_strided_slice %get3A_7 {offsets = [2, 0], sizes = [1, 32], strides = [1, 1]} : vector<8x32xf32> to vector<1x32xf32>
    %mul3A_34 = vector.broadcast %get3A_4 : vector<24x1xf32> to vector<24x32xf32>
    %mul3A_35 = vector.broadcast %slice3A_33 : vector<1x32xf32> to vector<24x32xf32>
    %mul3A_36 = arith.mulf %mul3A_34, %mul3A_35 : vector<24x32xf32>
    %add3A_37 = vector.broadcast %slice3A_32 : vector<1x32xf32> to vector<24x32xf32>
    %add3A_38 = arith.addf %add3A_37, %mul3A_36 : vector<24x32xf32>
    %mul3A_39 = vector.broadcast %slice3A_31 : vector<24x1xf32> to vector<24x32xf32>
    %mul3A_40 = arith.mulf %mul3A_39, %add3A_38 : vector<24x32xf32>
    %add3A_41 = arith.addf %add3A_30, %mul3A_40 : vector<24x32xf32>
    %slice3A_42 = vector.extract_strided_slice %get3A_1 {offsets = [0, 3], sizes = [24, 1], strides = [1, 1]} : vector<24x8xf32> to vector<24x1xf32>
    %slice3A_43 = vector.extract_strided_slice %get3A_10 {offsets = [3, 0], sizes = [1, 32], strides = [1, 1]} : vector<8x32xf32> to vector<1x32xf32>
    %slice3A_44 = vector.extract_strided_slice %get3A_7 {offsets = [3, 0], sizes = [1, 32], strides = [1, 1]} : vector<8x32xf32> to vector<1x32xf32>
    %mul3A_45 = vector.broadcast %get3A_4 : vector<24x1xf32> to vector<24x32xf32>
    %mul3A_46 = vector.broadcast %slice3A_44 : vector<1x32xf32> to vector<24x32xf32>
    %mul3A_47 = arith.mulf %mul3A_45, %mul3A_46 : vector<24x32xf32>
    %add3A_48 = vector.broadcast %slice3A_43 : vector<1x32xf32> to vector<24x32xf32>
    %add3A_49 = arith.addf %add3A_48, %mul3A_47 : vector<24x32xf32>
    %mul3A_50 = vector.broadcast %slice3A_42 : vector<24x1xf32> to vector<24x32xf32>
    %mul3A_51 = arith.mulf %mul3A_50, %add3A_49 : vector<24x32xf32>
    %add3A_52 = arith.addf %add3A_41, %mul3A_51 : vector<24x32xf32>
    %slice3A_53 = vector.extract_strided_slice %get3A_1 {offsets = [0, 4], sizes = [24, 1], strides = [1, 1]} : vector<24x8xf32> to vector<24x1xf32>
    %slice3A_54 = vector.extract_strided_slice %get3A_10 {offsets = [4, 0], sizes = [1, 32], strides = [1, 1]} : vector<8x32xf32> to vector<1x32xf32>
    %slice3A_55 = vector.extract_strided_slice %get3A_7 {offsets = [4, 0], sizes = [1, 32], strides = [1, 1]} : vector<8x32xf32> to vector<1x32xf32>
    %mul3A_56 = vector.broadcast %get3A_4 : vector<24x1xf32> to vector<24x32xf32>
    %mul3A_57 = vector.broadcast %slice3A_55 : vector<1x32xf32> to vector<24x32xf32>
    %mul3A_58 = arith.mulf %mul3A_56, %mul3A_57 : vector<24x32xf32>
    %add3A_59 = vector.broadcast %slice3A_54 : vector<1x32xf32> to vector<24x32xf32>
    %add3A_60 = arith.addf %add3A_59, %mul3A_58 : vector<24x32xf32>
    %mul3A_61 = vector.broadcast %slice3A_53 : vector<24x1xf32> to vector<24x32xf32>
    %mul3A_62 = arith.mulf %mul3A_61, %add3A_60 : vector<24x32xf32>
    %add3A_63 = arith.addf %add3A_52, %mul3A_62 : vector<24x32xf32>
    %slice3A_64 = vector.extract_strided_slice %get3A_1 {offsets = [0, 5], sizes = [24, 1], strides = [1, 1]} : vector<24x8xf32> to vector<24x1xf32>
    %slice3A_65 = vector.extract_strided_slice %get3A_10 {offsets = [5, 0], sizes = [1, 32], strides = [1, 1]} : vector<8x32xf32> to vector<1x32xf32>
    %slice3A_66 = vector.extract_strided_slice %get3A_7 {offsets = [5, 0], sizes = [1, 32], strides = [1, 1]} : vector<8x32xf32> to vector<1x32xf32>
    %mul3A_67 = vector.broadcast %get3A_4 : vector<24x1xf32> to vector<24x32xf32>
    %mul3A_68 = vector.broadcast %slice3A_66 : vector<1x32xf32> to vector<24x32xf32>
    %mul3A_69 = arith.mulf %mul3A_67, %mul3A_68 : vector<24x32xf32>
    %add3A_70 = vector.broadcast %slice3A_65 : vector<1x32xf32> to vector<24x32xf32>
    %add3A_71 = arith.addf %add3A_70, %mul3A_69 : vector<24x32xf32>
    %mul3A_72 = vector.broadcast %slice3A_64 : vector<24x1xf32> to vector<24x32xf32>
    %mul3A_73 = arith.mulf %mul3A_72, %add3A_71 : vector<24x32xf32>
    %add3A_74 = arith.addf %add3A_63, %mul3A_73 : vector<24x32xf32>
    %slice3A_75 = vector.extract_strided_slice %get3A_1 {offsets = [0, 6], sizes = [24, 1], strides = [1, 1]} : vector<24x8xf32> to vector<24x1xf32>
    %slice3A_76 = vector.extract_strided_slice %get3A_10 {offsets = [6, 0], sizes = [1, 32], strides = [1, 1]} : vector<8x32xf32> to vector<1x32xf32>
    %slice3A_77 = vector.extract_strided_slice %get3A_7 {offsets = [6, 0], sizes = [1, 32], strides = [1, 1]} : vector<8x32xf32> to vector<1x32xf32>
    %mul3A_78 = vector.broadcast %get3A_4 : vector<24x1xf32> to vector<24x32xf32>
    %mul3A_79 = vector.broadcast %slice3A_77 : vector<1x32xf32> to vector<24x32xf32>
    %mul3A_80 = arith.mulf %mul3A_78, %mul3A_79 : vector<24x32xf32>
    %add3A_81 = vector.broadcast %slice3A_76 : vector<1x32xf32> to vector<24x32xf32>
    %add3A_82 = arith.addf %add3A_81, %mul3A_80 : vector<24x32xf32>
    %mul3A_83 = vector.broadcast %slice3A_75 : vector<24x1xf32> to vector<24x32xf32>
    %mul3A_84 = arith.mulf %mul3A_83, %add3A_82 : vector<24x32xf32>
    %add3A_85 = arith.addf %add3A_74, %mul3A_84 : vector<24x32xf32>
    %slice3A_86 = vector.extract_strided_slice %get3A_1 {offsets = [0, 7], sizes = [24, 1], strides = [1, 1]} : vector<24x8xf32> to vector<24x1xf32>
    %slice3A_87 = vector.extract_strided_slice %get3A_10 {offsets = [7, 0], sizes = [1, 32], strides = [1, 1]} : vector<8x32xf32> to vector<1x32xf32>
    %slice3A_88 = vector.extract_strided_slice %get3A_7 {offsets = [7, 0], sizes = [1, 32], strides = [1, 1]} : vector<8x32xf32> to vector<1x32xf32>
    %mul3A_89 = vector.broadcast %get3A_4 : vector<24x1xf32> to vector<24x32xf32>
    %mul3A_90 = vector.broadcast %slice3A_88 : vector<1x32xf32> to vector<24x32xf32>
    %mul3A_91 = arith.mulf %mul3A_89, %mul3A_90 : vector<24x32xf32>
    %add3A_92 = vector.broadcast %slice3A_87 : vector<1x32xf32> to vector<24x32xf32>
    %add3A_93 = arith.addf %add3A_92, %mul3A_91 : vector<24x32xf32>
    %mul3A_94 = vector.broadcast %slice3A_86 : vector<24x1xf32> to vector<24x32xf32>
    %mul3A_95 = arith.mulf %mul3A_94, %add3A_93 : vector<24x32xf32>
    %add3A_96 = arith.addf %add3A_85, %mul3A_95 : vector<24x32xf32>
    %swap3A = arith.constant 0 : index
    %swap3A_97 = arith.constant 0 : index
    %swap3A_98 = vector.load %arg4[%swap3A, %swap3A_97] : memref<24x32xf32, #tpu.memory_space<vmem>>, vector<24x32xf32>
    tpu.vector_store %arg4[%swap3A, %swap3A_97], %add3A_96 {strides = array<i32>} : memref<24x32xf32, #tpu.memory_space<vmem>>, vector<24x32xf32>,
    return
  }
}

</mosaic_0001>

<sc_bundles>
// kernel: kernel.4.cloned.1.call-start
scs
__scs_entry_jumppad:
0x0: {  	(pc) =	sbr.rel $0x88, $3  }
0x1: {  	(tag) =	ssettag $0x0;
	lr =	simm.s32 $0x1  }
0x2: {  	[smem:$0x3F9E] =	sst lr;
	_ =	strace $0xD0000000  }
0x3: {  	_ = 	snop  }
0x4: {  	_ = 	snop  }
0x5: {  	_ = 	snop  }
0x6: {  	_ = 	snop  }
0x7: {  	_ = 	snop  }
__scs_overlays_trampoline_lowered:
0x8: {  	[smem:$0x3FAD] =	sst s0  }
0x9: {  	[smem:$0x3FAE] =	sst s1  }
0xa: {  	[smem:$0x3FAF] =	sst s2  }
0xb: {  	[smem:$0x3FB0] =	sst s3  }
0xc: {  	[smem:$0x3FB1] =	sst s4  }
0xd: {  	[smem:$0x3FB2] =	sst s5  }
0xe: {  	[smem:$0x3FB3] =	sst s6  }
0xf: {  	[smem:$0x3FB4] =	sst s7  }
0x10: {  	[smem:$0x3FB5] =	sst s8  }
0x11: {  	[smem:$0x3FB6] =	sst s9;
	s0 =	simm.s32 @!p0 $0x0  }
0x12: {  	s1 =	sld [smem:$0x3F9C];
	s0 =	simm.s32 @p0 $0x1  }
0x13: {  	[smem:$0x3FB7] =	sst s0;
	s0 =	simm.s32 @!p1 $0x0  }
0x14: {  	s2 =	sld [smem:$0x3F9B];
	s0 =	simm.s32 @p1 $0x1  }
0x15: {  	[smem:$0x3FB8] =	sst s0;
	s0 =	simm.s32 @!p2 $0x0  }
0x16: {  	s3 =	sld [smem:$0x3FDB];
	s0 =	simm.s32 @p2 $0x1  }
0x17: {  	s4 =	simm.s32 $0x1BF5;
	[smem:$0x3FBA] =	sst s0  }
0x18: {  	s0 =	sld [smem:$0x3F9D];
	_ =	swait.ge [sflag:s4], $0x0  }
0x19: {  	s7 =	sld [smem:$0x3F9E]  }
0x1a: {  	s8 =	sadd.s32 $0xFFFFE003, lr  }
0x1b: {  	s9 =	sadd.s32 $0xFFFFFEF7, lr;
	s5 =	simm.s32 $0xFFFFFFFF;
	p2 =	slt.u32 s8, $0xFFFFF086  }
0x1c: {  	p1 =	slt.u32 s9, $0xF7A;
	s5 =	simm.s32 @!p2 $0x0  }
0x1d: {  	s5 =	simm.s32 @p1 $0x1;
	p0 =	seq.s32 s7, s2  }
0x1e: {  	s7 =	smul.u32 @!p0 $0xF7A, s2;
	p2 =	seq.s32 @!p0 s5, $0x0  }
0x1f: {  	s9 =	smul.u32 $0xF7A, s1;
	s8 =	simm.s32 @!p0 $0x1BF5;
	p2 =	por !p2, p0  }
0x20: {  	[sflag:s8] =	ssyncset.s32 @!p0 $0xFFFFF086;
	s6 =	sadd.s32 @!p0 s3, s7;
	s7 =	simm.s32 @!p0 $0x108  }
0x21: {  	s3 =	sadd.s32 s3, s9;
	s6 =	sadd.s32 @!p0 $0x88, s6;
	s7 =	simm.s32 @p2 $0x1082  }
0x22: {  	[simem:s7], [sflag:s8] =	dma.local @!p0 [hbm:s6], $0xF7A  }
0x23: {  	s9 =	sor.u32 $0xD0000000, s2;
	s6 =	simm.s32 $0x108;
	_ =	swait.ge @!p0 [sflag:s8], $0x0  }
0x24: {  	s3 =	sadd.s32 $0x88, s3;
	s6 =	simm.s32 @!p1 $0x1082;
	[sflag:s4] =	ssyncset.s32 $0xFFFFF086  }
0x25: {  	[simem:s6], [sflag:s4] =	dma.local [hbm:s3], $0xF7A  }
0x26: {  	[smem:$0x3F9E] =	sst s1;
	(tag) =	ssettag s2;
	_ =	strace s9  }
0x27: {  	s1 =	sld [smem:$0x3FAE]  }
0x28: {  	s2 =	sld [smem:$0x3FAF]  }
0x29: {  	s4 =	sld [smem:$0x3FB1]  }
0x2a: {  	p0 =	seq.s32 s5, $0x0;
	s5 =	sld [smem:$0x3FB2]  }
0x2b: {  	s6 =	sld [smem:$0x3FB3]  }
0x2c: {  	s7 =	sld [smem:$0x3FB4]  }
0x2d: {  	s3 =	simm.s32 $0x108;
	s8 =	sld [smem:$0x3FB5]  }
0x2e: {  	s3 =	simm.s32 @!p0 $0x1082;
	s9 =	sld [smem:$0x3FB6]  }
0x2f: {  	lr =	sadd.s32 s0, s3;
	s0 =	sld [smem:$0x3FAD]  }
0x30: {  	s3 =	sld [smem:$0x3FB0]  }
0x31: {  	[smem:$0x3FB9] =	sst s10  }
0x32: {  	s10 =	sld [smem:$0x3FB7];
	_ =	sdelay $0x3  }
0x33: {  	p0 =	seq.s32 s10, $0x1;
	s10 =	sld [smem:$0x3FB9];
	_ =	sdelay $0x3  }
0x34: {  	[smem:$0x3FB9] =	sst s10  }
0x35: {  	s10 =	sld [smem:$0x3FB8];
	_ =	sdelay $0x3  }
0x36: {  	p1 =	seq.s32 s10, $0x1;
	s10 =	sld [smem:$0x3FB9];
	_ =	sdelay $0x3  }
0x37: {  	[smem:$0x3FB9] =	sst s10  }
0x38: {  	s10 =	sld [smem:$0x3FBA]  }
0x39: {  	_ = 	snop;
	(pc) =	sbr.ind lr, $3  }
0x3a: {  	_ = 	snop  }
0x3b: {  	_ = 	snop  }
0x3c: {  	p2 =	seq.s32 s10, $0x1;
	s10 =	sld [smem:$0x3FB9]  }
0x3d: {  	_ =	shalt  }
0x3e: {  	_ =	shalt  }
0x3f: {  	_ =	shalt  }
0x40: {  	_ =	shalt  }
0x41: {  	_ =	shalt  }
0x42: {  	_ =	shalt  }
0x43: {  	_ =	shalt  }
0x44: {  	_ =	shalt  }
0x45: {  	_ =	shalt  }
0x46: {  	_ =	shalt  }
0x47: {  	_ =	shalt  }
0x48: {  	_ =	shalt  }
0x49: {  	_ =	shalt  }
0x4a: {  	_ =	shalt  }
0x4b: {  	_ =	shalt  }
0x4c: {  	_ =	shalt  }
0x4d: {  	_ =	shalt  }
0x4e: {  	_ =	shalt  }
0x4f: {  	_ =	shalt  }
0x50: {  	_ =	shalt  }
0x51: {  	_ =	shalt  }
0x52: {  	_ =	shalt  }
0x53: {  	_ =	shalt  }
0x54: {  	_ =	shalt  }
0x55: {  	_ =	shalt  }
0x56: {  	_ =	shalt  }
0x57: {  	_ =	shalt  }
0x58: {  	_ =	shalt  }
0x59: {  	_ =	shalt  }
0x5a: {  	_ =	shalt  }
0x5b: {  	_ =	shalt  }
0x5c: {  	_ =	shalt  }
0x5d: {  	_ =	shalt  }
0x5e: {  	_ =	shalt  }
0x5f: {  	_ =	shalt  }
0x60: {  	_ =	shalt  }
0x61: {  	_ =	shalt  }
0x62: {  	_ =	shalt  }
0x63: {  	_ =	shalt  }
0x64: {  	_ =	shalt  }
0x65: {  	_ =	shalt  }
0x66: {  	_ =	shalt  }
0x67: {  	_ =	shalt  }
0x68: {  	_ =	shalt  }
0x69: {  	_ =	shalt  }
0x6a: {  	_ =	shalt  }
0x6b: {  	_ =	shalt  }
0x6c: {  	_ =	shalt  }
0x6d: {  	_ =	shalt  }
0x6e: {  	_ =	shalt  }
0x6f: {  	_ =	shalt  }
0x70: {  	_ =	shalt  }
0x71: {  	_ =	shalt  }
0x72: {  	_ =	shalt  }
0x73: {  	_ =	shalt  }
0x74: {  	_ =	shalt  }
0x75: {  	_ =	shalt  }
0x76: {  	_ =	shalt  }
0x77: {  	_ =	shalt  }
0x78: {  	_ =	shalt  }
0x79: {  	_ =	shalt  }
0x7a: {  	_ =	shalt  }
0x7b: {  	_ =	shalt  }
0x7c: {  	_ =	shalt  }
0x7d: {  	_ =	shalt  }
0x7e: {  	_ =	shalt  }
0x7f: {  	_ =	shalt  }
0x80: {  	_ =	shalt  }
0x81: {  	_ =	shalt  }
0x82: {  	_ =	shalt  }
0x83: {  	_ =	shalt  }
0x84: {  	_ =	shalt  }
0x85: {  	_ =	shalt  }
0x86: {  	_ =	shalt  }
0x87: {  	_ =	shalt  }
.Lfunc_end0:
.L_simem_size_0:
called_computation_lowered:
.L_overlay_start_0:
0x88: {  	s2 =	sld [smem:$0x3FD9]  }
0x89: {  	s3 =	sld [smem:$0x3FFE];
	_ =	sdelay $0x1  }
0x8a: {  	s1 =	srdreg.scid  }
0x8b: {  	s0 =	sand.u32 $0x1, s1  }
0x8c: {  	s17 =	sshll.u32 s0, $0xA;
	s2 =	sadd.s32 s3, s2  }
0x8d: {  	s2 =	sadd.s32 s2, s17  }
0x8e: {  	[smem:$0x3FC5] =	sst s2  }
0x8f: {  	_ = 	snop  }
0x90: {  	s2 =	sld [smem:$0x3FC9]  }
0x91: {  	s18 =	sld [smem:$0x3FD0];
	(tm) =	ssettm $0x1  }
0x92: {  	s4 =	sld [smem:$0x3FFB];
	_ =	sdelay $0x3  }
0x93: {  	_ =	strace s4  }
0x94: {  	s4 =	sld [smem:$0x3FFC];
	_ =	sdelay $0x3  }
0x95: {  	_ =	strace s4  }
0x96: {  	s4 =	sld [smem:$0x3FFD];
	_ =	sdelay $0x3  }
0x97: {  	_ =	strace s4  }
0x98: {  	_ =	strace $0x8FFFFFFF  }
0x99: {  	s19 =	sld [smem:$0x3FDB];
	_ =	sdelay $0x1  }
0x9a: {  	s5 =	simm.s32 $_scs_section_size  }
0x9b: {  	s6 =	simm.s32 $_size__tile_overlayer_lowered;
	s7 =	simm.s32 $_tile_overlayer_lowered  }
0x9c: {  	s22 =	simm.s32 $0x1BFF;
	s21 =	sshll.u32 s7, $0x1;
	s4 =	sadd.s32 s5, s19  }
0x9d: {  	s8 =	simm.s32 $0x0;
	s20 =	sshll.u32 s6, $0x1;
	s6 =	sadd.s32 s21, s4  }
0x9e: {  	[timem:s8], [sflag:s22] =	dma.local [hbm:s6], s20  }
0x9f: {  	_ =	swait.ge [sflag:s22], s20  }
0xa0: {  	s5 =	ssub.s32 $0x0, s20;
	[sflag:s22] =	ssyncset.done $0x0  }
0xa1: {  	[sflag:s22] =	ssyncadd.s32 s5;
	_ =	sdelay $0x1  }
0xa2: {  	s23 =	simm.s32 $0x1B8B  }
0xa3: {  	_ =	swait.ge [sflag:s23], $0x1  }
0xa4: {  	[sflag:s23] =	ssyncset.done $0x0  }
0xa5: {  	s25 =	simm.s32 $0x1B8E;
	s24 =	sld [smem:$0x3FFE];
	[sflag:s23] =	ssyncadd.s32 $0xFFFFFFFF  }
0xa6: {  	s26 =	simm.s32 $execute0_lowered;
	[smem:$0x3FD2] =	sst s25  }
0xa7: {  	s6 =	sshll.u32 s26, $0x1;
	_ =	strace $0x80000046;
	[dreg:$0x1] =	wrdreg $0xFFFFFFFF  }
0xa8: {  	s28 =	simm.s32 $_size_execute0_lowered;
	s4 =	sadd.s32 s4, s6;
	[dreg:$0x0] =	wrdreg $0x0  }
0xa9: {  	s6 =	sshll.u32 s28, $0x1;
	[dreg:$0x2] =	wrdreg s4  }
0xaa: {  	[dreg:$0x3] =	wrdreg s6  }
0xab: {  	[dreg:$0x4] =	wrdreg $0xC0  }
0xac: {  	_ =	task [dreg:s8], $0x5FFFF  }
0xad: {  	[dreg:$0x1] =	wrdreg $0xFFFFFFFF  }
0xae: {  	[dreg:$0x0] =	wrdreg $0x60  }
0xaf: {  	[dreg:$0x2] =	wrdreg s24  }
0xb0: {  	[dreg:$0x3] =	wrdreg s2  }
0xb1: {  	[dreg:$0x4] =	wrdreg s18  }
0xb2: {  	[dreg:$0x5] =	wrdreg $0x9  }
0xb3: {  	_ =	task.clear_ibuf [dreg:s8], $0x6FFFF;
	_ =	strace $0x90000046  }
0xb4: {  	s29 =	simm.s32 $0x9;
	_ =	strace $0x80000048  }
0xb5: {  	_ =	swait.ge [sflag:s29], $0x1  }
0xb6: {  	[sflag:s29] =	ssyncadd.s32 $0xFFFFFFFF  }
0xb7: {  	_ =	strace $0x90000048  }
0xb8: {  	_ =	sfence  }
0xb9: {  	s30 =	sld [smem:$0x0];
	_ =	sdelay $0x2  }
0xba: {  	s31 =	sshll.u32 s1, $0xD;
	s1 =	sshrl.u32 s1, $0x2  }
0xbb: {  	s3 =	sand.u32 $0x4000, s31;
	s1 =	sadd.s32 s1, s30  }
0xbc: {  	s0 =	sor.u32 s3, s0;
	s1 =	sshll.u32 s1, $0x11  }
0xbd: {  	s0 =	sor.u32 s1, s0  }
0xbe: {  	s0 =	sadd.s32 $0x8F2B, s0  }
0xbf: {  	[sflag:s0] =	ssyncadd.remote.s32 $0x1  }
0xc0: {  	_ =	sfence.sel $0xFFFF  }
0xc1: {  	[dreg:$0x0] =	wrdreg $0xFFFFFFFF;
	(pc) =	sbr.abs _section_cstart, $3  }
0xc2: {  	[dreg:$0x1] =	wrdreg $0xFFFFFFFF  }
0xc3: {  	_ =	task.clear_ibuf [dreg:s8], $0x2FFFF;
	_ =	strace $0x9FFFFFFF  }
0xc4: {  	(tm) =	ssettm $0x7FFFFFFF  }
0xc5: {  	_ =	shalt  }
tec
execute0_lowered:
.L_overlay_start_1:
0x0: {  	(tag) =	ssettag $0x1  }
0x1: {  	v0 =	vlaneseq.u32  }
0x2: {  	s0 =	rddreg [dreg:$0x0];
	v1 =	vor.u32 $0x180, v0;
	v2 =	vand.u32 $0x7, v0  }
0x3: {  	s5 =	rddreg [dreg:$0x1];
	v3 =	vor.u32 $0x300, v0;
	v4 =	vor.u32 $0x480, v0;
	v5 =	vor.u32 $0x600, v0  }
0x4: {  	s1 =	rddreg [dreg:$0x2];
	v6 =	vor.u32 $0x780, v0;
	v7 =	vor.u32 $0x900, v0;
	v8 =	vor.u32 $0xA80, v0  }
0x5: {  	s4 =	srdreg.scid;
	s3 =	simm.s32 $0x0;
	s2 =	stileid.u32;
	v9 =	vor.u32 $0xC00, v0;
	v10 =	vor.u32 $0xD80, v0;
	v11 =	vor.u32 $0xF00, v0  }
0x6: {  	s9 =	simm.s32 $0x4;
	s10 =	simm.s32 $0x1;
	s11 =	simm.s32 $0x300;
	v12 =	vor.u32 $0x1080, v0;
	v13 =	vor.u32 $0x1200, v0;
	v14 =	vor.u32 $0x1380, v0  }
0x7: {  	s12 =	simm.s32 $0xB300;
	s13 =	simm.s32 $0xF300;
	s14 =	simm.s32 $0x2;
	v15 =	vor.u32 $0x1500, v0;
	v16 =	vor.u32 $0x1680, v0;
	v17 =	vor.u32 $0x1800, v0  }
0x8: {  	s15 =	simm.s32 $0x3;
	s16 =	simm.s32 $0x0;
	s4 =	sand.u32 $0x1, s4;
	v18 =	vor.u32 $0x1980, v0;
	v19 =	vor.u32 $0x1B00, v0;
	v20 =	vor.u32 $0x1C80, v0  }
0x9: {  	[smem:$0x7FF] =	sst s3;
	s7 =	sshll.u32 s2, $0x1;
	v21 =	vor.u32 $0x1E00, v0;
	v22 =	vor.u32 $0x1F80, v0;
	v23 =	vor.u32 $0x2100, v0;
	s6 =	ssub.s32 $0x2, s4  }
0xa: {  	v24 =	vor.u32 $0x2280, v0;
	v25 =	vor.u32 $0x2400, v0;
	v26 =	vor.u32 $0x2580, v0;
	_ =	strace $0x80000047;
	s7 =	sor.u32 s4, s7;
	s8 =	sshrl.u32 s6, $0x1  }
0xb: {  	v27 =	vor.u32 $0x2700, v0;
	v28 =	vor.u32 $0x2880, v0;
	v29 =	vor.u32 $0x2A00, v0;
	s4 =	sadd.s32 $0xC00, s0;
	s31 =	sshll.u32 s7, $0xC;
	s30 =	ssub.s32 s6, s8  }
0xc: {  	v30 =	vor.u32 $0x2B80, v0;
	v31 =	vor.u32 $0x2D00, v0;
	v32 =	vor.u32 $0x2E80, v0;
	s5 =	sadd.s32 s5, s31;
	s6 =	sshll.u32 s7, $0x8;
	s7 =	smax.u32 s30, $0x1  }
.LBB2_1:
0xd: {  	s0 =	simm.s32 $0x3300  }
0xe: {  	[tilespmem:s0], [sflag:$0x1] =	stream.linear.gather [hbm4b:s5+s3], $0x8000, $0x38;
	[tilespmem:$0x13300] =	vst v63  }
0xf: {  	_ = 	snop  }
0x10: {  	[tilespmem:s3], [sflag:$0x4] =	stream.linear.gather [hbm4b:s4+s3], $0x300, $0x38;
	[tilespmem:$0x13300] =	vst v63  }
0x11: {  	_ =	swait.ge [sflag:s9], $0x300  }
0x12: {  	[sflag:s9] =	ssyncset.done $0x0  }
0x13: {  	[sflag:s9] =	ssyncadd.s32 $0xFFFFFD00  }
0x14: {  	v33 =	vld [tilespmem:s3+$0x0];
	_ =	sdelay $0x2  }
0x15: {  	s31 =	sand.u32 $0x10, s3  }
0x16: {  	s0 =	smul.u32 $0x18, s31  }
0x17: {  	v33 =	vadd.f32 $0.0e+00, v33  }
0x18: {  	s20 =	sadd.s32 $0x0, s0  }
0x19: {  	s0 =	sshll.u32 s20, $0x6;
	v34 =	vbroadcast v33, $0x0  }
0x1a: {  	s17 =	sshra.s32 s0, $0x2;
	v35 =	vbroadcast v33, $0x1  }
0x1b: {  	v63 =	vbroadcast v33, $0x2;
	[tilespmem:s17+$0x300] =	vst v34  }
0x1c: {  	v36 =	vbroadcast v33, $0x3;
	[tilespmem:s17+$0x480] =	vst v35  }
0x1d: {  	v38 =	vbroadcast v33, $0x4;
	[tilespmem:s17+$0x600] =	vst v63  }
0x1e: {  	v37 =	vbroadcast v33, $0x5;
	v34 =	vbroadcast v33, $0xD;
	[tilespmem:s17+$0x780] =	vst v36  }
0x1f: {  	s18 =	simm.s32 $0x0;
	s19 =	simm.s32 $0x0;
	s0 =	simm.s32 $0x1;
	v35 =	vbroadcast v33, $0xE;
	[tilespmem:s17+$0x900] =	vst v38;
	v36 =	vbroadcast v33, $0x6  }
.LBB2_2:
0x20: {  	p0 =	sne.s32 s0, $0x2F;
	[tilespmem:s17+$0xA80] =	vst v37;
	v37 =	vbroadcast v33, $0x7;
	s20 =	sshll.u32 s20, $0x4  }
0x21: {  	s18 =	sadd.s32 $0x10, s18;
	[tilespmem:s17+$0xC00] =	vst v36;
	v36 =	vbroadcast v33, $0x8;
	s21 =	sadd.s32 $0xC00, s20  }
0x22: {  	v38 =	vld [tilespmem:s18+$0x0];
	[tilespmem:s17+$0xD80] =	vst v37;
	s21 =	sand.u32 $0x3FFFFFF0, s21;
	v37 =	vbroadcast v33, $0x9  }
0x23: {  	[tilespmem:s21+$0x300] =	vst v36;
	v36 =	vbroadcast v33, $0xA  }
0x24: {  	s19 =	sadd.s32 $0x10, s19;
	[tilespmem:s17+$0x1080] =	vst v37;
	v37 =	vbroadcast v33, $0xB  }
0x25: {  	s20 =	sadd.s32 $0x1200, s20;
	s21 =	sand.u32 $0x10, s19;
	[tilespmem:s17+$0x1200] =	vst v36;
	v36 =	vbroadcast v33, $0xC  }
0x26: {  	s20 =	sand.u32 $0x3FFFFFF0, s20;
	s21 =	smul.u32 $0x18, s21;
	[tilespmem:s17+$0x1380] =	vst v37;
	v37 =	vbroadcast v33, $0xF  }
0x27: {  	s22 =	sshrl.u32 s0, $0x1;
	v33 =	vadd.f32 $0.0e+00, v38;
	[tilespmem:s20+$0x300] =	vst v36  }
0x28: {  	s20 =	sadd.s32 s22, s21;
	[tilespmem:s17+$0x1980] =	vst v37  }
0x29: {  	s21 =	sshll.u32 s20, $0x6;
	v36 =	vbroadcast v33, $0x0;
	[tilespmem:s17+$0x1680] =	vst v34;
	v34 =	vbroadcast v33, $0xD  }
0x2a: {  	v37 =	vbroadcast v33, $0x1;
	[tilespmem:s17+$0x1800] =	vst v35;
	v35 =	vbroadcast v33, $0xE;
	s17 =	sshra.s32 s21, $0x2  }
.Ltmp0:
0x2b: {  	[tilespmem:s17+$0x300] =	vst v36;
	v36 =	vbroadcast v33, $0x2;
	(pc) =	sbr.rel @p0 .LBB2_2-.Ltmp0, $4  }
0x2c: {  	[tilespmem:s17+$0x480] =	vst v37;
	v37 =	vbroadcast v33, $0x3  }
0x2d: {  	[tilespmem:s17+$0x600] =	vst v36;
	v36 =	vbroadcast v33, $0x4  }
0x2e: {  	[tilespmem:s17+$0x780] =	vst v37;
	v37 =	vbroadcast v33, $0x5  }
0x2f: {  	s0 =	sadd.s32 $0x1, s0;
	[tilespmem:s17+$0x900] =	vst v36;
	v36 =	vbroadcast v33, $0x6  }
0x30: {  	[tilespmem:s17+$0xA80] =	vst v37;
	v57 =	vbroadcast v33, $0x7;
	s0 =	sshll.u32 s20, $0x4  }
0x31: {  	v58 =	vbroadcast v33, $0x8;
	[tilespmem:s17+$0xC00] =	vst v36;
	s18 =	sadd.s32 $0xC00, s0  }
0x32: {  	v59 =	vbroadcast v33, $0x9;
	[tilespmem:s17+$0xD80] =	vst v57;
	s18 =	sand.u32 $0x3FFFFFF0, s18  }
0x33: {  	v60 =	vbroadcast v33, $0xA;
	[tilespmem:s18+$0x300] =	vst v58  }
0x34: {  	v61 =	vbroadcast v33, $0xB;
	[tilespmem:s17+$0x1080] =	vst v59  }
0x35: {  	v62 =	vbroadcast v33, $0xC;
	s0 =	sadd.s32 $0x1200, s0;
	[tilespmem:s17+$0x1200] =	vst v60  }
0x36: {  	v63 =	vbroadcast v33, $0xF;
	s0 =	sand.u32 $0x3FFFFFF0, s0;
	[tilespmem:s17+$0x1380] =	vst v61  }
0x37: {  	[tilespmem:s0+$0x300] =	vst v62  }
0x38: {  	[tilespmem:s17+$0x1980] =	vst v63  }
0x39: {  	[tilespmem:s17+$0x1680] =	vst v34  }
0x3a: {  	[tilespmem:s17+$0x1800] =	vst v35  }
0x3b: {  	_ =	swait.ge [sflag:s10], $0x8000  }
0x3c: {  	[sflag:s10] =	ssyncset.done $0x0  }
0x3d: {  	s18 =	simm.s32 $0x0;
	s17 =	simm.s32 $0x0;
	[sflag:s10] =	ssyncadd.s32 $0xFFFF8000  }
.LBB2_4:
0x3e: {  	s19 =	sshll.u32 s18, $0x3;
	p0 =	seq.s32 s18, $0x0  }
0x3f: {  	s0 =	simm.s32 @!p0 $0x2;
	s20 =	sadd.s32 $0x0, s19  }
0x40: {  	_ =	swait.ge @!p0 [sflag:s0], $0x4000;
	s20 =	sshll.u32 s20, $0x7  }
0x41: {  	s21 =	sand.u32 $0x70, s17;
	[sflag:s0] =	ssyncset.done @!p0 $0x0;
	s20 =	sand.u32 $0x3FFFFF80, s20  }
0x42: {  	[sflag:s0] =	ssyncadd.s32 @!p0 $0xFFFFC000;
	s20 =	sor.u32 s21, s20  }
0x43: {  	v33 =	vld [tilespmem:s20+$0x3300];
	_ =	sdelay $0x4  }
0x44: {  	v39 =	vshll.u32 v33, $0x4  }
0x45: {  	v33 =	vor.u32 v0, v39;
	_ =	sdelay $0x3  }
0x46: {  	v34 =	vadd.s32 v1, v39  }
0x47: {  	v34 =	vand.u32 $0xFFFFFFF8, v34;
	v33 =	vld.idx.msk [tilespmem:v33+s11+$0x0], $0xffff  }
0x48: {  	v34 =	vor.u32 v2, v34  }
0x49: {  	s22 =	simm.s32 $0x0  }
0x4a: {  	s0 =	sand.u32 $0x3FFFF000, s22  }
0x4b: {  	s25 =	sor.u32 s21, s0  }
0x4c: {  	v43 =	vadd.s32 v3, v39;
	[tilespmem:s25+$0xB300] =	vst v33  }
0x4d: {  	v33 =	vand.u32 $0xFFFFFFF8, v43;
	v34 =	vld.idx.msk [tilespmem:v34+s11+$0x0], $0xffff  }
0x4e: {  	v33 =	vor.u32 v2, v33;
	_ =	sdelay $0x3  }
0x4f: {  	v44 =	vadd.s32 v4, v39;
	[tilespmem:s25+$0xB380] =	vst v34  }
0x50: {  	s23 =	sadd.s32 $0x0, s19;
	v34 =	vand.u32 $0xFFFFFFF8, v44;
	v33 =	vld.idx.msk [tilespmem:v33+s11+$0x0], $0xffff  }
0x51: {  	s24 =	simm.s32 $0x10;
	s0 =	sshll.u32 s23, $0x7;
	v34 =	vor.u32 v2, v34  }
0x52: {  	s20 =	sand.u32 $0x70, s24;
	s0 =	sand.u32 $0x3FFFFF80, s0  }
0x53: {  	s0 =	sor.u32 s20, s0  }
0x54: {  	v35 =	vld [tilespmem:s0+$0x3300]  }
0x55: {  	v45 =	vadd.s32 v5, v39;
	[tilespmem:s25+$0xB400] =	vst v33  }
0x56: {  	v33 =	vand.u32 $0xFFFFFFF8, v45;
	v34 =	vld.idx.msk [tilespmem:v34+s11+$0x0], $0xffff  }
0x57: {  	v33 =	vor.u32 v2, v33;
	_ =	sdelay $0x1  }
0x58: {  	v35 =	vshll.u32 v35, $0x4  }
0x59: {  	v46 =	vor.u32 v0, v35  }
0x5a: {  	v36 =	vadd.s32 v6, v39;
	[tilespmem:s25+$0xB480] =	vst v34  }
0x5b: {  	v36 =	vand.u32 $0xFFFFFFF8, v36;
	v33 =	vld.idx.msk [tilespmem:v33+s11+$0x0], $0xffff  }
0x5c: {  	v36 =	vor.u32 v2, v36  }
0x5d: {  	v37 =	vadd.s32 v1, v35  }
0x5e: {  	v37 =	vand.u32 $0xFFFFFFF8, v37;
	v34 =	vld.idx.msk [tilespmem:v46+s11+$0x0], $0xffff  }
0x5f: {  	v47 =	vor.u32 v2, v37  }
0x60: {  	s26 =	simm.s32 $0x200;
	v48 =	vadd.s32 v7, v39;
	[tilespmem:s25+$0xB500] =	vst v33  }
0x61: {  	s0 =	sand.u32 $0x3FFFF000, s26;
	v37 =	vand.u32 $0xFFFFFFF8, v48;
	v36 =	vld.idx.msk [tilespmem:v36+s11+$0x0], $0xffff  }
0x62: {  	s21 =	sor.u32 s20, s0;
	v37 =	vor.u32 v2, v37  }
0x63: {  	v49 =	vadd.s32 v3, v35;
	[tilespmem:s21+$0xB300] =	vst v34  }
0x64: {  	v34 =	vand.u32 $0xFFFFFFF8, v49;
	v33 =	vld.idx.msk [tilespmem:v47+s11+$0x0], $0xffff  }
0x65: {  	v34 =	vor.u32 v2, v34  }
0x66: {  	v50 =	vadd.s32 v8, v39;
	[tilespmem:s25+$0xB580] =	vst v36  }
0x67: {  	v36 =	vand.u32 $0xFFFFFFF8, v50;
	v37 =	vld.idx.msk [tilespmem:v37+s11+$0x0], $0xffff  }
0x68: {  	v36 =	vor.u32 v2, v36  }
0x69: {  	v51 =	vadd.s32 v4, v35;
	[tilespmem:s21+$0xB380] =	vst v33  }
0x6a: {  	v33 =	vand.u32 $0xFFFFFFF8, v51;
	v34 =	vld.idx.msk [tilespmem:v34+s11+$0x0], $0xffff  }
0x6b: {  	s2 =	sadd.s32 $0x0, s19;
	v33 =	vor.u32 v2, v33  }
0x6c: {  	s8 =	simm.s32 $0x20;
	s0 =	sshll.u32 s2, $0x7;
	v52 =	vadd.s32 v9, v39;
	[tilespmem:s25+$0xB600] =	vst v37  }
0x6d: {  	s20 =	sand.u32 $0x70, s8;
	s0 =	sand.u32 $0x3FFFFF80, s0;
	v37 =	vand.u32 $0xFFFFFFF8, v52;
	v36 =	vld.idx.msk [tilespmem:v36+s11+$0x0], $0xffff  }
0x6e: {  	s0 =	sor.u32 s20, s0;
	v37 =	vor.u32 v2, v37  }
0x6f: {  	v38 =	vld [tilespmem:s0+$0x3300];
	v53 =	vadd.s32 v5, v35;
	[tilespmem:s21+$0xB400] =	vst v34  }
0x70: {  	v54 =	vand.u32 $0xFFFFFFF8, v53;
	v40 =	vld.idx.msk [tilespmem:v33+s11+$0x0], $0xffff  }
0x71: {  	v34 =	vor.u32 v2, v54  }
0x72: {  	v55 =	vadd.s32 v10, v39;
	[tilespmem:s25+$0xB680] =	vst v36  }
0x73: {  	v33 =	vand.u32 $0xFFFFFFF8, v55;
	v36 =	vld.idx.msk [tilespmem:v37+s11+$0x0], $0xffff  }
0x74: {  	v56 =	vor.u32 v2, v33;
	v33 =	vshll.u32 v38, $0x4  }
0x75: {  	v57 =	vadd.s32 v6, v35;
	v38 =	vor.u32 v0, v33;
	[tilespmem:s21+$0xB480] =	vst v40  }
0x76: {  	v40 =	vand.u32 $0xFFFFFFF8, v57;
	v34 =	vld.idx.msk [tilespmem:v34+s11+$0x0], $0xffff  }
0x77: {  	v58 =	vor.u32 v2, v40  }
0x78: {  	v59 =	vadd.s32 v11, v39;
	[tilespmem:s25+$0xB700] =	vst v36  }
0x79: {  	v41 =	vadd.s32 v1, v33;
	v40 =	vand.u32 $0xFFFFFFF8, v59;
	v37 =	vld.idx.msk [tilespmem:v56+s11+$0x0], $0xffff  }
0x7a: {  	v41 =	vand.u32 $0xFFFFFFF8, v41;
	v40 =	vor.u32 v2, v40;
	v38 =	vld.idx.msk [tilespmem:v38+s11+$0x0], $0xffff  }
0x7b: {  	v61 =	vadd.s32 v7, v35;
	v60 =	vor.u32 v2, v41;
	[tilespmem:s21+$0xB500] =	vst v34  }
0x7c: {  	s22 =	simm.s32 $0x400;
	v41 =	vand.u32 $0xFFFFFFF8, v61;
	v36 =	vld.idx.msk [tilespmem:v58+s11+$0x0], $0xffff  }
0x7d: {  	s0 =	sand.u32 $0x3FFFF000, s22;
	v62 =	vor.u32 v2, v41  }
0x7e: {  	v63 =	vadd.s32 v12, v39;
	s20 =	sor.u32 s20, s0;
	[tilespmem:s25+$0xB780] =	vst v37  }
0x7f: {  	v45 =	vadd.s32 v3, v33;
	v41 =	vand.u32 $0xFFFFFFF8, v63;
	[tilespmem:s20+$0xB300] =	vst v38;
	v40 =	vld.idx.msk [tilespmem:v40+s11+$0x0], $0xffff  }
0x80: {  	v44 =	vor.u32 v2, v41;
	v41 =	vand.u32 $0xFFFFFFF8, v45;
	v34 =	vld.idx.msk [tilespmem:v60+s11+$0x0], $0xffff  }
0x81: {  	v47 =	vadd.s32 v8, v35;
	v46 =	vor.u32 v2, v41;
	[tilespmem:s21+$0xB580] =	vst v36  }
0x82: {  	v41 =	vand.u32 $0xFFFFFFF8, v47;
	v37 =	vld.idx.msk [tilespmem:v62+s11+$0x0], $0xffff  }
0x83: {  	v48 =	vor.u32 v2, v41  }
0x84: {  	v49 =	vadd.s32 v13, v39;
	[tilespmem:s25+$0xB800] =	vst v40  }
0x85: {  	v51 =	vadd.s32 v4, v33;
	v41 =	vand.u32 $0xFFFFFFF8, v49;
	[tilespmem:s20+$0xB380] =	vst v34;
	v38 =	vld.idx.msk [tilespmem:v44+s11+$0x0], $0xffff  }
0x86: {  	s23 =	sadd.s32 $0x0, s19;
	v50 =	vor.u32 v2, v41;
	v41 =	vand.u32 $0xFFFFFFF8, v51;
	v36 =	vld.idx.msk [tilespmem:v46+s11+$0x0], $0xffff  }
0x87: {  	s22 =	simm.s32 $0x30;
	s0 =	sshll.u32 s23, $0x7;
	v53 =	vadd.s32 v9, v35;
	v52 =	vor.u32 v2, v41;
	[tilespmem:s21+$0xB600] =	vst v37  }
0x88: {  	s22 =	sand.u32 $0x70, s22;
	s0 =	sand.u32 $0x3FFFFF80, s0;
	v41 =	vand.u32 $0xFFFFFFF8, v53;
	v40 =	vld.idx.msk [tilespmem:v48+s11+$0x0], $0xffff  }
0x89: {  	s0 =	sor.u32 s22, s0;
	v54 =	vor.u32 v2, v41  }
0x8a: {  	v42 =	vld [tilespmem:s0+$0x3300];
	v55 =	vadd.s32 v14, v39;
	[tilespmem:s25+$0xB880] =	vst v38  }
0x8b: {  	v57 =	vadd.s32 v5, v33;
	v41 =	vand.u32 $0xFFFFFFF8, v55;
	[tilespmem:s20+$0xB400] =	vst v36;
	v34 =	vld.idx.msk [tilespmem:v50+s11+$0x0], $0xffff  }
0x8c: {  	v56 =	vor.u32 v2, v41;
	v41 =	vand.u32 $0xFFFFFFF8, v57;
	v37 =	vld.idx.msk [tilespmem:v52+s11+$0x0], $0xffff  }
0x8d: {  	v59 =	vadd.s32 v10, v35;
	v58 =	vor.u32 v2, v41;
	[tilespmem:s21+$0xB680] =	vst v40  }
0x8e: {  	v41 =	vand.u32 $0xFFFFFFF8, v59;
	v38 =	vld.idx.msk [tilespmem:v54+s11+$0x0], $0xffff  }
0x8f: {  	v41 =	vor.u32 v2, v41  }
0x90: {  	v60 =	vadd.s32 v15, v39;
	[tilespmem:s25+$0xB900] =	vst v34;
	v34 =	vshll.u32 v42, $0x4  }
0x91: {  	v43 =	vand.u32 $0xFFFFFFF8, v60;
	v62 =	vadd.s32 v6, v33;
	[tilespmem:s20+$0xB480] =	vst v37;
	v36 =	vld.idx.msk [tilespmem:v56+s11+$0x0], $0xffff;
	v63 =	vor.u32 v0, v34  }
0x92: {  	v61 =	vor.u32 v2, v43;
	v40 =	vld.idx.msk [tilespmem:v58+s11+$0x0], $0xffff;
	v42 =	vand.u32 $0xFFFFFFF8, v62  }
0x93: {  	v49 =	vadd.s32 v11, v35;
	[tilespmem:s21+$0xB700] =	vst v38;
	v48 =	vor.u32 v2, v42  }
0x94: {  	v41 =	vld.idx.msk [tilespmem:v41+s11+$0x0], $0xffff;
	v42 =	vand.u32 $0xFFFFFFF8, v49  }
0x95: {  	v44 =	vadd.s32 v1, v34;
	v50 =	vor.u32 v2, v42  }
0x96: {  	v51 =	vadd.s32 v16, v39;
	v44 =	vand.u32 $0xFFFFFFF8, v44;
	[tilespmem:s25+$0xB980] =	vst v36;
	v43 =	vld.idx.msk [tilespmem:v63+s11+$0x0], $0xffff  }
0x97: {  	v53 =	vadd.s32 v7, v33;
	[tilespmem:s20+$0xB500] =	vst v40;
	v42 =	vand.u32 $0xFFFFFFF8, v51;
	v44 =	vor.u32 v2, v44;
	v37 =	vld.idx.msk [tilespmem:v61+s11+$0x0], $0xffff  }
0x98: {  	s24 =	simm.s32 $0x600;
	v52 =	vor.u32 v2, v42;
	v42 =	vand.u32 $0xFFFFFFF8, v53;
	v38 =	vld.idx.msk [tilespmem:v48+s11+$0x0], $0xffff  }
0x99: {  	s0 =	sand.u32 $0x3FFFF000, s24;
	v55 =	vadd.s32 v12, v35;
	v54 =	vor.u32 v2, v42;
	[tilespmem:s21+$0xB780] =	vst v41  }
0x9a: {  	s22 =	sor.u32 s22, s0;
	v42 =	vand.u32 $0xFFFFFFF8, v55;
	v36 =	vld.idx.msk [tilespmem:v50+s11+$0x0], $0xffff  }
0x9b: {  	v58 =	vadd.s32 v3, v34;
	v56 =	vor.u32 v2, v42;
	[tilespmem:s22+$0xB300] =	vst v43  }
0x9c: {  	v57 =	vadd.s32 v17, v39;
	v43 =	vand.u32 $0xFFFFFFF8, v58;
	[tilespmem:s25+$0xBA00] =	vst v37;
	v44 =	vld.idx.msk [tilespmem:v44+s11+$0x0], $0xffff  }
0x9d: {  	v60 =	vadd.s32 v8, v33;
	v42 =	vand.u32 $0xFFFFFFF8, v57;
	[tilespmem:s20+$0xB580] =	vst v38;
	v43 =	vor.u32 v2, v43;
	v40 =	vld.idx.msk [tilespmem:v52+s11+$0x0], $0xffff  }
0x9e: {  	v59 =	vor.u32 v2, v42;
	v42 =	vand.u32 $0xFFFFFFF8, v60;
	v41 =	vld.idx.msk [tilespmem:v54+s11+$0x0], $0xffff  }
0x9f: {  	v62 =	vadd.s32 v13, v35;
	v61 =	vor.u32 v2, v42;
	[tilespmem:s21+$0xB800] =	vst v36  }
0xa0: {  	v42 =	vand.u32 $0xFFFFFFF8, v62;
	v37 =	vld.idx.msk [tilespmem:v56+s11+$0x0], $0xffff  }
0xa1: {  	v49 =	vadd.s32 v4, v34;
	v63 =	vor.u32 v2, v42;
	[tilespmem:s22+$0xB380] =	vst v44  }
0xa2: {  	v48 =	vadd.s32 v18, v39;
	v44 =	vand.u32 $0xFFFFFFF8, v49;
	[tilespmem:s25+$0xBA80] =	vst v40;
	v43 =	vld.idx.msk [tilespmem:v43+s11+$0x0], $0xffff  }
0xa3: {  	s26 =	sadd.s32 $0x0, s19;
	v51 =	vadd.s32 v9, v33;
	v42 =	vand.u32 $0xFFFFFFF8, v48;
	[tilespmem:s20+$0xB600] =	vst v41;
	v44 =	vor.u32 v2, v44;
	v38 =	vld.idx.msk [tilespmem:v59+s11+$0x0], $0xffff  }
0xa4: {  	s2 =	simm.s32 $0x40;
	s23 =	sshll.u32 s26, $0x7;
	v50 =	vor.u32 v2, v42;
	v42 =	vand.u32 $0xFFFFFFF8, v51;
	v36 =	vld.idx.msk [tilespmem:v61+s11+$0x0], $0xffff  }
0xa5: {  	s23 =	sand.u32 $0x3FFFFF80, s23;
	s0 =	sand.u32 $0x70, s2;
	v53 =	vadd.s32 v14, v35;
	v52 =	vor.u32 v2, v42;
	[tilespmem:s21+$0xB880] =	vst v37  }
0xa6: {  	s23 =	sor.u32 s0, s23;
	v42 =	vand.u32 $0xFFFFFFF8, v53;
	v40 =	vld.idx.msk [tilespmem:v63+s11+$0x0], $0xffff  }
0xa7: {  	v45 =	vld [tilespmem:s23+$0x3300];
	v56 =	vadd.s32 v5, v34;
	v54 =	vor.u32 v2, v42;
	[tilespmem:s22+$0xB400] =	vst v43  }
0xa8: {  	v55 =	vadd.s32 v19, v39;
	v43 =	vand.u32 $0xFFFFFFF8, v56;
	[tilespmem:s25+$0xBB00] =	vst v38;
	v44 =	vld.idx.msk [tilespmem:v44+s11+$0x0], $0xffff  }
0xa9: {  	v57 =	vadd.s32 v10, v33;
	v42 =	vand.u32 $0xFFFFFFF8, v55;
	[tilespmem:s20+$0xB680] =	vst v36;
	v43 =	vor.u32 v2, v43;
	v41 =	vld.idx.msk [tilespmem:v50+s11+$0x0], $0xffff  }
0xaa: {  	v42 =	vor.u32 v2, v42;
	v36 =	vand.u32 $0xFFFFFFF8, v57;
	v37 =	vld.idx.msk [tilespmem:v52+s11+$0x0], $0xffff  }
0xab: {  	v59 =	vadd.s32 v15, v35;
	[tilespmem:s21+$0xB900] =	vst v40;
	v58 =	vor.u32 v2, v36  }
0xac: {  	v46 =	vand.u32 $0xFFFFFFF8, v59;
	v38 =	vld.idx.msk [tilespmem:v54+s11+$0x0], $0xffff  }
0xad: {  	v63 =	vadd.s32 v6, v34;
	v60 =	vor.u32 v2, v46;
	v36 =	vshll.u32 v45, $0x4;
	[tilespmem:s22+$0xB480] =	vst v44  }
0xae: {  	v61 =	vadd.s32 v20, v39;
	v46 =	vand.u32 $0xFFFFFFF8, v63;
	v62 =	vor.u32 v0, v36;
	[tilespmem:s25+$0xBB80] =	vst v41;
	v43 =	vld.idx.msk [tilespmem:v43+s11+$0x0], $0xffff  }
0xaf: {  	v49 =	vadd.s32 v11, v33;
	v46 =	vor.u32 v2, v46;
	v45 =	vand.u32 $0xFFFFFFF8, v61;
	[tilespmem:s20+$0xB700] =	vst v37;
	v42 =	vld.idx.msk [tilespmem:v42+s11+$0x0], $0xffff  }
0xb0: {  	v48 =	vor.u32 v2, v45;
	v45 =	vand.u32 $0xFFFFFFF8, v49;
	v40 =	vld.idx.msk [tilespmem:v58+s11+$0x0], $0xffff  }
0xb1: {  	v51 =	vadd.s32 v16, v35;
	v50 =	vor.u32 v2, v45;
	[tilespmem:s21+$0xB980] =	vst v38  }
0xb2: {  	v47 =	vadd.s32 v1, v36;
	v45 =	vand.u32 $0xFFFFFFF8, v51;
	v41 =	vld.idx.msk [tilespmem:v60+s11+$0x0], $0xffff  }
0xb3: {  	v54 =	vadd.s32 v7, v34;
	v52 =	vand.u32 $0xFFFFFFF8, v47;
	v45 =	vor.u32 v2, v45;
	v44 =	vld.idx.msk [tilespmem:v62+s11+$0x0], $0xffff;
	[tilespmem:s22+$0xB500] =	vst v43  }
0xb4: {  	v53 =	vadd.s32 v21, v39;
	v43 =	vand.u32 $0xFFFFFFF8, v54;
	[tilespmem:s25+$0xBC00] =	vst v42;
	v42 =	vor.u32 v2, v52;
	v46 =	vld.idx.msk [tilespmem:v46+s11+$0x0], $0xffff  }
0xb5: {  	s8 =	simm.s32 $0x800;
	v56 =	vadd.s32 v12, v33;
	v47 =	vand.u32 $0xFFFFFFF8, v53;
	[tilespmem:s20+$0xB780] =	vst v40;
	v43 =	vor.u32 v2, v43;
	v37 =	vld.idx.msk [tilespmem:v48+s11+$0x0], $0xffff  }
0xb6: {  	s23 =	sand.u32 $0x3FFFF000, s8;
	v55 =	vor.u32 v2, v47;
	v47 =	vand.u32 $0xFFFFFFF8, v56;
	v38 =	vld.idx.msk [tilespmem:v50+s11+$0x0], $0xffff  }
0xb7: {  	s23 =	sor.u32 s0, s23;
	v57 =	vor.u32 v2, v47;
	v58 =	vadd.s32 v17, v35;
	[tilespmem:s21+$0xBA00] =	vst v41  }
0xb8: {  	v60 =	vadd.s32 v3, v36;
	v47 =	vand.u32 $0xFFFFFFF8, v58;
	[tilespmem:s23+$0xB300] =	vst v44;
	v59 =	vld.idx.msk [tilespmem:v45+s11+$0x0], $0xffff  }
0xb9: {  	s24 =	sadd.s32 $0x0, s19;
	v61 =	vand.u32 $0xFFFFFFF8, v60;
	v62 =	vor.u32 v2, v47;
	v48 =	vadd.s32 v8, v34;
	v42 =	vld.idx.msk [tilespmem:v42+s11+$0x0], $0xffff;
	[tilespmem:s22+$0xB580] =	vst v46  }
0xba: {  	s26 =	simm.s32 $0x50;
	s24 =	sshll.u32 s24, $0x7;
	v63 =	vadd.s32 v22, v39;
	v46 =	vand.u32 $0xFFFFFFF8, v48;
	[tilespmem:s25+$0xBC80] =	vst v37;
	v37 =	vor.u32 v2, v61;
	v43 =	vld.idx.msk [tilespmem:v43+s11+$0x0], $0xffff  }
0xbb: {  	s24 =	sand.u32 $0x3FFFFF80, s24;
	s0 =	sand.u32 $0x70, s26;
	v47 =	vand.u32 $0xFFFFFFF8, v63;
	v50 =	vadd.s32 v13, v33;
	[tilespmem:s20+$0xB800] =	vst v38;
	v46 =	vor.u32 v2, v46;
	v40 =	vld.idx.msk [tilespmem:v55+s11+$0x0], $0xffff  }
0xbc: {  	s24 =	sor.u32 s0, s24;
	v49 =	vor.u32 v2, v47;
	v47 =	vand.u32 $0xFFFFFFF8, v50;
	v41 =	vld.idx.msk [tilespmem:v57+s11+$0x0], $0xffff  }
0xbd: {  	v52 =	vadd.s32 v18, v35;
	v51 =	vor.u32 v2, v47;
	v48 =	vld [tilespmem:s24+$0x3300];
	[tilespmem:s21+$0xBA80] =	vst v59  }
0xbe: {  	v54 =	vadd.s32 v4, v36;
	v47 =	vand.u32 $0xFFFFFFF8, v52;
	v53 =	vld.idx.msk [tilespmem:v62+s11+$0x0], $0xffff;
	[tilespmem:s23+$0xB380] =	vst v42  }
0xbf: {  	v58 =	vadd.s32 v9, v34;
	v56 =	vor.u32 v2, v47;
	v55 =	vand.u32 $0xFFFFFFF8, v54;
	v37 =	vld.idx.msk [tilespmem:v37+s11+$0x0], $0xffff;
	[tilespmem:s22+$0xB600] =	vst v43  }
0xc0: {  	v57 =	vadd.s32 v23, v39;
	v43 =	vand.u32 $0xFFFFFFF8, v58;
	[tilespmem:s25+$0xBD00] =	vst v40;
	v40 =	vor.u32 v2, v55;
	v46 =	vld.idx.msk [tilespmem:v46+s11+$0x0], $0xffff  }
0xc1: {  	v60 =	vadd.s32 v14, v33;
	v47 =	vand.u32 $0xFFFFFFF8, v57;
	[tilespmem:s20+$0xB880] =	vst v41;
	v43 =	vor.u32 v2, v43;
	v38 =	vld.idx.msk [tilespmem:v49+s11+$0x0], $0xffff  }
0xc2: {  	v59 =	vor.u32 v2, v47;
	v47 =	vand.u32 $0xFFFFFFF8, v60;
	v44 =	vld.idx.msk [tilespmem:v51+s11+$0x0], $0xffff  }
0xc3: {  	v62 =	vadd.s32 v19, v35;
	v61 =	vor.u32 v2, v47;
	[tilespmem:s21+$0xBB00] =	vst v53  }
0xc4: {  	v47 =	vand.u32 $0xFFFFFFF8, v62;
	v63 =	vld.idx.msk [tilespmem:v56+s11+$0x0], $0xffff;
	[tilespmem:s23+$0xB400] =	vst v37  }
0xc5: {  	s2 =	sadd.s32 $0x0, s19;
	v50 =	vadd.s32 v5, v36;
	v52 =	vor.u32 v2, v47;
	v37 =	vshll.u32 v48, $0x4;
	v40 =	vld.idx.msk [tilespmem:v40+s11+$0x0], $0xffff;
	[tilespmem:s22+$0xB680] =	vst v46  }
0xc6: {  	s26 =	simm.s32 $0x60;
	s24 =	sshll.u32 s2, $0x7;
	v51 =	vand.u32 $0xFFFFFFF8, v50;
	v53 =	vadd.s32 v24, v39;
	v60 =	vor.u32 v0, v37;
	[tilespmem:s25+$0xBD80] =	vst v38;
	v43 =	vld.idx.msk [tilespmem:v43+s11+$0x0], $0xffff  }
0xc7: {  	s26 =	sand.u32 $0x70, s26;
	s24 =	sand.u32 $0x3FFFFF80, s24;
	v55 =	vadd.s32 v10, v34;
	v54 =	vor.u32 v2, v51;
	v47 =	vand.u32 $0xFFFFFFF8, v53;
	[tilespmem:s20+$0xB900] =	vst v44;
	v41 =	vld.idx.msk [tilespmem:v59+s11+$0x0], $0xffff  }
0xc8: {  	v57 =	vadd.s32 v15, v33;
	s24 =	sor.u32 s26, s24;
	v56 =	vor.u32 v2, v47;
	v38 =	vand.u32 $0xFFFFFFF8, v55;
	v42 =	vld.idx.msk [tilespmem:v61+s11+$0x0], $0xffff  }
0xc9: {  	v47 =	vand.u32 $0xFFFFFFF8, v57;
	[tilespmem:s21+$0xBB80] =	vst v63;
	v49 =	vor.u32 v2, v38;
	v38 =	vld [tilespmem:s24+$0x3300]  }
0xca: {  	v58 =	vadd.s32 v20, v35;
	v47 =	vor.u32 v2, v47;
	v59 =	vld.idx.msk [tilespmem:v52+s11+$0x0], $0xffff  }
0xcb: {  	v50 =	vadd.s32 v6, v36;
	v48 =	vand.u32 $0xFFFFFFF8, v58;
	[tilespmem:s23+$0xB480] =	vst v40;
	v45 =	vld.idx.msk [tilespmem:v60+s11+$0x0], $0xffff  }
0xcc: {  	v62 =	vadd.s32 v25, v39;
	v48 =	vor.u32 v2, v48;
	v61 =	vand.u32 $0xFFFFFFF8, v50;
	v46 =	vld.idx.msk [tilespmem:v54+s11+$0x0], $0xffff;
	[tilespmem:s25+$0xBE00] =	vst v41  }
0xcd: {  	s8 =	simm.s32 $0xA00;
	v53 =	vadd.s32 v11, v34;
	v50 =	vand.u32 $0xFFFFFFF8, v62;
	[tilespmem:s22+$0xB700] =	vst v43;
	v41 =	vor.u32 v2, v61;
	v63 =	vld.idx.msk [tilespmem:v56+s11+$0x0], $0xffff  }
0xce: {  	v44 =	vand.u32 $0xFFFFFFF8, v53;
	v51 =	vadd.s32 v1, v37;
	s24 =	sand.u32 $0x3FFFF000, s8;
	[tilespmem:s20+$0xB980] =	vst v42;
	v54 =	vor.u32 v2, v50;
	v49 =	vld.idx.msk [tilespmem:v49+s11+$0x0], $0xffff  }
0xcf: {  	v55 =	vadd.s32 v16, v33;
	v44 =	vor.u32 v2, v44;
	s24 =	sor.u32 s0, s24;
	v47 =	vld.idx.msk [tilespmem:v47+s11+$0x0], $0xffff;
	[tilespmem:s21+$0xBC00] =	vst v59;
	v56 =	vand.u32 $0xFFFFFFF8, v51  }
0xd0: {  	v57 =	vadd.s32 v21, v35;
	v50 =	vand.u32 $0xFFFFFFF8, v55;
	v40 =	vor.u32 v2, v56;
	[tilespmem:s24+$0xB300] =	vst v45  }
0xd1: {  	v50 =	vor.u32 v2, v50;
	v59 =	vadd.s32 v7, v36;
	v58 =	vld.idx.msk [tilespmem:v48+s11+$0x0], $0xffff;
	v51 =	vand.u32 $0xFFFFFFF8, v57;
	[tilespmem:s23+$0xB500] =	vst v46  }
0xd2: {  	v62 =	vadd.s32 v26, v39;
	v60 =	vand.u32 $0xFFFFFFF8, v59;
	v61 =	vor.u32 v2, v51;
	v41 =	vld.idx.msk [tilespmem:v41+s11+$0x0], $0xffff;
	[tilespmem:s25+$0xBE80] =	vst v63  }
0xd3: {  	v43 =	vor.u32 v2, v60;
	v51 =	vand.u32 $0xFFFFFFF8, v62;
	[tilespmem:s22+$0xB780] =	vst v49;
	v63 =	vadd.s32 v12, v34;
	v42 =	vld.idx.msk [tilespmem:v54+s11+$0x0], $0xffff  }
0xd4: {  	v55 =	vadd.s32 v3, v37;
	[tilespmem:s20+$0xBA00] =	vst v47;
	v47 =	vor.u32 v2, v51;
	v44 =	vld.idx.msk [tilespmem:v44+s11+$0x0], $0xffff;
	v49 =	vand.u32 $0xFFFFFFF8, v63  }
0xd5: {  	v56 =	vand.u32 $0xFFFFFFF8, v55;
	v54 =	vadd.s32 v17, v33;
	v40 =	vld.idx.msk [tilespmem:v40+s11+$0x0], $0xffff;
	v45 =	vor.u32 v2, v49  }
0xd6: {  	v46 =	vor.u32 v2, v56;
	[tilespmem:s21+$0xBC80] =	vst v58;
	v49 =	vld.idx.msk [tilespmem:v50+s11+$0x0], $0xffff;
	v51 =	vand.u32 $0xFFFFFFF8, v54  }
0xd7: {  	v58 =	vadd.s32 v22, v35;
	v59 =	vld.idx.msk [tilespmem:v61+s11+$0x0], $0xffff;
	v57 =	vor.u32 v2, v51;
	[tilespmem:s23+$0xB580] =	vst v41  }
0xd8: {  	v60 =	vadd.s32 v8, v36;
	v51 =	vand.u32 $0xFFFFFFF8, v58;
	v43 =	vld.idx.msk [tilespmem:v43+s11+$0x0], $0xffff;
	[tilespmem:s25+$0xBF00] =	vst v42  }
0xd9: {  	v61 =	vand.u32 $0xFFFFFFF8, v60;
	v63 =	vadd.s32 v27, v39;
	v62 =	vor.u32 v2, v51;
	[tilespmem:s22+$0xB800] =	vst v44;
	v54 =	vld.idx.msk [tilespmem:v47+s11+$0x0], $0xffff  }
0xda: {  	v55 =	vadd.s32 v13, v34;
	v51 =	vand.u32 $0xFFFFFFF8, v63;
	v42 =	vor.u32 v2, v61;
	[tilespmem:s24+$0xB380] =	vst v40;
	v45 =	vld.idx.msk [tilespmem:v45+s11+$0x0], $0xffff  }
0xdb: {  	v58 =	vadd.s32 v4, v37;
	v47 =	vand.u32 $0xFFFFFFF8, v55;
	[tilespmem:s20+$0xBA80] =	vst v49;
	v49 =	vor.u32 v2, v51;
	v46 =	vld.idx.msk [tilespmem:v46+s11+$0x0], $0xffff  }
0xdc: {  	v56 =	vadd.s32 v18, v33;
	[tilespmem:s21+$0xBD00] =	vst v59;
	v59 =	vand.u32 $0xFFFFFFF8, v58;
	v40 =	vor.u32 v2, v47;
	v57 =	vld.idx.msk [tilespmem:v57+s11+$0x0], $0xffff  }
0xdd: {  	v61 =	vadd.s32 v23, v35;
	v51 =	vand.u32 $0xFFFFFFF8, v56;
	v41 =	vor.u32 v2, v59;
	[tilespmem:s23+$0xB600] =	vst v43  }
0xde: {  	v60 =	vor.u32 v2, v51;
	v51 =	vand.u32 $0xFFFFFFF8, v61;
	v43 =	vld.idx.msk [tilespmem:v62+s11+$0x0], $0xffff;
	v62 =	vadd.s32 v9, v36;
	[tilespmem:s25+$0xBF80] =	vst v54  }
0xdf: {  	v55 =	vadd.s32 v28, v39;
	v42 =	vld.idx.msk [tilespmem:v42+s11+$0x0], $0xffff;
	v63 =	vand.u32 $0xFFFFFFF8, v62;
	v54 =	vor.u32 v2, v51;
	[tilespmem:s22+$0xB880] =	vst v45  }
0xe0: {  	v56 =	vadd.s32 v14, v34;
	v44 =	vor.u32 v2, v63;
	v51 =	vand.u32 $0xFFFFFFF8, v55;
	[tilespmem:s24+$0xB400] =	vst v46;
	v45 =	vld.idx.msk [tilespmem:v49+s11+$0x0], $0xffff  }
0xe1: {  	v40 =	vld.idx.msk [tilespmem:v40+s11+$0x0], $0xffff;
	v49 =	vand.u32 $0xFFFFFFF8, v56;
	[tilespmem:s20+$0xBB00] =	vst v57;
	v57 =	vor.u32 v2, v51  }
0xe2: {  	v61 =	vadd.s32 v5, v37;
	v41 =	vld.idx.msk [tilespmem:v41+s11+$0x0], $0xffff;
	v58 =	vor.u32 v2, v49  }
0xe3: {  	v62 =	vand.u32 $0xFFFFFFF8, v61;
	v59 =	vld.idx.msk [tilespmem:v60+s11+$0x0], $0xffff;
	v60 =	vadd.s32 v19, v33;
	[tilespmem:s21+$0xBD80] =	vst v43  }
0xe4: {  	s2 =	sadd.s32 $0x0, s19;
	v55 =	vadd.s32 v10, v36;
	v50 =	vand.u32 $0xFFFFFFF8, v60;
	v43 =	vor.u32 v2, v62;
	[tilespmem:s23+$0xB680] =	vst v42;
	v48 =	vld.idx.msk [tilespmem:v54+s11+$0x0], $0xffff  }
0xe5: {  	s29 =	simm.s32 $0x70;
	s0 =	sshll.u32 s2, $0x7;
	v56 =	vand.u32 $0xFFFFFFF8, v55;
	v63 =	vor.u32 v2, v50;
	v54 =	vadd.s32 v24, v35;
	v44 =	vld.idx.msk [tilespmem:v44+s11+$0x0], $0xffff;
	[tilespmem:s25+$0xC000] =	vst v45  }
0xe6: {  	s28 =	sand.u32 $0x70, s29;
	s0 =	sand.u32 $0x3FFFFF80, s0;
	v50 =	vand.u32 $0xFFFFFFF8, v54;
	[tilespmem:s22+$0xB900] =	vst v40;
	v45 =	vor.u32 v2, v56;
	v47 =	vld.idx.msk [tilespmem:v57+s11+$0x0], $0xffff;
	v57 =	vadd.s32 v29, v39  }
0xe7: {  	s0 =	sor.u32 s28, s0;
	[tilespmem:s24+$0xB480] =	vst v41;
	v50 =	vor.u32 v2, v50;
	v46 =	vld.idx.msk [tilespmem:v58+s11+$0x0], $0xffff;
	v58 =	vadd.s32 v15, v34;
	v52 =	vand.u32 $0xFFFFFFF8, v57  }
0xe8: {  	v40 =	vld [tilespmem:s0+$0x3300];
	[tilespmem:s20+$0xBB80] =	vst v59;
	v51 =	vand.u32 $0xFFFFFFF8, v58;
	v59 =	vor.u32 v2, v52  }
0xe9: {  	v38 =	vshll.u32 v38, $0x4;
	v60 =	vadd.s32 v20, v33;
	v43 =	vld.idx.msk [tilespmem:v43+s11+$0x0], $0xffff;
	v41 =	vor.u32 v2, v51  }
0xea: {  	v53 =	vadd.s32 v6, v37;
	v42 =	vld.idx.msk [tilespmem:v63+s11+$0x0], $0xffff;
	v52 =	vor.u32 v0, v38;
	v51 =	vand.u32 $0xFFFFFFF8, v60;
	[tilespmem:s23+$0xB700] =	vst v44  }
0xeb: {  	v61 =	vand.u32 $0xFFFFFFF8, v53;
	v56 =	vadd.s32 v11, v36;
	[tilespmem:s21+$0xBE00] =	vst v48;
	v62 =	vor.u32 v2, v51;
	v45 =	vld.idx.msk [tilespmem:v45+s11+$0x0], $0xffff  }
0xec: {  	v57 =	vand.u32 $0xFFFFFFF8, v56;
	v63 =	vadd.s32 v25, v35;
	v48 =	vor.u32 v2, v61;
	v50 =	vld.idx.msk [tilespmem:v50+s11+$0x0], $0xffff;
	[tilespmem:s25+$0xC080] =	vst v47  }
0xed: {  	v60 =	vadd.s32 v16, v34;
	v51 =	vand.u32 $0xFFFFFFF8, v63;
	[tilespmem:s22+$0xB980] =	vst v46;
	v47 =	vor.u32 v2, v57;
	v49 =	vld.idx.msk [tilespmem:v59+s11+$0x0], $0xffff  }
0xee: {  	v53 =	vand.u32 $0xFFFFFFF8, v60;
	v58 =	vor.u32 v2, v51;
	[tilespmem:s24+$0xB500] =	vst v43;
	v59 =	vadd.s32 v30, v39;
	v41 =	vld.idx.msk [tilespmem:v41+s11+$0x0], $0xffff  }
0xef: {  	v54 =	vadd.s32 v1, v38;
	v43 =	vor.u32 v2, v53;
	v52 =	vld.idx.msk [tilespmem:v52+s11+$0x0], $0xffff;
	[tilespmem:s20+$0xBC00] =	vst v42;
	v51 =	vand.u32 $0xFFFFFFF8, v59  }
0xf0: {  	v61 =	vand.u32 $0xFFFFFFF8, v54;
	v44 =	vld.idx.msk [tilespmem:v62+s11+$0x0], $0xffff;
	v62 =	vadd.s32 v21, v33;
	v42 =	vor.u32 v2, v51;
	[tilespmem:s23+$0xB780] =	vst v45  }
0xf1: {  	s8 =	simm.s32 $0xC00;
	v63 =	vadd.s32 v7, v37;
	v48 =	vld.idx.msk [tilespmem:v48+s11+$0x0], $0xffff;
	v51 =	vor.u32 v2, v61;
	v53 =	vand.u32 $0xFFFFFFF8, v62;
	[tilespmem:s21+$0xBE80] =	vst v50  }
0xf2: {  	s0 =	sand.u32 $0x3FFFF000, s8;
	v57 =	vand.u32 $0xFFFFFFF8, v63;
	v59 =	vadd.s32 v12, v36;
	v45 =	vor.u32 v2, v53;
	v47 =	vld.idx.msk [tilespmem:v47+s11+$0x0], $0xffff;
	[tilespmem:s25+$0xC100] =	vst v49  }
0xf3: {  	s26 =	sor.u32 s26, s0;
	v60 =	vand.u32 $0xFFFFFFF8, v59;
	v50 =	vor.u32 v2, v57;
	v46 =	vld.idx.msk [tilespmem:v58+s11+$0x0], $0xffff;
	v58 =	vadd.s32 v26, v35;
	[tilespmem:s22+$0xBA00] =	vst v41  }
0xf4: {  	v62 =	vadd.s32 v17, v34;
	v53 =	vand.u32 $0xFFFFFFF8, v58;
	[tilespmem:s26+$0xB300] =	vst v52;
	v49 =	vor.u32 v2, v60;
	v43 =	vld.idx.msk [tilespmem:v43+s11+$0x0], $0xffff  }
0xf5: {  	v61 =	vadd.s32 v31, v39;
	v52 =	vand.u32 $0xFFFFFFF8, v62;
	v41 =	vor.u32 v2, v53;
	[tilespmem:s20+$0xBC80] =	vst v44;
	v42 =	vld.idx.msk [tilespmem:v42+s11+$0x0], $0xffff  }
0xf6: {  	v63 =	vadd.s32 v3, v38;
	v53 =	vand.u32 $0xFFFFFFF8, v61;
	[tilespmem:s24+$0xB580] =	vst v48;
	v48 =	vor.u32 v2, v52;
	v51 =	vld.idx.msk [tilespmem:v51+s11+$0x0], $0xffff  }
0xf7: {  	v57 =	vand.u32 $0xFFFFFFF8, v63;
	v58 =	vadd.s32 v22, v33;
	v44 =	vor.u32 v2, v53;
	v52 =	vld.idx.msk [tilespmem:v45+s11+$0x0], $0xffff  }
0xf8: {  	v59 =	vadd.s32 v8, v37;
	v53 =	vor.u32 v2, v57;
	v54 =	vld.idx.msk [tilespmem:v50+s11+$0x0], $0xffff;
	v45 =	vand.u32 $0xFFFFFFF8, v58;
	[tilespmem:s23+$0xB800] =	vst v47  }
0xf9: {  	v60 =	vand.u32 $0xFFFFFFF8, v59;
	v61 =	vadd.s32 v27, v35;
	[tilespmem:s21+$0xBF00] =	vst v46;
	v55 =	vor.u32 v2, v45;
	v49 =	vld.idx.msk [tilespmem:v49+s11+$0x0], $0xffff  }
0xfa: {  	v62 =	vadd.s32 v13, v36;
	v57 =	vor.u32 v2, v60;
	v56 =	vld.idx.msk [tilespmem:v41+s11+$0x0], $0xffff;
	v41 =	vand.u32 $0xFFFFFFF8, v61;
	[tilespmem:s22+$0xBA80] =	vst v43  }
0xfb: {  	v63 =	vand.u32 $0xFFFFFFF8, v62;
	v50 =	vadd.s32 v32, v39;
	[tilespmem:s25+$0xC180] =	vst v42;
	v58 =	vor.u32 v2, v41;
	v39 =	vld.idx.msk [tilespmem:v48+s11+$0x0], $0xffff  }
0xfc: {  	v59 =	vadd.s32 v18, v34;
	v47 =	vor.u32 v2, v63;
	[tilespmem:s26+$0xB380] =	vst v51;
	v41 =	vand.u32 $0xFFFFFFF8, v50;
	v45 =	vld.idx.msk [tilespmem:v44+s11+$0x0], $0xffff  }
0xfd: {  	v60 =	vadd.s32 v4, v38;
	v42 =	vand.u32 $0xFFFFFFF8, v59;
	v43 =	vld.idx.msk [tilespmem:v53+s11+$0x0], $0xffff;
	[tilespmem:s20+$0xBD00] =	vst v52;
	v50 =	vor.u32 v2, v41  }
0xfe: {  	v62 =	vadd.s32 v23, v33;
	v61 =	vand.u32 $0xFFFFFFF8, v60;
	[tilespmem:s24+$0xB600] =	vst v54;
	v48 =	vor.u32 v2, v42;
	v44 =	vld.idx.msk [tilespmem:v55+s11+$0x0], $0xffff  }
0xff: {  	v63 =	vadd.s32 v9, v37;
	v46 =	vor.u32 v2, v61;
	v42 =	vand.u32 $0xFFFFFFF8, v62;
	v41 =	vld.idx.msk [tilespmem:v57+s11+$0x0], $0xffff;
	[tilespmem:s21+$0xBF80] =	vst v56  }
0x100: {  	s30 =	simm.s32 $0x7;
	s31 =	simm.s32 $0x8;
	v51 =	vand.u32 $0xFFFFFFF8, v63;
	v52 =	vadd.s32 v28, v35;
	[tilespmem:s23+$0xB880] =	vst v49;
	v49 =	vor.u32 v2, v42;
	v42 =	vld.idx.msk [tilespmem:v58+s11+$0x0], $0xffff  }
.LBB2_5:
0x101: {  	p1 =	sne.s32 s31, $0x1F;
	v51 =	vor.u32 v2, v51;
	v47 =	vld.idx.msk [tilespmem:v47+s11+$0x0], $0xffff;
	v53 =	vadd.s32 v14, v36;
	v52 =	vand.u32 $0xFFFFFFF8, v52;
	[tilespmem:s25+$0xC200] =	vst v45  }
0x102: {  	v45 =	vand.u32 $0xFFFFFFF8, v53;
	[tilespmem:s22+$0xBB00] =	vst v39;
	v52 =	vor.u32 v2, v52;
	v50 =	vld.idx.msk [tilespmem:v50+s11+$0x0], $0xffff;
	v39 =	vmovc v35;
	v35 =	vmov v33  }
0x103: {  	v33 =	vmov v34;
	[tilespmem:s26+$0xB400] =	vst v43;
	v43 =	vor.u32 v2, v45;
	v45 =	vld.idx.msk [tilespmem:v48+s11+$0x0], $0xffff;
	v48 =	vadd.s32 v19, v34  }
0x104: {  	s0 =	sshrl.u32 s31, $0x3;
	v53 =	vadd.s32 v5, v38;
	v34 =	vmovc v36;
	v36 =	vmov v37;
	v46 =	vld.idx.msk [tilespmem:v46+s11+$0x0], $0xffff;
	v48 =	vand.u32 $0xFFFFFFF8, v48;
	[tilespmem:s20+$0xBD80] =	vst v44  }
0x105: {  	s0 =	sadd.s32 s19, s0;
	v37 =	vand.u32 $0xFFFFFFF8, v53;
	[tilespmem:s24+$0xB680] =	vst v41;
	v41 =	vor.u32 v2, v48;
	v44 =	vld.idx.msk [tilespmem:v49+s11+$0x0], $0xffff;
	v48 =	vadd.s32 v24, v35  }
0x106: {  	s29 =	sadd.s32 $0x10, s29;
	s2 =	sshll.u32 s0, $0x7;
	v49 =	vor.u32 v2, v37;
	v37 =	vadd.s32 v10, v36;
	v51 =	vld.idx.msk [tilespmem:v51+s11+$0x0], $0xffff;
	v48 =	vand.u32 $0xFFFFFFF8, v48;
	[tilespmem:s21+$0xC000] =	vst v42  }
0x107: {  	s0 =	sand.u32 $0x70, s29;
	s2 =	sand.u32 $0x3FFFFF80, s2;
	v55 =	vand.u32 $0xFFFFFFF8, v37;
	[tilespmem:s23+$0xB900] =	vst v47;
	v42 =	vor.u32 v2, v48;
	v47 =	vld.idx.msk [tilespmem:v52+s11+$0x0], $0xffff;
	v48 =	vadd.s32 v29, v39  }
0x108: {  	v54 =	vadd.s32 v15, v34;
	s2 =	sor.u32 s0, s2;
	v52 =	vor.u32 v2, v55;
	v43 =	vld.idx.msk [tilespmem:v43+s11+$0x0], $0xffff;
	v48 =	vand.u32 $0xFFFFFFF8, v48;
	[tilespmem:s25+$0xC280] =	vst v50;
	s25 =	smov.u32 s21;
	s21 =	smov.u32 s20  }
0x109: {  	v53 =	vand.u32 $0xFFFFFFF8, v54;
	v37 =	vmov v38;
	s20 =	smov.u32 s22;
	v50 =	vld [tilespmem:s2+$0x3300];
	[tilespmem:s22+$0xBB80] =	vst v45;
	v45 =	vor.u32 v2, v48;
	s22 =	smov.u32 s23;
	s23 =	smov.u32 s24  }
0x10a: {  	v38 =	vshll.u32 v40, $0x4;
	v40 =	vor.u32 v2, v53;
	s24 =	smov.u32 s26;
	[tilespmem:s26+$0xB480] =	vst v46;
	v41 =	vld.idx.msk [tilespmem:v41+s11+$0x0], $0xffff;
	v46 =	vadd.s32 v20, v33  }
0x10b: {  	v48 =	vor.u32 v0, v38;
	v53 =	vadd.s32 v6, v37;
	v49 =	vld.idx.msk [tilespmem:v49+s11+$0x0], $0xffff;
	v46 =	vand.u32 $0xFFFFFFF8, v46;
	[tilespmem:s21+$0xBE00] =	vst v44  }
0x10c: {  	v44 =	vand.u32 $0xFFFFFFF8, v53;
	[tilespmem:s23+$0xB700] =	vst v51;
	v46 =	vor.u32 v2, v46;
	v42 =	vld.idx.msk [tilespmem:v42+s11+$0x0], $0xffff;
	v51 =	vadd.s32 v25, v35  }
0x10d: {  	v53 =	vadd.s32 v11, v36;
	v44 =	vor.u32 v2, v44;
	v52 =	vld.idx.msk [tilespmem:v52+s11+$0x0], $0xffff;
	v51 =	vand.u32 $0xFFFFFFF8, v51;
	[tilespmem:s25+$0xC080] =	vst v47  }
0x10e: {  	v47 =	vand.u32 $0xFFFFFFF8, v53;
	[tilespmem:s22+$0xB980] =	vst v43;
	v43 =	vor.u32 v2, v51;
	v45 =	vld.idx.msk [tilespmem:v45+s11+$0x0], $0xffff;
	v51 =	vadd.s32 v30, v39  }
0x10f: {  	v54 =	vadd.s32 v16, v34;
	v47 =	vor.u32 v2, v47;
	v53 =	vld.idx.msk [tilespmem:v40+s11+$0x0], $0xffff;
	v51 =	vand.u32 $0xFFFFFFF8, v51;
	v40 =	vmovc v50  }
0x110: {  	v54 =	vand.u32 $0xFFFFFFF8, v54;
	v50 =	vadd.s32 v1, v38;
	v48 =	vld.idx.msk [tilespmem:v48+s11+$0x0], $0xffff;
	[tilespmem:s20+$0xBC00] =	vst v41;
	v41 =	vor.u32 v2, v51  }
0x111: {  	v50 =	vand.u32 $0xFFFFFFF8, v50;
	v51 =	vadd.s32 v21, v33;
	[tilespmem:s24+$0xB500] =	vst v49;
	v49 =	vor.u32 v2, v54;
	v46 =	vld.idx.msk [tilespmem:v46+s11+$0x0], $0xffff  }
0x112: {  	v50 =	vor.u32 v2, v50;
	v54 =	vadd.s32 v7, v37;
	v51 =	vand.u32 $0xFFFFFFF8, v51;
	v44 =	vld.idx.msk [tilespmem:v44+s11+$0x0], $0xffff;
	[tilespmem:s21+$0xBE80] =	vst v42  }
0x113: {  	s2 =	sshll.u32 s30, $0x9;
	s30 =	smov.u32 s31;
	v42 =	vand.u32 $0xFFFFFFF8, v54;
	v51 =	vor.u32 v2, v51;
	[tilespmem:s23+$0xB780] =	vst v52;
	v43 =	vld.idx.msk [tilespmem:v43+s11+$0x0], $0xffff;
	v52 =	vadd.s32 v26, v35  }
0x114: {  	s2 =	sand.u32 $0x3FFFF000, s2;
	v54 =	vadd.s32 v12, v36;
	v42 =	vor.u32 v2, v42;
	v47 =	vld.idx.msk [tilespmem:v47+s11+$0x0], $0xffff;
	v52 =	vand.u32 $0xFFFFFFF8, v52;
	[tilespmem:s25+$0xC100] =	vst v45  }
0x115: {  	s26 =	sor.u32 s28, s2;
	s28 =	smov.u32 s0;
	v45 =	vand.u32 $0xFFFFFFF8, v54;
	[tilespmem:s22+$0xBA00] =	vst v53;
	v52 =	vor.u32 v2, v52;
	v41 =	vld.idx.msk [tilespmem:v41+s11+$0x0], $0xffff;
	v53 =	vadd.s32 v31, v39  }
0x116: {  	v45 =	vor.u32 v2, v45;
	[tilespmem:s26+$0xB300] =	vst v48;
	v48 =	vld.idx.msk [tilespmem:v49+s11+$0x0], $0xffff;
	v49 =	vadd.s32 v17, v34;
	v53 =	vand.u32 $0xFFFFFFF8, v53  }
0x117: {  	v54 =	vadd.s32 v3, v38;
	v50 =	vld.idx.msk [tilespmem:v50+s11+$0x0], $0xffff;
	v49 =	vand.u32 $0xFFFFFFF8, v49;
	[tilespmem:s20+$0xBC80] =	vst v46;
	v46 =	vor.u32 v2, v53  }
0x118: {  	v53 =	vand.u32 $0xFFFFFFF8, v54;
	[tilespmem:s24+$0xB580] =	vst v44;
	v44 =	vor.u32 v2, v49;
	v49 =	vld.idx.msk [tilespmem:v51+s11+$0x0], $0xffff;
	v51 =	vadd.s32 v22, v33  }
0x119: {  	v54 =	vadd.s32 v8, v37;
	v53 =	vor.u32 v2, v53;
	v42 =	vld.idx.msk [tilespmem:v42+s11+$0x0], $0xffff;
	v51 =	vand.u32 $0xFFFFFFF8, v51;
	[tilespmem:s21+$0xBF00] =	vst v43  }
0x11a: {  	v43 =	vand.u32 $0xFFFFFFF8, v54;
	[tilespmem:s23+$0xB800] =	vst v47;
	v51 =	vor.u32 v2, v51;
	v52 =	vld.idx.msk [tilespmem:v52+s11+$0x0], $0xffff;
	v47 =	vadd.s32 v27, v35  }
0x11b: {  	v54 =	vor.u32 v2, v43;
	v43 =	vadd.s32 v13, v36;
	v55 =	vld.idx.msk [tilespmem:v45+s11+$0x0], $0xffff;
	v45 =	vand.u32 $0xFFFFFFF8, v47;
	[tilespmem:s25+$0xC180] =	vst v41  }
0x11c: {  	v41 =	vand.u32 $0xFFFFFFF8, v43;
	v43 =	vadd.s32 v32, v39;
	[tilespmem:s22+$0xBA80] =	vst v48;
	v56 =	vor.u32 v2, v45;
	v45 =	vld.idx.msk [tilespmem:v46+s11+$0x0], $0xffff  }
.Ltmp1:
0x11d: {  	v47 =	vor.u32 v2, v41;
	v41 =	vadd.s32 v18, v34;
	[tilespmem:s26+$0xB380] =	vst v50;
	v39 =	vld.idx.msk [tilespmem:v44+s11+$0x0], $0xffff;
	v44 =	vand.u32 $0xFFFFFFF8, v43;
	(pc) =	sbr.rel @p1 .LBB2_5-.Ltmp1, $4  }
0x11e: {  	v46 =	vadd.s32 v4, v38;
	v41 =	vand.u32 $0xFFFFFFF8, v41;
	v43 =	vld.idx.msk [tilespmem:v53+s11+$0x0], $0xffff;
	[tilespmem:s20+$0xBD00] =	vst v49;
	v50 =	vor.u32 v2, v44  }
0x11f: {  	v46 =	vand.u32 $0xFFFFFFF8, v46;
	v48 =	vor.u32 v2, v41;
	[tilespmem:s24+$0xB600] =	vst v42;
	v44 =	vld.idx.msk [tilespmem:v51+s11+$0x0], $0xffff;
	v42 =	vadd.s32 v23, v33  }
0x120: {  	v46 =	vor.u32 v2, v46;
	v49 =	vadd.s32 v9, v37;
	v41 =	vld.idx.msk [tilespmem:v54+s11+$0x0], $0xffff;
	v42 =	vand.u32 $0xFFFFFFF8, v42;
	[tilespmem:s21+$0xBF80] =	vst v52  }
0x121: {  	s31 =	sadd.s32 $0x1, s31;
	v51 =	vand.u32 $0xFFFFFFF8, v49;
	v52 =	vadd.s32 v28, v35;
	[tilespmem:s23+$0xB880] =	vst v55;
	v49 =	vor.u32 v2, v42;
	v42 =	vld.idx.msk [tilespmem:v56+s11+$0x0], $0xffff  }
0x122: {  	_ =	sdelay $0x2  }
0x123: {  	[tilespmem:s25+$0xC200] =	vst v45  }
0x124: {  	v45 =	vor.u32 v2, v51;
	v47 =	vld.idx.msk [tilespmem:v47+s11+$0x0], $0xffff;
	v63 =	vadd.s32 v14, v36;
	v52 =	vand.u32 $0xFFFFFFF8, v52;
	[tilespmem:s22+$0xBB00] =	vst v39  }
0x125: {  	v56 =	vadd.s32 v19, v34;
	v55 =	vand.u32 $0xFFFFFFF8, v63;
	v51 =	vor.u32 v2, v52;
	v50 =	vld.idx.msk [tilespmem:v50+s11+$0x0], $0xffff;
	[tilespmem:s26+$0xB400] =	vst v43  }
0x126: {  	v58 =	vadd.s32 v5, v38;
	v48 =	vld.idx.msk [tilespmem:v48+s11+$0x0], $0xffff;
	v43 =	vand.u32 $0xFFFFFFF8, v56;
	v57 =	vor.u32 v2, v55;
	[tilespmem:s20+$0xBD80] =	vst v44  }
0x127: {  	v61 =	vadd.s32 v24, v33;
	v39 =	vand.u32 $0xFFFFFFF8, v58;
	v59 =	vld.idx.msk [tilespmem:v46+s11+$0x0], $0xffff;
	v60 =	vor.u32 v2, v43;
	[tilespmem:s24+$0xB680] =	vst v41  }
0x128: {  	v62 =	vadd.s32 v10, v37;
	v53 =	vor.u32 v2, v39;
	v49 =	vld.idx.msk [tilespmem:v49+s11+$0x0], $0xffff;
	v41 =	vand.u32 $0xFFFFFFF8, v61;
	[tilespmem:s21+$0xC000] =	vst v42  }
0x129: {  	v39 =	vand.u32 $0xFFFFFFF8, v62;
	v63 =	vor.u32 v2, v41;
	v45 =	vld.idx.msk [tilespmem:v45+s11+$0x0], $0xffff;
	[tilespmem:s23+$0xB900] =	vst v47  }
0x12a: {  	v54 =	vor.u32 v2, v39;
	v39 =	vshll.u32 v40, $0x4;
	v41 =	vld.idx.msk [tilespmem:v51+s11+$0x0], $0xffff;
	[tilespmem:s25+$0xC280] =	vst v50  }
0x12b: {  	v55 =	vor.u32 v0, v39;
	[tilespmem:s22+$0xBB80] =	vst v48;
	v43 =	vld.idx.msk [tilespmem:v57+s11+$0x0], $0xffff  }
0x12c: {  	[tilespmem:s26+$0xB480] =	vst v59;
	v42 =	vld.idx.msk [tilespmem:v60+s11+$0x0], $0xffff  }
0x12d: {  	v44 =	vld.idx.msk [tilespmem:v53+s11+$0x0], $0xffff;
	[tilespmem:s20+$0xBE00] =	vst v49  }
0x12e: {  	v40 =	vld.idx.msk [tilespmem:v63+s11+$0x0], $0xffff;
	[tilespmem:s24+$0xB700] =	vst v45  }
0x12f: {  	v56 =	vadd.s32 v1, v39;
	v45 =	vld.idx.msk [tilespmem:v54+s11+$0x0], $0xffff  }
0x130: {  	v46 =	vand.u32 $0xFFFFFFF8, v56;
	v57 =	vld.idx.msk [tilespmem:v55+s11+$0x0], $0xffff  }
0x131: {  	v46 =	vor.u32 v2, v46  }
0x132: {  	s0 =	sshll.u32 s30, $0x9  }
0x133: {  	s0 =	sand.u32 $0x3FFFF000, s0  }
0x134: {  	s8 =	sor.u32 s28, s0  }
0x135: {  	v58 =	vadd.s32 v3, v39;
	[tilespmem:s8+$0xB300] =	vst v57  }
0x136: {  	v47 =	vand.u32 $0xFFFFFFF8, v58;
	v46 =	vld.idx.msk [tilespmem:v46+s11+$0x0], $0xffff  }
0x137: {  	v47 =	vor.u32 v2, v47;
	_ =	sdelay $0x3  }
0x138: {  	v59 =	vadd.s32 v4, v39;
	[tilespmem:s8+$0xB380] =	vst v46  }
0x139: {  	v46 =	vand.u32 $0xFFFFFFF8, v59;
	v47 =	vld.idx.msk [tilespmem:v47+s11+$0x0], $0xffff  }
0x13a: {  	v46 =	vor.u32 v2, v46;
	_ =	sdelay $0x1  }
0x13b: {  	v61 =	vadd.s32 v6, v38  }
0x13c: {  	v48 =	vand.u32 $0xFFFFFFF8, v61  }
0x13d: {  	v60 =	vadd.s32 v5, v39;
	v48 =	vor.u32 v2, v48;
	[tilespmem:s8+$0xB400] =	vst v47  }
0x13e: {  	v47 =	vand.u32 $0xFFFFFFF8, v60;
	v46 =	vld.idx.msk [tilespmem:v46+s11+$0x0], $0xffff  }
0x13f: {  	v47 =	vor.u32 v2, v47;
	_ =	sdelay $0x1  }
0x140: {  	v63 =	vadd.s32 v7, v38;
	[tilespmem:s26+$0xB500] =	vst v44  }
0x141: {  	v44 =	vand.u32 $0xFFFFFFF8, v63;
	v48 =	vld.idx.msk [tilespmem:v48+s11+$0x0], $0xffff  }
0x142: {  	v62 =	vadd.s32 v6, v39;
	v44 =	vor.u32 v2, v44;
	[tilespmem:s8+$0xB480] =	vst v46  }
0x143: {  	v46 =	vand.u32 $0xFFFFFFF8, v62;
	v47 =	vld.idx.msk [tilespmem:v47+s11+$0x0], $0xffff  }
0x144: {  	v46 =	vor.u32 v2, v46;
	_ =	sdelay $0x1  }
0x145: {  	v53 =	vadd.s32 v8, v38;
	[tilespmem:s26+$0xB580] =	vst v48  }
0x146: {  	v48 =	vand.u32 $0xFFFFFFF8, v53;
	v44 =	vld.idx.msk [tilespmem:v44+s11+$0x0], $0xffff  }
0x147: {  	v52 =	vadd.s32 v7, v39;
	v48 =	vor.u32 v2, v48;
	[tilespmem:s8+$0xB500] =	vst v47  }
0x148: {  	v47 =	vand.u32 $0xFFFFFFF8, v52;
	v46 =	vld.idx.msk [tilespmem:v46+s11+$0x0], $0xffff  }
0x149: {  	v47 =	vor.u32 v2, v47;
	_ =	sdelay $0x1  }
0x14a: {  	v55 =	vadd.s32 v9, v38;
	[tilespmem:s26+$0xB600] =	vst v44  }
0x14b: {  	v44 =	vand.u32 $0xFFFFFFF8, v55;
	v48 =	vld.idx.msk [tilespmem:v48+s11+$0x0], $0xffff  }
0x14c: {  	v54 =	vadd.s32 v8, v39;
	v44 =	vor.u32 v2, v44;
	[tilespmem:s8+$0xB580] =	vst v46  }
0x14d: {  	v46 =	vand.u32 $0xFFFFFFF8, v54;
	v47 =	vld.idx.msk [tilespmem:v47+s11+$0x0], $0xffff  }
0x14e: {  	v46 =	vor.u32 v2, v46;
	_ =	sdelay $0x1  }
0x14f: {  	v57 =	vadd.s32 v10, v38;
	[tilespmem:s26+$0xB680] =	vst v48  }
0x150: {  	v48 =	vand.u32 $0xFFFFFFF8, v57;
	v44 =	vld.idx.msk [tilespmem:v44+s11+$0x0], $0xffff  }
0x151: {  	v56 =	vadd.s32 v9, v39;
	v48 =	vor.u32 v2, v48;
	[tilespmem:s8+$0xB600] =	vst v47  }
0x152: {  	v47 =	vand.u32 $0xFFFFFFF8, v56;
	v46 =	vld.idx.msk [tilespmem:v46+s11+$0x0], $0xffff  }
0x153: {  	v47 =	vor.u32 v2, v47;
	_ =	sdelay $0x1  }
0x154: {  	v60 =	vadd.s32 v11, v38;
	[tilespmem:s26+$0xB700] =	vst v44  }
0x155: {  	v44 =	vand.u32 $0xFFFFFFF8, v60;
	v48 =	vld.idx.msk [tilespmem:v48+s11+$0x0], $0xffff  }
0x156: {  	v58 =	vadd.s32 v10, v39;
	v44 =	vor.u32 v2, v44;
	[tilespmem:s8+$0xB680] =	vst v46  }
0x157: {  	v59 =	vadd.s32 v11, v37;
	v46 =	vand.u32 $0xFFFFFFF8, v58;
	v47 =	vld.idx.msk [tilespmem:v47+s11+$0x0], $0xffff  }
0x158: {  	v49 =	vand.u32 $0xFFFFFFF8, v59;
	v46 =	vor.u32 v2, v46  }
0x159: {  	v49 =	vor.u32 v2, v49  }
0x15a: {  	v63 =	vadd.s32 v12, v38;
	[tilespmem:s26+$0xB780] =	vst v48  }
0x15b: {  	v48 =	vand.u32 $0xFFFFFFF8, v63;
	v44 =	vld.idx.msk [tilespmem:v44+s11+$0x0], $0xffff  }
0x15c: {  	v61 =	vadd.s32 v11, v39;
	v48 =	vor.u32 v2, v48;
	[tilespmem:s8+$0xB700] =	vst v47  }
0x15d: {  	[tilespmem:s24+$0xB780] =	vst v45;
	v62 =	vadd.s32 v12, v37;
	v47 =	vand.u32 $0xFFFFFFF8, v61;
	v46 =	vld.idx.msk [tilespmem:v46+s11+$0x0], $0xffff  }
0x15e: {  	v49 =	vld.idx.msk [tilespmem:v49+s11+$0x0], $0xffff;
	v45 =	vand.u32 $0xFFFFFFF8, v62;
	v47 =	vor.u32 v2, v47  }
0x15f: {  	v45 =	vor.u32 v2, v45  }
0x160: {  	v54 =	vadd.s32 v13, v38;
	[tilespmem:s26+$0xB800] =	vst v44  }
0x161: {  	v44 =	vand.u32 $0xFFFFFFF8, v54;
	v48 =	vld.idx.msk [tilespmem:v48+s11+$0x0], $0xffff  }
0x162: {  	v52 =	vadd.s32 v12, v39;
	v44 =	vor.u32 v2, v44;
	[tilespmem:s8+$0xB780] =	vst v46  }
0x163: {  	v53 =	vadd.s32 v13, v37;
	[tilespmem:s24+$0xB800] =	vst v49;
	v46 =	vand.u32 $0xFFFFFFF8, v52;
	v47 =	vld.idx.msk [tilespmem:v47+s11+$0x0], $0xffff  }
0x164: {  	v49 =	vand.u32 $0xFFFFFFF8, v53;
	v45 =	vld.idx.msk [tilespmem:v45+s11+$0x0], $0xffff;
	v46 =	vor.u32 v2, v46  }
0x165: {  	v49 =	vor.u32 v2, v49  }
0x166: {  	v57 =	vadd.s32 v14, v38;
	[tilespmem:s26+$0xB880] =	vst v48  }
0x167: {  	v48 =	vand.u32 $0xFFFFFFF8, v57;
	v44 =	vld.idx.msk [tilespmem:v44+s11+$0x0], $0xffff  }
0x168: {  	v55 =	vadd.s32 v13, v39;
	v48 =	vor.u32 v2, v48;
	[tilespmem:s8+$0xB800] =	vst v47  }
0x169: {  	[tilespmem:s24+$0xB880] =	vst v45;
	v56 =	vadd.s32 v14, v37;
	v47 =	vand.u32 $0xFFFFFFF8, v55;
	v46 =	vld.idx.msk [tilespmem:v46+s11+$0x0], $0xffff  }
0x16a: {  	v49 =	vld.idx.msk [tilespmem:v49+s11+$0x0], $0xffff;
	v45 =	vand.u32 $0xFFFFFFF8, v56;
	v47 =	vor.u32 v2, v47  }
0x16b: {  	v45 =	vor.u32 v2, v45  }
0x16c: {  	[tilespmem:s26+$0xB900] =	vst v44;
	v61 =	vadd.s32 v15, v38  }
0x16d: {  	v48 =	vld.idx.msk [tilespmem:v48+s11+$0x0], $0xffff;
	v44 =	vand.u32 $0xFFFFFFF8, v61  }
0x16e: {  	v58 =	vadd.s32 v14, v39;
	v44 =	vor.u32 v2, v44;
	[tilespmem:s8+$0xB880] =	vst v46  }
0x16f: {  	v60 =	vadd.s32 v15, v37;
	[tilespmem:s24+$0xB900] =	vst v49;
	v46 =	vand.u32 $0xFFFFFFF8, v58;
	v47 =	vld.idx.msk [tilespmem:v47+s11+$0x0], $0xffff  }
0x170: {  	v59 =	vadd.s32 v15, v36;
	v49 =	vand.u32 $0xFFFFFFF8, v60;
	v45 =	vld.idx.msk [tilespmem:v45+s11+$0x0], $0xffff;
	v46 =	vor.u32 v2, v46  }
0x171: {  	v50 =	vand.u32 $0xFFFFFFF8, v59;
	v49 =	vor.u32 v2, v49  }
0x172: {  	v50 =	vor.u32 v2, v50;
	v53 =	vadd.s32 v16, v38;
	[tilespmem:s26+$0xB980] =	vst v48  }
0x173: {  	v48 =	vand.u32 $0xFFFFFFF8, v53;
	v44 =	vld.idx.msk [tilespmem:v44+s11+$0x0], $0xffff  }
0x174: {  	v62 =	vadd.s32 v15, v39;
	v48 =	vor.u32 v2, v48;
	[tilespmem:s8+$0xB900] =	vst v47  }
0x175: {  	[tilespmem:s24+$0xB980] =	vst v45;
	v52 =	vadd.s32 v16, v37;
	v47 =	vand.u32 $0xFFFFFFF8, v62;
	v46 =	vld.idx.msk [tilespmem:v46+s11+$0x0], $0xffff  }
0x176: {  	[tilespmem:s23+$0xB980] =	vst v43;
	v63 =	vadd.s32 v16, v36;
	v49 =	vld.idx.msk [tilespmem:v49+s11+$0x0], $0xffff;
	v45 =	vand.u32 $0xFFFFFFF8, v52;
	v47 =	vor.u32 v2, v47  }
0x177: {  	v50 =	vld.idx.msk [tilespmem:v50+s11+$0x0], $0xffff;
	v43 =	vand.u32 $0xFFFFFFF8, v63;
	v45 =	vor.u32 v2, v45  }
0x178: {  	v43 =	vor.u32 v2, v43;
	v57 =	vadd.s32 v17, v38;
	[tilespmem:s26+$0xBA00] =	vst v44  }
0x179: {  	v44 =	vand.u32 $0xFFFFFFF8, v57;
	v48 =	vld.idx.msk [tilespmem:v48+s11+$0x0], $0xffff  }
0x17a: {  	v54 =	vadd.s32 v16, v39;
	v44 =	vor.u32 v2, v44;
	[tilespmem:s8+$0xB980] =	vst v46  }
0x17b: {  	v56 =	vadd.s32 v17, v37;
	[tilespmem:s24+$0xBA00] =	vst v49;
	v46 =	vand.u32 $0xFFFFFFF8, v54;
	v47 =	vld.idx.msk [tilespmem:v47+s11+$0x0], $0xffff  }
0x17c: {  	[tilespmem:s23+$0xBA00] =	vst v50;
	v49 =	vand.u32 $0xFFFFFFF8, v56;
	v55 =	vadd.s32 v17, v36;
	v45 =	vld.idx.msk [tilespmem:v45+s11+$0x0], $0xffff;
	v46 =	vor.u32 v2, v46  }
0x17d: {  	v43 =	vld.idx.msk [tilespmem:v43+s11+$0x0], $0xffff;
	v49 =	vor.u32 v2, v49;
	v50 =	vand.u32 $0xFFFFFFF8, v55  }
0x17e: {  	v61 =	vadd.s32 v18, v38;
	v50 =	vor.u32 v2, v50;
	[tilespmem:s26+$0xBA80] =	vst v48  }
0x17f: {  	v48 =	vand.u32 $0xFFFFFFF8, v61;
	v44 =	vld.idx.msk [tilespmem:v44+s11+$0x0], $0xffff  }
0x180: {  	v58 =	vadd.s32 v17, v39;
	v48 =	vor.u32 v2, v48;
	[tilespmem:s8+$0xBA00] =	vst v47  }
0x181: {  	v60 =	vadd.s32 v18, v37;
	[tilespmem:s24+$0xBA80] =	vst v45;
	v47 =	vand.u32 $0xFFFFFFF8, v58;
	v46 =	vld.idx.msk [tilespmem:v46+s11+$0x0], $0xffff  }
0x182: {  	v59 =	vadd.s32 v18, v36;
	[tilespmem:s23+$0xBA80] =	vst v43;
	v45 =	vand.u32 $0xFFFFFFF8, v60;
	v49 =	vld.idx.msk [tilespmem:v49+s11+$0x0], $0xffff;
	v47 =	vor.u32 v2, v47  }
0x183: {  	v43 =	vand.u32 $0xFFFFFFF8, v59;
	v50 =	vld.idx.msk [tilespmem:v50+s11+$0x0], $0xffff;
	v45 =	vor.u32 v2, v45  }
0x184: {  	v43 =	vor.u32 v2, v43;
	v53 =	vadd.s32 v19, v38;
	[tilespmem:s26+$0xBB00] =	vst v44  }
0x185: {  	v44 =	vand.u32 $0xFFFFFFF8, v53;
	v48 =	vld.idx.msk [tilespmem:v48+s11+$0x0], $0xffff  }
0x186: {  	v62 =	vadd.s32 v18, v39;
	v44 =	vor.u32 v2, v44;
	[tilespmem:s8+$0xBA80] =	vst v46  }
0x187: {  	v52 =	vadd.s32 v19, v37;
	[tilespmem:s24+$0xBB00] =	vst v49;
	v46 =	vand.u32 $0xFFFFFFF8, v62;
	v47 =	vld.idx.msk [tilespmem:v47+s11+$0x0], $0xffff  }
0x188: {  	v63 =	vadd.s32 v19, v36;
	[tilespmem:s23+$0xBB00] =	vst v50;
	v49 =	vand.u32 $0xFFFFFFF8, v52;
	v45 =	vld.idx.msk [tilespmem:v45+s11+$0x0], $0xffff;
	v46 =	vor.u32 v2, v46  }
0x189: {  	v50 =	vand.u32 $0xFFFFFFF8, v63;
	v43 =	vld.idx.msk [tilespmem:v43+s11+$0x0], $0xffff;
	v49 =	vor.u32 v2, v49  }
0x18a: {  	v50 =	vor.u32 v2, v50;
	[tilespmem:s26+$0xBB80] =	vst v48;
	v58 =	vadd.s32 v20, v38  }
0x18b: {  	v44 =	vld.idx.msk [tilespmem:v44+s11+$0x0], $0xffff;
	v48 =	vand.u32 $0xFFFFFFF8, v58  }
0x18c: {  	v54 =	vadd.s32 v19, v39;
	v61 =	vor.u32 v2, v48;
	[tilespmem:s8+$0xBB00] =	vst v47  }
0x18d: {  	v57 =	vadd.s32 v20, v37;
	[tilespmem:s24+$0xBB80] =	vst v45;
	v47 =	vand.u32 $0xFFFFFFF8, v54;
	v46 =	vld.idx.msk [tilespmem:v46+s11+$0x0], $0xffff  }
0x18e: {  	v56 =	vadd.s32 v20, v36;
	[tilespmem:s23+$0xBB80] =	vst v43;
	v45 =	vand.u32 $0xFFFFFFF8, v57;
	v49 =	vld.idx.msk [tilespmem:v49+s11+$0x0], $0xffff;
	v47 =	vor.u32 v2, v47  }
0x18f: {  	v55 =	vadd.s32 v20, v34;
	v43 =	vand.u32 $0xFFFFFFF8, v56;
	v50 =	vld.idx.msk [tilespmem:v50+s11+$0x0], $0xffff;
	v45 =	vor.u32 v2, v45  }
0x190: {  	v51 =	vand.u32 $0xFFFFFFF8, v55;
	v55 =	vadd.s32 v21, v38;
	v43 =	vor.u32 v2, v43;
	[tilespmem:s26+$0xBC00] =	vst v44  }
0x191: {  	[tilespmem:s21+$0xC080] =	vst v41;
	v51 =	vor.u32 v2, v51;
	v44 =	vand.u32 $0xFFFFFFF8, v55;
	v41 =	vld.idx.msk [tilespmem:v61+s11+$0x0], $0xffff  }
0x192: {  	v59 =	vadd.s32 v20, v39;
	v58 =	vor.u32 v2, v44;
	[tilespmem:s8+$0xBB80] =	vst v46  }
0x193: {  	[tilespmem:s24+$0xBC00] =	vst v49;
	v54 =	vadd.s32 v21, v37;
	v46 =	vand.u32 $0xFFFFFFF8, v59;
	v47 =	vld.idx.msk [tilespmem:v47+s11+$0x0], $0xffff  }
0x194: {  	v53 =	vadd.s32 v21, v36;
	[tilespmem:s23+$0xBC00] =	vst v50;
	v45 =	vld.idx.msk [tilespmem:v45+s11+$0x0], $0xffff;
	v49 =	vand.u32 $0xFFFFFFF8, v54;
	v46 =	vor.u32 v2, v46  }
0x195: {  	[tilespmem:s22+$0xBC00] =	vst v42;
	v63 =	vadd.s32 v21, v34;
	v50 =	vand.u32 $0xFFFFFFF8, v53;
	v43 =	vld.idx.msk [tilespmem:v43+s11+$0x0], $0xffff;
	v49 =	vor.u32 v2, v49  }
0x196: {  	v51 =	vld.idx.msk [tilespmem:v51+s11+$0x0], $0xffff;
	v42 =	vand.u32 $0xFFFFFFF8, v63;
	v55 =	vadd.s32 v22, v38;
	v50 =	vor.u32 v2, v50;
	[tilespmem:s26+$0xBC80] =	vst v41  }
0x197: {  	[tilespmem:s20+$0xBE80] =	vst v40;
	v60 =	vadd.s32 v29, v35;
	v42 =	vor.u32 v2, v42;
	v41 =	vand.u32 $0xFFFFFFF8, v55;
	v40 =	vld.idx.msk [tilespmem:v58+s11+$0x0], $0xffff  }
0x198: {  	v56 =	vadd.s32 v21, v39;
	v62 =	vand.u32 $0xFFFFFFF8, v60;
	v41 =	vor.u32 v2, v41;
	[tilespmem:s8+$0xBC00] =	vst v47  }
0x199: {  	v60 =	vand.u32 $0xFFFFFFF8, v56;
	[tilespmem:s24+$0xBC80] =	vst v45;
	v48 =	vor.u32 v2, v62;
	v54 =	vadd.s32 v22, v37;
	v59 =	vld.idx.msk [tilespmem:v46+s11+$0x0], $0xffff  }
0x19a: {  	v63 =	vadd.s32 v22, v36;
	[tilespmem:s23+$0xBC80] =	vst v43;
	v45 =	vand.u32 $0xFFFFFFF8, v54;
	v49 =	vld.idx.msk [tilespmem:v49+s11+$0x0], $0xffff;
	v46 =	vor.u32 v2, v60  }
0x19b: {  	[tilespmem:s22+$0xBC80] =	vst v51;
	v43 =	vand.u32 $0xFFFFFFF8, v63;
	v62 =	vadd.s32 v22, v34;
	v50 =	vld.idx.msk [tilespmem:v50+s11+$0x0], $0xffff;
	v45 =	vor.u32 v2, v45  }
0x19c: {  	v42 =	vld.idx.msk [tilespmem:v42+s11+$0x0], $0xffff;
	v43 =	vor.u32 v2, v43;
	v51 =	vand.u32 $0xFFFFFFF8, v62;
	v62 =	vadd.s32 v23, v38;
	[tilespmem:s26+$0xBD00] =	vst v40  }
0x19d: {  	v57 =	vadd.s32 v25, v33;
	v51 =	vor.u32 v2, v51;
	v40 =	vand.u32 $0xFFFFFFF8, v62;
	v41 =	vld.idx.msk [tilespmem:v41+s11+$0x0], $0xffff  }
0x19e: {  	v56 =	vadd.s32 v22, v39;
	v61 =	vand.u32 $0xFFFFFFF8, v57;
	v48 =	vld.idx.msk [tilespmem:v48+s11+$0x0], $0xffff;
	v40 =	vor.u32 v2, v40;
	[tilespmem:s8+$0xBC80] =	vst v59  }
0x19f: {  	v44 =	vand.u32 $0xFFFFFFF8, v56;
	v47 =	vor.u32 v2, v61;
	[tilespmem:s24+$0xBD00] =	vst v49;
	v61 =	vadd.s32 v23, v37;
	v46 =	vld.idx.msk [tilespmem:v46+s11+$0x0], $0xffff  }
0x1a0: {  	v44 =	vor.u32 v2, v44;
	[tilespmem:s23+$0xBD00] =	vst v50;
	v60 =	vadd.s32 v23, v36;
	v45 =	vld.idx.msk [tilespmem:v45+s11+$0x0], $0xffff;
	v49 =	vand.u32 $0xFFFFFFF8, v61  }
0x1a1: {  	[tilespmem:s22+$0xBD00] =	vst v42;
	v57 =	vadd.s32 v30, v35;
	v43 =	vld.idx.msk [tilespmem:v43+s11+$0x0], $0xffff;
	v50 =	vand.u32 $0xFFFFFFF8, v60;
	v49 =	vor.u32 v2, v49  }
0x1a2: {  	v58 =	vand.u32 $0xFFFFFFF8, v57;
	v51 =	vld.idx.msk [tilespmem:v51+s11+$0x0], $0xffff;
	[tilespmem:s26+$0xBD80] =	vst v41;
	v50 =	vor.u32 v2, v50;
	v59 =	vadd.s32 v23, v34  }
0x1a3: {  	[tilespmem:s21+$0xC100] =	vst v48;
	v48 =	vor.u32 v2, v58;
	v61 =	vadd.s32 v24, v38;
	v40 =	vld.idx.msk [tilespmem:v40+s11+$0x0], $0xffff;
	v42 =	vand.u32 $0xFFFFFFF8, v59  }
0x1a4: {  	v63 =	vadd.s32 v23, v39;
	v41 =	vand.u32 $0xFFFFFFF8, v61;
	v47 =	vld.idx.msk [tilespmem:v47+s11+$0x0], $0xffff;
	v42 =	vor.u32 v2, v42;
	[tilespmem:s8+$0xBD00] =	vst v46  }
0x1a5: {  	v60 =	vadd.s32 v24, v37;
	v41 =	vor.u32 v2, v41;
	[tilespmem:s24+$0xBD80] =	vst v45;
	v46 =	vand.u32 $0xFFFFFFF8, v63;
	v44 =	vld.idx.msk [tilespmem:v44+s11+$0x0], $0xffff  }
0x1a6: {  	[tilespmem:s23+$0xBD80] =	vst v43;
	v45 =	vand.u32 $0xFFFFFFF8, v60;
	v59 =	vadd.s32 v24, v36;
	v49 =	vld.idx.msk [tilespmem:v49+s11+$0x0], $0xffff;
	v46 =	vor.u32 v2, v46  }
0x1a7: {  	v56 =	vadd.s32 v26, v33;
	[tilespmem:s22+$0xBD80] =	vst v51;
	v45 =	vor.u32 v2, v45;
	v50 =	vld.idx.msk [tilespmem:v50+s11+$0x0], $0xffff;
	v43 =	vand.u32 $0xFFFFFFF8, v59  }
0x1a8: {  	v57 =	vand.u32 $0xFFFFFFF8, v56;
	v58 =	vadd.s32 v24, v34;
	v48 =	vld.idx.msk [tilespmem:v48+s11+$0x0], $0xffff;
	[tilespmem:s26+$0xBE00] =	vst v40;
	v43 =	vor.u32 v2, v43  }
0x1a9: {  	v51 =	vand.u32 $0xFFFFFFF8, v58;
	[tilespmem:s20+$0xBF00] =	vst v47;
	v47 =	vor.u32 v2, v57;
	v42 =	vld.idx.msk [tilespmem:v42+s11+$0x0], $0xffff  }
0x1aa: {  	v62 =	vadd.s32 v24, v39;
	v51 =	vor.u32 v2, v51;
	v41 =	vld.idx.msk [tilespmem:v41+s11+$0x0], $0xffff;
	[tilespmem:s8+$0xBD80] =	vst v44  }
0x1ab: {  	v58 =	vadd.s32 v25, v38;
	[tilespmem:s24+$0xBE00] =	vst v49;
	v44 =	vand.u32 $0xFFFFFFF8, v62;
	v46 =	vld.idx.msk [tilespmem:v46+s11+$0x0], $0xffff  }
0x1ac: {  	v56 =	vadd.s32 v25, v36;
	v40 =	vand.u32 $0xFFFFFFF8, v58;
	[tilespmem:s23+$0xBE00] =	vst v50;
	v45 =	vld.idx.msk [tilespmem:v45+s11+$0x0], $0xffff;
	v44 =	vor.u32 v2, v44  }
0x1ad: {  	[tilespmem:s21+$0xC180] =	vst v48;
	v40 =	vor.u32 v2, v40;
	v57 =	vadd.s32 v25, v37;
	v50 =	vand.u32 $0xFFFFFFF8, v56;
	v43 =	vld.idx.msk [tilespmem:v43+s11+$0x0], $0xffff  }
0x1ae: {  	v55 =	vadd.s32 v25, v34;
	v49 =	vand.u32 $0xFFFFFFF8, v57;
	v50 =	vor.u32 v2, v50;
	v47 =	vld.idx.msk [tilespmem:v47+s11+$0x0], $0xffff;
	[tilespmem:s22+$0xBE00] =	vst v42  }
0x1af: {  	v63 =	vadd.s32 v31, v35;
	v49 =	vor.u32 v2, v49;
	[tilespmem:s26+$0xBE80] =	vst v41;
	v42 =	vand.u32 $0xFFFFFFF8, v55;
	v51 =	vld.idx.msk [tilespmem:v51+s11+$0x0], $0xffff  }
0x1b0: {  	v59 =	vadd.s32 v25, v39;
	v54 =	vand.u32 $0xFFFFFFF8, v63;
	v42 =	vor.u32 v2, v42;
	[tilespmem:s8+$0xBE00] =	vst v46  }
0x1b1: {  	v60 =	vadd.s32 v27, v33;
	v48 =	vor.u32 v2, v54;
	[tilespmem:s24+$0xBE80] =	vst v45;
	v46 =	vand.u32 $0xFFFFFFF8, v59;
	v44 =	vld.idx.msk [tilespmem:v44+s11+$0x0], $0xffff  }
0x1b2: {  	v61 =	vand.u32 $0xFFFFFFF8, v60;
	v63 =	vadd.s32 v26, v36;
	v40 =	vld.idx.msk [tilespmem:v40+s11+$0x0], $0xffff;
	[tilespmem:s23+$0xBE80] =	vst v43;
	v46 =	vor.u32 v2, v46  }
0x1b3: {  	v53 =	vadd.s32 v26, v37;
	v43 =	vand.u32 $0xFFFFFFF8, v63;
	[tilespmem:s20+$0xBF80] =	vst v47;
	v47 =	vor.u32 v2, v61;
	v50 =	vld.idx.msk [tilespmem:v50+s11+$0x0], $0xffff  }
0x1b4: {  	v62 =	vadd.s32 v26, v34;
	v45 =	vand.u32 $0xFFFFFFF8, v53;
	v49 =	vld.idx.msk [tilespmem:v49+s11+$0x0], $0xffff;
	v43 =	vor.u32 v2, v43;
	[tilespmem:s22+$0xBE80] =	vst v51  }
0x1b5: {  	v54 =	vadd.s32 v26, v38;
	v45 =	vor.u32 v2, v45;
	v51 =	vand.u32 $0xFFFFFFF8, v62;
	v42 =	vld.idx.msk [tilespmem:v42+s11+$0x0], $0xffff  }
0x1b6: {  	v41 =	vand.u32 $0xFFFFFFF8, v54;
	v55 =	vadd.s32 v26, v39;
	v48 =	vld.idx.msk [tilespmem:v48+s11+$0x0], $0xffff;
	v51 =	vor.u32 v2, v51;
	[tilespmem:s8+$0xBE80] =	vst v44  }
0x1b7: {  	v56 =	vadd.s32 v32, v35;
	v41 =	vor.u32 v2, v41;
	[tilespmem:s26+$0xBF00] =	vst v40;
	v44 =	vand.u32 $0xFFFFFFF8, v55;
	v46 =	vld.idx.msk [tilespmem:v46+s11+$0x0], $0xffff  }
0x1b8: {  	v35 =	vand.u32 $0xFFFFFFF8, v56;
	v59 =	vadd.s32 v27, v36;
	v47 =	vld.idx.msk [tilespmem:v47+s11+$0x0], $0xffff;
	[tilespmem:s23+$0xBF00] =	vst v50;
	v44 =	vor.u32 v2, v44  }
0x1b9: {  	v60 =	vadd.s32 v27, v37;
	v35 =	vor.u32 v2, v35;
	[tilespmem:s24+$0xBF00] =	vst v49;
	v50 =	vand.u32 $0xFFFFFFF8, v59;
	v43 =	vld.idx.msk [tilespmem:v43+s11+$0x0], $0xffff  }
0x1ba: {  	v57 =	vadd.s32 v27, v34;
	v49 =	vand.u32 $0xFFFFFFF8, v60;
	v45 =	vld.idx.msk [tilespmem:v45+s11+$0x0], $0xffff;
	v50 =	vor.u32 v2, v50;
	[tilespmem:s22+$0xBF00] =	vst v42  }
0x1bb: {  	v61 =	vadd.s32 v27, v38;
	[tilespmem:s21+$0xC200] =	vst v48;
	v49 =	vor.u32 v2, v49;
	v42 =	vand.u32 $0xFFFFFFF8, v57;
	v58 =	vld.idx.msk [tilespmem:v51+s11+$0x0], $0xffff  }
0x1bc: {  	v41 =	vld.idx.msk [tilespmem:v41+s11+$0x0], $0xffff;
	v40 =	vand.u32 $0xFFFFFFF8, v61;
	v62 =	vadd.s32 v27, v39;
	v42 =	vor.u32 v2, v42;
	[tilespmem:s8+$0xBF00] =	vst v46  }
0x1bd: {  	v63 =	vadd.s32 v28, v33;
	v40 =	vor.u32 v2, v40;
	[tilespmem:s20+$0xC000] =	vst v47;
	v46 =	vand.u32 $0xFFFFFFF8, v62;
	v44 =	vld.idx.msk [tilespmem:v44+s11+$0x0], $0xffff  }
0x1be: {  	v56 =	vadd.s32 v28, v36;
	v54 =	vand.u32 $0xFFFFFFF8, v63;
	v35 =	vld.idx.msk [tilespmem:v35+s11+$0x0], $0xffff;
	[tilespmem:s23+$0xBF80] =	vst v43;
	v46 =	vor.u32 v2, v46  }
0x1bf: {  	v47 =	vor.u32 v2, v54;
	[tilespmem:s24+$0xBF80] =	vst v45;
	v57 =	vadd.s32 v28, v37;
	v43 =	vand.u32 $0xFFFFFFF8, v56;
	v50 =	vld.idx.msk [tilespmem:v50+s11+$0x0], $0xffff  }
0x1c0: {  	v55 =	vadd.s32 v28, v34;
	v49 =	vld.idx.msk [tilespmem:v49+s11+$0x0], $0xffff;
	v45 =	vand.u32 $0xFFFFFFF8, v57;
	v43 =	vor.u32 v2, v43;
	[tilespmem:s22+$0xBF80] =	vst v58  }
0x1c1: {  	[tilespmem:s26+$0xBF80] =	vst v41;
	v48 =	vand.u32 $0xFFFFFFF8, v55;
	v45 =	vor.u32 v2, v45;
	v58 =	vadd.s32 v28, v38;
	v42 =	vld.idx.msk [tilespmem:v42+s11+$0x0], $0xffff  }
0x1c2: {  	v59 =	vadd.s32 v28, v39;
	v40 =	vld.idx.msk [tilespmem:v40+s11+$0x0], $0xffff;
	v48 =	vor.u32 v2, v48;
	v41 =	vand.u32 $0xFFFFFFF8, v58;
	[tilespmem:s8+$0xBF80] =	vst v44  }
0x1c3: {  	v60 =	vadd.s32 v29, v33;
	[tilespmem:s21+$0xC280] =	vst v35;
	v61 =	vor.u32 v2, v41;
	v44 =	vand.u32 $0xFFFFFFF8, v59;
	v62 =	vld.idx.msk [tilespmem:v46+s11+$0x0], $0xffff  }
0x1c4: {  	v52 =	vand.u32 $0xFFFFFFF8, v60;
	v54 =	vadd.s32 v29, v36;
	v63 =	vld.idx.msk [tilespmem:v47+s11+$0x0], $0xffff;
	[tilespmem:s23+$0xC000] =	vst v50;
	v44 =	vor.u32 v2, v44  }
0x1c5: {  	v55 =	vadd.s32 v29, v37;
	v47 =	vor.u32 v2, v52;
	[tilespmem:s24+$0xC000] =	vst v49;
	v50 =	vand.u32 $0xFFFFFFF8, v54;
	v43 =	vld.idx.msk [tilespmem:v43+s11+$0x0], $0xffff  }
0x1c6: {  	v53 =	vadd.s32 v29, v34;
	v49 =	vand.u32 $0xFFFFFFF8, v55;
	v45 =	vld.idx.msk [tilespmem:v45+s11+$0x0], $0xffff;
	v50 =	vor.u32 v2, v50;
	[tilespmem:s22+$0xC000] =	vst v42  }
0x1c7: {  	v56 =	vadd.s32 v29, v38;
	[tilespmem:s26+$0xC000] =	vst v40;
	v49 =	vor.u32 v2, v49;
	v42 =	vand.u32 $0xFFFFFFF8, v53;
	v48 =	vld.idx.msk [tilespmem:v48+s11+$0x0], $0xffff  }
0x1c8: {  	v57 =	vadd.s32 v29, v39;
	v40 =	vand.u32 $0xFFFFFFF8, v56;
	v42 =	vor.u32 v2, v42;
	v35 =	vld.idx.msk [tilespmem:v61+s11+$0x0], $0xffff;
	[tilespmem:s8+$0xC000] =	vst v62  }
0x1c9: {  	v40 =	vor.u32 v2, v40;
	v58 =	vadd.s32 v30, v33;
	v41 =	vand.u32 $0xFFFFFFF8, v57;
	[tilespmem:s20+$0xC080] =	vst v63;
	v44 =	vld.idx.msk [tilespmem:v44+s11+$0x0], $0xffff  }
0x1ca: {  	v60 =	vadd.s32 v30, v36;
	v41 =	vor.u32 v2, v41;
	v47 =	vld.idx.msk [tilespmem:v47+s11+$0x0], $0xffff;
	v46 =	vand.u32 $0xFFFFFFF8, v58;
	[tilespmem:s23+$0xC080] =	vst v43  }
0x1cb: {  	[tilespmem:s24+$0xC080] =	vst v45;
	v43 =	vand.u32 $0xFFFFFFF8, v60;
	v61 =	vadd.s32 v30, v37;
	v46 =	vor.u32 v2, v46;
	v50 =	vld.idx.msk [tilespmem:v50+s11+$0x0], $0xffff  }
0x1cc: {  	v59 =	vadd.s32 v30, v34;
	v49 =	vld.idx.msk [tilespmem:v49+s11+$0x0], $0xffff;
	v43 =	vor.u32 v2, v43;
	v45 =	vand.u32 $0xFFFFFFF8, v61;
	[tilespmem:s22+$0xC080] =	vst v48  }
0x1cd: {  	v45 =	vor.u32 v2, v45;
	v48 =	vand.u32 $0xFFFFFFF8, v59;
	[tilespmem:s26+$0xC080] =	vst v35;
	v62 =	vadd.s32 v30, v38;
	v42 =	vld.idx.msk [tilespmem:v42+s11+$0x0], $0xffff  }
0x1ce: {  	v63 =	vadd.s32 v30, v39;
	v48 =	vor.u32 v2, v48;
	v40 =	vld.idx.msk [tilespmem:v40+s11+$0x0], $0xffff;
	v35 =	vand.u32 $0xFFFFFFF8, v62;
	[tilespmem:s8+$0xC080] =	vst v44  }
0x1cf: {  	v51 =	vadd.s32 v31, v33;
	[tilespmem:s20+$0xC100] =	vst v47;
	v35 =	vor.u32 v2, v35;
	v44 =	vand.u32 $0xFFFFFFF8, v63;
	v41 =	vld.idx.msk [tilespmem:v41+s11+$0x0], $0xffff  }
0x1d0: {  	v53 =	vadd.s32 v31, v36;
	v47 =	vand.u32 $0xFFFFFFF8, v51;
	v46 =	vld.idx.msk [tilespmem:v46+s11+$0x0], $0xffff;
	[tilespmem:s23+$0xC100] =	vst v50;
	v44 =	vor.u32 v2, v44  }
0x1d1: {  	v54 =	vadd.s32 v31, v37;
	v47 =	vor.u32 v2, v47;
	[tilespmem:s24+$0xC100] =	vst v49;
	v50 =	vand.u32 $0xFFFFFFF8, v53;
	v43 =	vld.idx.msk [tilespmem:v43+s11+$0x0], $0xffff  }
0x1d2: {  	v52 =	vadd.s32 v31, v34;
	v49 =	vand.u32 $0xFFFFFFF8, v54;
	v50 =	vor.u32 v2, v50;
	v45 =	vld.idx.msk [tilespmem:v45+s11+$0x0], $0xffff;
	[tilespmem:s22+$0xC100] =	vst v42  }
0x1d3: {  	v55 =	vadd.s32 v31, v38;
	v49 =	vor.u32 v2, v49;
	v42 =	vand.u32 $0xFFFFFFF8, v52;
	[tilespmem:s26+$0xC100] =	vst v40;
	v48 =	vld.idx.msk [tilespmem:v48+s11+$0x0], $0xffff  }
0x1d4: {  	v56 =	vadd.s32 v31, v39;
	v40 =	vand.u32 $0xFFFFFFF8, v55;
	v42 =	vor.u32 v2, v42;
	v35 =	vld.idx.msk [tilespmem:v35+s11+$0x0], $0xffff;
	[tilespmem:s8+$0xC100] =	vst v41  }
0x1d5: {  	v57 =	vadd.s32 v32, v33;
	[tilespmem:s20+$0xC180] =	vst v46;
	v40 =	vor.u32 v2, v40;
	v41 =	vand.u32 $0xFFFFFFF8, v56;
	v44 =	vld.idx.msk [tilespmem:v44+s11+$0x0], $0xffff  }
0x1d6: {  	v33 =	vand.u32 $0xFFFFFFF8, v57;
	v59 =	vadd.s32 v32, v36;
	v46 =	vld.idx.msk [tilespmem:v47+s11+$0x0], $0xffff;
	[tilespmem:s23+$0xC180] =	vst v43;
	v41 =	vor.u32 v2, v41  }
0x1d7: {  	v33 =	vor.u32 v2, v33;
	v60 =	vadd.s32 v32, v37;
	v36 =	vand.u32 $0xFFFFFFF8, v59;
	[tilespmem:s24+$0xC180] =	vst v45;
	v43 =	vld.idx.msk [tilespmem:v50+s11+$0x0], $0xffff  }
0x1d8: {  	v58 =	vadd.s32 v32, v34;
	v37 =	vand.u32 $0xFFFFFFF8, v60;
	v36 =	vor.u32 v2, v36;
	v45 =	vld.idx.msk [tilespmem:v49+s11+$0x0], $0xffff;
	[tilespmem:s22+$0xC180] =	vst v48  }
0x1d9: {  	v34 =	vand.u32 $0xFFFFFFF8, v58;
	v61 =	vadd.s32 v32, v38;
	v37 =	vor.u32 v2, v37;
	[tilespmem:s26+$0xC180] =	vst v35;
	v42 =	vld.idx.msk [tilespmem:v42+s11+$0x0], $0xffff  }
0x1da: {  	v39 =	vadd.s32 v32, v39;
	v34 =	vor.u32 v2, v34;
	v35 =	vand.u32 $0xFFFFFFF8, v61;
	v62 =	vld.idx.msk [tilespmem:v40+s11+$0x0], $0xffff;
	[tilespmem:s8+$0xC180] =	vst v44  }
0x1db: {  	v39 =	vand.u32 $0xFFFFFFF8, v39;
	[tilespmem:s20+$0xC200] =	vst v46;
	v35 =	vor.u32 v2, v35;
	v63 =	vld.idx.msk [tilespmem:v41+s11+$0x0], $0xffff  }
0x1dc: {  	v39 =	vor.u32 v2, v39;
	v33 =	vld.idx.msk [tilespmem:v33+s11+$0x0], $0xffff;
	[tilespmem:s23+$0xC200] =	vst v43  }
0x1dd: {  	[tilespmem:s24+$0xC200] =	vst v45;
	v36 =	vld.idx.msk [tilespmem:v36+s11+$0x0], $0xffff  }
0x1de: {  	v37 =	vld.idx.msk [tilespmem:v37+s11+$0x0], $0xffff;
	[tilespmem:s22+$0xC200] =	vst v42  }
0x1df: {  	[tilespmem:s26+$0xC200] =	vst v62;
	v34 =	vld.idx.msk [tilespmem:v34+s11+$0x0], $0xffff  }
0x1e0: {  	v35 =	vld.idx.msk [tilespmem:v35+s11+$0x0], $0xffff;
	[tilespmem:s8+$0xC200] =	vst v63  }
0x1e1: {  	[tilespmem:s20+$0xC280] =	vst v33;
	v41 =	vld.idx.msk [tilespmem:v39+s11+$0x0], $0xffff  }
0x1e2: {  	[tilespmem:s23+$0xC280] =	vst v36  }
0x1e3: {  	[tilespmem:s24+$0xC280] =	vst v37  }
0x1e4: {  	s2 =	sadd.s32 s6, s19;
	[tilespmem:s22+$0xC280] =	vst v34  }
0x1e5: {  	s0 =	sshll.u32 s2, $0x9;
	[tilespmem:s26+$0xC280] =	vst v35  }
0x1e6: {  	s19 =	sor.u32 $0x4, s19;
	s0 =	sadd.s32 s1, s0;
	[tilespmem:s8+$0xC280] =	vst v41  }
0x1e7: {  	[hbm4b:s0+s3] =	stream.linear.scatter [tilespmem:s12], [sflag:$0x2], $0x4000, $0x38;
	[tilespmem:$0x13300] =	vst v63  }
0x1e8: {  	s2 =	sadd.s32 $0x0, s19;
	s0 =	simm.s32 @!p0 $0x3  }
0x1e9: {  	s2 =	sshll.u32 s2, $0x7;
	s8 =	simm.s32 $0x0;
	_ =	swait.ge @!p0 [sflag:s0], $0x4000  }
0x1ea: {  	s2 =	sand.u32 $0x3FFFFF80, s2;
	s20 =	sand.u32 $0x70, s8;
	[sflag:s0] =	ssyncset.done @!p0 $0x0  }
0x1eb: {  	s21 =	sor.u32 s20, s2;
	[sflag:s0] =	ssyncadd.s32 @!p0 $0xFFFFC000  }
0x1ec: {  	v42 =	vld [tilespmem:s21+$0x3300];
	_ =	sdelay $0x4  }
0x1ed: {  	v39 =	vshll.u32 v42, $0x4  }
0x1ee: {  	v33 =	vor.u32 v0, v39;
	_ =	sdelay $0x3  }
0x1ef: {  	v43 =	vadd.s32 v1, v39  }
0x1f0: {  	v34 =	vand.u32 $0xFFFFFFF8, v43;
	v33 =	vld.idx.msk [tilespmem:v33+s11+$0x0], $0xffff  }
0x1f1: {  	v34 =	vor.u32 v2, v34  }
0x1f2: {  	s22 =	simm.s32 $0x0  }
0x1f3: {  	s0 =	sand.u32 $0x3FFFF000, s22  }
0x1f4: {  	s25 =	sor.u32 s20, s0  }
0x1f5: {  	v44 =	vadd.s32 v3, v39;
	[tilespmem:s25+$0xF300] =	vst v33  }
0x1f6: {  	v33 =	vand.u32 $0xFFFFFFF8, v44;
	v34 =	vld.idx.msk [tilespmem:v34+s11+$0x0], $0xffff  }
0x1f7: {  	v33 =	vor.u32 v2, v33;
	_ =	sdelay $0x3  }
0x1f8: {  	s23 =	sadd.s32 $0x0, s19;
	v45 =	vadd.s32 v4, v39;
	[tilespmem:s25+$0xF380] =	vst v34  }
0x1f9: {  	s24 =	simm.s32 $0x10;
	s0 =	sshll.u32 s23, $0x7;
	v34 =	vand.u32 $0xFFFFFFF8, v45;
	v33 =	vld.idx.msk [tilespmem:v33+s11+$0x0], $0xffff  }
0x1fa: {  	s2 =	sand.u32 $0x70, s24;
	s0 =	sand.u32 $0x3FFFFF80, s0;
	v34 =	vor.u32 v2, v34  }
0x1fb: {  	s0 =	sor.u32 s2, s0  }
0x1fc: {  	v46 =	vld [tilespmem:s0+$0x3300];
	_ =	sdelay $0x1  }
0x1fd: {  	v47 =	vadd.s32 v5, v39;
	[tilespmem:s25+$0xF400] =	vst v33  }
0x1fe: {  	v33 =	vand.u32 $0xFFFFFFF8, v47;
	v34 =	vld.idx.msk [tilespmem:v34+s11+$0x0], $0xffff  }
0x1ff: {  	v33 =	vor.u32 v2, v33  }
0x200: {  	v35 =	vshll.u32 v46, $0x4  }
0x201: {  	v48 =	vor.u32 v0, v35;
	_ =	sdelay $0x1  }
0x202: {  	v49 =	vadd.s32 v6, v39;
	[tilespmem:s25+$0xF480] =	vst v34  }
0x203: {  	v36 =	vand.u32 $0xFFFFFFF8, v49;
	v33 =	vld.idx.msk [tilespmem:v33+s11+$0x0], $0xffff  }
0x204: {  	v36 =	vor.u32 v2, v36;
	v50 =	vadd.s32 v1, v35  }
0x205: {  	v37 =	vand.u32 $0xFFFFFFF8, v50;
	v34 =	vld.idx.msk [tilespmem:v48+s11+$0x0], $0xffff  }
0x206: {  	v51 =	vor.u32 v2, v37  }
0x207: {  	s26 =	simm.s32 $0x200  }
0x208: {  	s0 =	sand.u32 $0x3FFFF000, s26;
	v52 =	vadd.s32 v7, v39;
	[tilespmem:s25+$0xF500] =	vst v33  }
0x209: {  	s23 =	sor.u32 s2, s0;
	v37 =	vand.u32 $0xFFFFFFF8, v52;
	v36 =	vld.idx.msk [tilespmem:v36+s11+$0x0], $0xffff  }
0x20a: {  	v53 =	vadd.s32 v3, v35;
	v37 =	vor.u32 v2, v37;
	[tilespmem:s23+$0xF300] =	vst v34  }
0x20b: {  	v34 =	vand.u32 $0xFFFFFFF8, v53;
	v33 =	vld.idx.msk [tilespmem:v51+s11+$0x0], $0xffff  }
0x20c: {  	v34 =	vor.u32 v2, v34;
	_ =	sdelay $0x1  }
0x20d: {  	v54 =	vadd.s32 v8, v39;
	[tilespmem:s25+$0xF580] =	vst v36  }
0x20e: {  	v36 =	vand.u32 $0xFFFFFFF8, v54;
	v37 =	vld.idx.msk [tilespmem:v37+s11+$0x0], $0xffff  }
0x20f: {  	v55 =	vadd.s32 v4, v35;
	[tilespmem:s23+$0xF380] =	vst v33;
	v36 =	vor.u32 v2, v36  }
0x210: {  	v33 =	vand.u32 $0xFFFFFFF8, v55;
	v34 =	vld.idx.msk [tilespmem:v34+s11+$0x0], $0xffff  }
0x211: {  	s8 =	sadd.s32 $0x0, s19;
	v33 =	vor.u32 v2, v33  }
0x212: {  	s20 =	simm.s32 $0x20;
	s0 =	sshll.u32 s8, $0x7  }
0x213: {  	s2 =	sand.u32 $0x70, s20;
	s0 =	sand.u32 $0x3FFFFF80, s0;
	v56 =	vadd.s32 v9, v39;
	[tilespmem:s25+$0xF600] =	vst v37  }
0x214: {  	s0 =	sor.u32 s2, s0;
	v37 =	vand.u32 $0xFFFFFFF8, v56;
	v36 =	vld.idx.msk [tilespmem:v36+s11+$0x0], $0xffff  }
0x215: {  	v57 =	vld [tilespmem:s0+$0x3300];
	v58 =	vadd.s32 v5, v35;
	[tilespmem:s23+$0xF400] =	vst v34;
	v37 =	vor.u32 v2, v37  }
0x216: {  	v60 =	vand.u32 $0xFFFFFFF8, v58;
	v59 =	vld.idx.msk [tilespmem:v33+s11+$0x0], $0xffff  }
0x217: {  	v34 =	vor.u32 v2, v60;
	_ =	sdelay $0x1  }
0x218: {  	v61 =	vadd.s32 v10, v39;
	[tilespmem:s25+$0xF680] =	vst v36  }
0x219: {  	v33 =	vand.u32 $0xFFFFFFF8, v61;
	v36 =	vld.idx.msk [tilespmem:v37+s11+$0x0], $0xffff  }
0x21a: {  	v63 =	vadd.s32 v6, v35;
	v62 =	vor.u32 v2, v33;
	v33 =	vshll.u32 v57, $0x4;
	[tilespmem:s23+$0xF480] =	vst v59  }
0x21b: {  	v40 =	vand.u32 $0xFFFFFFF8, v63;
	v38 =	vor.u32 v0, v33;
	v34 =	vld.idx.msk [tilespmem:v34+s11+$0x0], $0xffff  }
0x21c: {  	v44 =	vor.u32 v2, v40;
	_ =	sdelay $0x1  }
0x21d: {  	v45 =	vadd.s32 v11, v39;
	[tilespmem:s25+$0xF700] =	vst v36  }
0x21e: {  	v40 =	vand.u32 $0xFFFFFFF8, v45;
	v46 =	vadd.s32 v1, v33;
	v37 =	vld.idx.msk [tilespmem:v62+s11+$0x0], $0xffff  }
0x21f: {  	v40 =	vor.u32 v2, v40;
	v48 =	vadd.s32 v7, v35;
	v41 =	vand.u32 $0xFFFFFFF8, v46;
	v38 =	vld.idx.msk [tilespmem:v38+s11+$0x0], $0xffff;
	[tilespmem:s23+$0xF500] =	vst v34  }
0x220: {  	v47 =	vor.u32 v2, v41;
	v41 =	vand.u32 $0xFFFFFFF8, v48;
	v36 =	vld.idx.msk [tilespmem:v44+s11+$0x0], $0xffff  }
0x221: {  	s21 =	simm.s32 $0x400;
	v49 =	vor.u32 v2, v41  }
0x222: {  	s0 =	sand.u32 $0x3FFFF000, s21  }
0x223: {  	s20 =	sor.u32 s2, s0;
	v50 =	vadd.s32 v12, v39;
	[tilespmem:s25+$0xF780] =	vst v37  }
0x224: {  	v52 =	vadd.s32 v3, v33;
	v41 =	vand.u32 $0xFFFFFFF8, v50;
	[tilespmem:s20+$0xF300] =	vst v38;
	v40 =	vld.idx.msk [tilespmem:v40+s11+$0x0], $0xffff  }
0x225: {  	v54 =	vadd.s32 v8, v35;
	v51 =	vor.u32 v2, v41;
	v41 =	vand.u32 $0xFFFFFFF8, v52;
	v34 =	vld.idx.msk [tilespmem:v47+s11+$0x0], $0xffff;
	[tilespmem:s23+$0xF580] =	vst v36  }
0x226: {  	v53 =	vor.u32 v2, v41;
	v41 =	vand.u32 $0xFFFFFFF8, v54;
	v37 =	vld.idx.msk [tilespmem:v49+s11+$0x0], $0xffff  }
0x227: {  	v55 =	vor.u32 v2, v41;
	_ =	sdelay $0x1  }
0x228: {  	v56 =	vadd.s32 v13, v39;
	[tilespmem:s25+$0xF800] =	vst v40  }
0x229: {  	v58 =	vadd.s32 v4, v33;
	v41 =	vand.u32 $0xFFFFFFF8, v56;
	[tilespmem:s20+$0xF380] =	vst v34;
	v38 =	vld.idx.msk [tilespmem:v51+s11+$0x0], $0xffff  }
0x22a: {  	s22 =	sadd.s32 $0x0, s19;
	v60 =	vadd.s32 v9, v35;
	v57 =	vor.u32 v2, v41;
	v41 =	vand.u32 $0xFFFFFFF8, v58;
	v36 =	vld.idx.msk [tilespmem:v53+s11+$0x0], $0xffff;
	[tilespmem:s23+$0xF600] =	vst v37  }
0x22b: {  	s24 =	simm.s32 $0x30;
	s0 =	sshll.u32 s22, $0x7;
	v59 =	vor.u32 v2, v41;
	v41 =	vand.u32 $0xFFFFFFF8, v60;
	v40 =	vld.idx.msk [tilespmem:v55+s11+$0x0], $0xffff  }
0x22c: {  	s2 =	sand.u32 $0x70, s24;
	s0 =	sand.u32 $0x3FFFFF80, s0;
	v61 =	vor.u32 v2, v41  }
0x22d: {  	s0 =	sor.u32 s2, s0  }
0x22e: {  	v63 =	vld [tilespmem:s0+$0x3300];
	v62 =	vadd.s32 v14, v39;
	[tilespmem:s25+$0xF880] =	vst v38  }
0x22f: {  	v46 =	vadd.s32 v5, v33;
	v41 =	vand.u32 $0xFFFFFFF8, v62;
	[tilespmem:s20+$0xF400] =	vst v36;
	v34 =	vld.idx.msk [tilespmem:v57+s11+$0x0], $0xffff  }
0x230: {  	v48 =	vadd.s32 v10, v35;
	v45 =	vor.u32 v2, v41;
	v41 =	vand.u32 $0xFFFFFFF8, v46;
	v37 =	vld.idx.msk [tilespmem:v59+s11+$0x0], $0xffff;
	[tilespmem:s23+$0xF680] =	vst v40  }
0x231: {  	v47 =	vor.u32 v2, v41;
	v41 =	vand.u32 $0xFFFFFFF8, v48;
	v38 =	vld.idx.msk [tilespmem:v61+s11+$0x0], $0xffff  }
0x232: {  	v41 =	vor.u32 v2, v41;
	_ =	sdelay $0x1  }
0x233: {  	v49 =	vadd.s32 v15, v39;
	[tilespmem:s25+$0xF900] =	vst v34;
	v34 =	vshll.u32 v63, $0x4  }
0x234: {  	v52 =	vadd.s32 v6, v33;
	v50 =	vand.u32 $0xFFFFFFF8, v49;
	[tilespmem:s20+$0xF480] =	vst v37;
	v36 =	vld.idx.msk [tilespmem:v45+s11+$0x0], $0xffff;
	v53 =	vor.u32 v0, v34  }
0x235: {  	v42 =	vand.u32 $0xFFFFFFF8, v52;
	v55 =	vadd.s32 v11, v35;
	v51 =	vor.u32 v2, v50;
	v40 =	vld.idx.msk [tilespmem:v47+s11+$0x0], $0xffff;
	[tilespmem:s23+$0xF700] =	vst v38  }
0x236: {  	v54 =	vor.u32 v2, v42;
	v42 =	vand.u32 $0xFFFFFFF8, v55;
	v41 =	vld.idx.msk [tilespmem:v41+s11+$0x0], $0xffff  }
0x237: {  	v56 =	vor.u32 v2, v42  }
0x238: {  	v58 =	vadd.s32 v1, v34  }
0x239: {  	v57 =	vadd.s32 v16, v39;
	v44 =	vand.u32 $0xFFFFFFF8, v58;
	[tilespmem:s25+$0xF980] =	vst v36;
	v43 =	vld.idx.msk [tilespmem:v53+s11+$0x0], $0xffff  }
0x23a: {  	v60 =	vadd.s32 v7, v33;
	v42 =	vand.u32 $0xFFFFFFF8, v57;
	[tilespmem:s20+$0xF500] =	vst v40;
	v44 =	vor.u32 v2, v44;
	v37 =	vld.idx.msk [tilespmem:v51+s11+$0x0], $0xffff  }
0x23b: {  	s26 =	simm.s32 $0x600;
	v62 =	vadd.s32 v12, v35;
	v59 =	vor.u32 v2, v42;
	v42 =	vand.u32 $0xFFFFFFF8, v60;
	v38 =	vld.idx.msk [tilespmem:v54+s11+$0x0], $0xffff;
	[tilespmem:s23+$0xF780] =	vst v41  }
0x23c: {  	s0 =	sand.u32 $0x3FFFF000, s26;
	v61 =	vor.u32 v2, v42;
	v42 =	vand.u32 $0xFFFFFFF8, v62;
	v36 =	vld.idx.msk [tilespmem:v56+s11+$0x0], $0xffff  }
0x23d: {  	s21 =	sor.u32 s2, s0;
	v63 =	vor.u32 v2, v42  }
0x23e: {  	v48 =	vadd.s32 v3, v34;
	[tilespmem:s21+$0xF300] =	vst v43  }
0x23f: {  	v47 =	vadd.s32 v17, v39;
	v43 =	vand.u32 $0xFFFFFFF8, v48;
	[tilespmem:s25+$0xFA00] =	vst v37;
	v44 =	vld.idx.msk [tilespmem:v44+s11+$0x0], $0xffff  }
0x240: {  	v50 =	vadd.s32 v8, v33;
	v42 =	vand.u32 $0xFFFFFFF8, v47;
	[tilespmem:s20+$0xF580] =	vst v38;
	v43 =	vor.u32 v2, v43;
	v40 =	vld.idx.msk [tilespmem:v59+s11+$0x0], $0xffff  }
0x241: {  	v52 =	vadd.s32 v13, v35;
	v49 =	vor.u32 v2, v42;
	v42 =	vand.u32 $0xFFFFFFF8, v50;
	v41 =	vld.idx.msk [tilespmem:v61+s11+$0x0], $0xffff;
	[tilespmem:s23+$0xF800] =	vst v36  }
0x242: {  	v51 =	vor.u32 v2, v42;
	v42 =	vand.u32 $0xFFFFFFF8, v52;
	v37 =	vld.idx.msk [tilespmem:v63+s11+$0x0], $0xffff  }
0x243: {  	v53 =	vor.u32 v2, v42  }
0x244: {  	v55 =	vadd.s32 v4, v34;
	[tilespmem:s21+$0xF380] =	vst v44  }
0x245: {  	v54 =	vadd.s32 v18, v39;
	v44 =	vand.u32 $0xFFFFFFF8, v55;
	[tilespmem:s25+$0xFA80] =	vst v40;
	v43 =	vld.idx.msk [tilespmem:v43+s11+$0x0], $0xffff  }
0x246: {  	s8 =	sadd.s32 $0x0, s19;
	v57 =	vadd.s32 v9, v33;
	v42 =	vand.u32 $0xFFFFFFF8, v54;
	[tilespmem:s20+$0xF600] =	vst v41;
	v44 =	vor.u32 v2, v44;
	v38 =	vld.idx.msk [tilespmem:v49+s11+$0x0], $0xffff  }
0x247: {  	s22 =	sshll.u32 s8, $0x7;
	s24 =	simm.s32 $0x40;
	v56 =	vor.u32 v2, v42;
	v42 =	vand.u32 $0xFFFFFFF8, v57;
	v36 =	vld.idx.msk [tilespmem:v51+s11+$0x0], $0xffff;
	v59 =	vadd.s32 v14, v35;
	[tilespmem:s23+$0xF880] =	vst v37  }
0x248: {  	s0 =	sand.u32 $0x70, s24;
	s2 =	sand.u32 $0x3FFFFF80, s22;
	v58 =	vor.u32 v2, v42;
	v42 =	vand.u32 $0xFFFFFFF8, v59;
	v40 =	vld.idx.msk [tilespmem:v53+s11+$0x0], $0xffff  }
0x249: {  	s2 =	sor.u32 s0, s2;
	v61 =	vor.u32 v2, v42  }
0x24a: {  	v60 =	vld [tilespmem:s2+$0x3300];
	v63 =	vadd.s32 v5, v34;
	[tilespmem:s21+$0xF400] =	vst v43  }
0x24b: {  	v62 =	vadd.s32 v19, v39;
	v43 =	vand.u32 $0xFFFFFFF8, v63;
	[tilespmem:s25+$0xFB00] =	vst v38;
	v44 =	vld.idx.msk [tilespmem:v44+s11+$0x0], $0xffff  }
0x24c: {  	v48 =	vadd.s32 v10, v33;
	v42 =	vand.u32 $0xFFFFFFF8, v62;
	[tilespmem:s20+$0xF680] =	vst v36;
	v43 =	vor.u32 v2, v43;
	v41 =	vld.idx.msk [tilespmem:v56+s11+$0x0], $0xffff  }
0x24d: {  	v50 =	vadd.s32 v15, v35;
	v42 =	vor.u32 v2, v42;
	v36 =	vand.u32 $0xFFFFFFF8, v48;
	v37 =	vld.idx.msk [tilespmem:v58+s11+$0x0], $0xffff;
	[tilespmem:s23+$0xF900] =	vst v40  }
0x24e: {  	v51 =	vand.u32 $0xFFFFFFF8, v50;
	v49 =	vor.u32 v2, v36;
	v38 =	vld.idx.msk [tilespmem:v61+s11+$0x0], $0xffff  }
0x24f: {  	v52 =	vor.u32 v2, v51  }
0x250: {  	v55 =	vadd.s32 v6, v34;
	v36 =	vshll.u32 v60, $0x4;
	[tilespmem:s21+$0xF480] =	vst v44  }
0x251: {  	v53 =	vadd.s32 v20, v39;
	v46 =	vand.u32 $0xFFFFFFF8, v55;
	v54 =	vor.u32 v0, v36;
	[tilespmem:s25+$0xFB80] =	vst v41;
	v43 =	vld.idx.msk [tilespmem:v43+s11+$0x0], $0xffff  }
0x252: {  	v57 =	vadd.s32 v11, v33;
	v45 =	vand.u32 $0xFFFFFFF8, v53;
	v46 =	vor.u32 v2, v46;
	[tilespmem:s20+$0xF700] =	vst v37;
	v42 =	vld.idx.msk [tilespmem:v42+s11+$0x0], $0xffff  }
0x253: {  	v59 =	vadd.s32 v16, v35;
	v56 =	vor.u32 v2, v45;
	v40 =	vld.idx.msk [tilespmem:v49+s11+$0x0], $0xffff;
	v45 =	vand.u32 $0xFFFFFFF8, v57;
	[tilespmem:s23+$0xF980] =	vst v38  }
0x254: {  	v58 =	vor.u32 v2, v45;
	v45 =	vand.u32 $0xFFFFFFF8, v59;
	v41 =	vld.idx.msk [tilespmem:v52+s11+$0x0], $0xffff  }
0x255: {  	v60 =	vadd.s32 v1, v36;
	v45 =	vor.u32 v2, v45  }
0x256: {  	v63 =	vadd.s32 v7, v34;
	v61 =	vand.u32 $0xFFFFFFF8, v60;
	v44 =	vld.idx.msk [tilespmem:v54+s11+$0x0], $0xffff;
	[tilespmem:s21+$0xF500] =	vst v43  }
0x257: {  	v62 =	vadd.s32 v21, v39;
	v43 =	vand.u32 $0xFFFFFFF8, v63;
	[tilespmem:s25+$0xFC00] =	vst v42;
	v42 =	vor.u32 v2, v61;
	v46 =	vld.idx.msk [tilespmem:v46+s11+$0x0], $0xffff  }
0x258: {  	s26 =	simm.s32 $0x800;
	v47 =	vand.u32 $0xFFFFFFF8, v62;
	v49 =	vadd.s32 v12, v33;
	[tilespmem:s20+$0xF780] =	vst v40;
	v43 =	vor.u32 v2, v43;
	v37 =	vld.idx.msk [tilespmem:v56+s11+$0x0], $0xffff  }
0x259: {  	s2 =	sand.u32 $0x3FFFF000, s26;
	v51 =	vadd.s32 v17, v35;
	v48 =	vor.u32 v2, v47;
	v47 =	vand.u32 $0xFFFFFFF8, v49;
	v38 =	vld.idx.msk [tilespmem:v58+s11+$0x0], $0xffff;
	[tilespmem:s23+$0xFA00] =	vst v41  }
0x25a: {  	s22 =	sor.u32 s0, s2;
	v50 =	vor.u32 v2, v47;
	v47 =	vand.u32 $0xFFFFFFF8, v51;
	v52 =	vld.idx.msk [tilespmem:v45+s11+$0x0], $0xffff  }
0x25b: {  	v53 =	vadd.s32 v3, v36;
	v55 =	vor.u32 v2, v47;
	[tilespmem:s22+$0xF300] =	vst v44  }
0x25c: {  	v57 =	vadd.s32 v8, v34;
	v54 =	vand.u32 $0xFFFFFFF8, v53;
	v42 =	vld.idx.msk [tilespmem:v42+s11+$0x0], $0xffff;
	[tilespmem:s21+$0xF580] =	vst v46  }
0x25d: {  	s2 =	sadd.s32 $0x0, s19;
	v56 =	vadd.s32 v22, v39;
	v46 =	vand.u32 $0xFFFFFFF8, v57;
	[tilespmem:s25+$0xFC80] =	vst v37;
	v37 =	vor.u32 v2, v54;
	v43 =	vld.idx.msk [tilespmem:v43+s11+$0x0], $0xffff  }
0x25e: {  	s24 =	simm.s32 $0x50;
	s8 =	sshll.u32 s2, $0x7;
	v59 =	vadd.s32 v13, v33;
	[tilespmem:s20+$0xF800] =	vst v38;
	v47 =	vand.u32 $0xFFFFFFF8, v56;
	v46 =	vor.u32 v2, v46;
	v40 =	vld.idx.msk [tilespmem:v48+s11+$0x0], $0xffff  }
0x25f: {  	s0 =	sand.u32 $0x70, s24;
	s2 =	sand.u32 $0x3FFFFF80, s8;
	v62 =	vadd.s32 v18, v35;
	v41 =	vld.idx.msk [tilespmem:v50+s11+$0x0], $0xffff;
	v58 =	vor.u32 v2, v47;
	v47 =	vand.u32 $0xFFFFFFF8, v59;
	[tilespmem:s23+$0xFA80] =	vst v52  }
0x260: {  	s2 =	sor.u32 s0, s2;
	v60 =	vor.u32 v2, v47;
	v47 =	vand.u32 $0xFFFFFFF8, v62;
	v63 =	vld.idx.msk [tilespmem:v55+s11+$0x0], $0xffff  }
0x261: {  	v50 =	vadd.s32 v4, v36;
	v62 =	vld [tilespmem:s2+$0x3300];
	v52 =	vor.u32 v2, v47;
	[tilespmem:s22+$0xF380] =	vst v42  }
0x262: {  	v51 =	vand.u32 $0xFFFFFFF8, v50;
	v55 =	vadd.s32 v9, v34;
	v37 =	vld.idx.msk [tilespmem:v37+s11+$0x0], $0xffff;
	[tilespmem:s21+$0xF600] =	vst v43  }
0x263: {  	v54 =	vadd.s32 v23, v39;
	v43 =	vand.u32 $0xFFFFFFF8, v55;
	[tilespmem:s25+$0xFD00] =	vst v40;
	v40 =	vor.u32 v2, v51;
	v46 =	vld.idx.msk [tilespmem:v46+s11+$0x0], $0xffff  }
0x264: {  	v61 =	vadd.s32 v14, v33;
	[tilespmem:s20+$0xF880] =	vst v41;
	v47 =	vand.u32 $0xFFFFFFF8, v54;
	v43 =	vor.u32 v2, v43;
	v38 =	vld.idx.msk [tilespmem:v58+s11+$0x0], $0xffff  }
0x265: {  	v53 =	vadd.s32 v19, v35;
	v56 =	vor.u32 v2, v47;
	v47 =	vand.u32 $0xFFFFFFF8, v61;
	v44 =	vld.idx.msk [tilespmem:v60+s11+$0x0], $0xffff;
	[tilespmem:s23+$0xFB00] =	vst v63  }
0x266: {  	v57 =	vadd.s32 v5, v36;
	v63 =	vor.u32 v2, v47;
	v47 =	vand.u32 $0xFFFFFFF8, v53;
	v54 =	vld.idx.msk [tilespmem:v52+s11+$0x0], $0xffff  }
0x267: {  	v60 =	vadd.s32 v24, v39;
	v55 =	vadd.s32 v15, v33;
	v59 =	vor.u32 v2, v47;
	[tilespmem:s22+$0xF400] =	vst v37  }
0x268: {  	v52 =	vadd.s32 v10, v34;
	v47 =	vand.u32 $0xFFFFFFF8, v60;
	v58 =	vand.u32 $0xFFFFFFF8, v57;
	v40 =	vld.idx.msk [tilespmem:v40+s11+$0x0], $0xffff;
	[tilespmem:s21+$0xF680] =	vst v46  }
0x269: {  	s26 =	sadd.s32 $0x0, s19;
	v53 =	vor.u32 v2, v47;
	v61 =	vor.u32 v2, v58;
	[tilespmem:s25+$0xFD80] =	vst v38;
	v43 =	vld.idx.msk [tilespmem:v43+s11+$0x0], $0xffff;
	v38 =	vand.u32 $0xFFFFFFF8, v52  }
0x26a: {  	s8 =	simm.s32 $0x60;
	s2 =	sshll.u32 s26, $0x7;
	v47 =	vand.u32 $0xFFFFFFF8, v55;
	v57 =	vadd.s32 v6, v36;
	[tilespmem:s20+$0xF900] =	vst v44;
	v41 =	vld.idx.msk [tilespmem:v56+s11+$0x0], $0xffff;
	v56 =	vor.u32 v2, v38  }
0x26b: {  	s30 =	sand.u32 $0x70, s8;
	s2 =	sand.u32 $0x3FFFFF80, s2;
	v55 =	vadd.s32 v16, v33;
	v42 =	vld.idx.msk [tilespmem:v63+s11+$0x0], $0xffff;
	v37 =	vshll.u32 v62, $0x4;
	v62 =	vadd.s32 v20, v35;
	[tilespmem:s23+$0xFB80] =	vst v54  }
0x26c: {  	s2 =	sor.u32 s30, s2;
	v47 =	vor.u32 v2, v47;
	v48 =	vand.u32 $0xFFFFFFF8, v62;
	v63 =	vld.idx.msk [tilespmem:v59+s11+$0x0], $0xffff;
	v59 =	vadd.s32 v25, v39  }
0x26d: {  	v54 =	vor.u32 v0, v37;
	v48 =	vor.u32 v2, v48;
	v38 =	vld [tilespmem:s2+$0x3300];
	v50 =	vand.u32 $0xFFFFFFF8, v59;
	[tilespmem:s22+$0xF480] =	vst v40  }
0x26e: {  	v58 =	vand.u32 $0xFFFFFFF8, v57;
	v62 =	vor.u32 v2, v50;
	v46 =	vld.idx.msk [tilespmem:v61+s11+$0x0], $0xffff;
	[tilespmem:s21+$0xF700] =	vst v43;
	v61 =	vadd.s32 v11, v34  }
0x26f: {  	v50 =	vand.u32 $0xFFFFFFF8, v55;
	[tilespmem:s25+$0xFE00] =	vst v41;
	v41 =	vor.u32 v2, v58;
	v49 =	vld.idx.msk [tilespmem:v56+s11+$0x0], $0xffff;
	v44 =	vand.u32 $0xFFFFFFF8, v61  }
0x270: {  	[tilespmem:s20+$0xF980] =	vst v42;
	v50 =	vor.u32 v2, v50;
	v60 =	vld.idx.msk [tilespmem:v53+s11+$0x0], $0xffff;
	v44 =	vor.u32 v2, v44  }
0x271: {  	v47 =	vld.idx.msk [tilespmem:v47+s11+$0x0], $0xffff;
	[tilespmem:s23+$0xFC00] =	vst v63;
	v63 =	vadd.s32 v7, v36;
	v56 =	vadd.s32 v1, v37  }
0x272: {  	v45 =	vld.idx.msk [tilespmem:v54+s11+$0x0], $0xffff;
	v58 =	vadd.s32 v21, v35;
	v54 =	vand.u32 $0xFFFFFFF8, v63;
	v38 =	vshll.u32 v38, $0x4  }
0x273: {  	v59 =	vld.idx.msk [tilespmem:v48+s11+$0x0], $0xffff;
	v61 =	vadd.s32 v12, v34;
	v57 =	vand.u32 $0xFFFFFFF8, v56;
	v52 =	vor.u32 v0, v38;
	[tilespmem:s22+$0xF500] =	vst v46  }
0x274: {  	s26 =	simm.s32 $0xA00;
	v51 =	vand.u32 $0xFFFFFFF8, v58;
	v43 =	vor.u32 v2, v54;
	v40 =	vor.u32 v2, v57;
	v41 =	vld.idx.msk [tilespmem:v41+s11+$0x0], $0xffff;
	[tilespmem:s21+$0xF780] =	vst v49  }
0x275: {  	s2 =	sand.u32 $0x3FFFF000, s26;
	v55 =	vor.u32 v2, v51;
	[tilespmem:s25+$0xFE80] =	vst v60;
	v60 =	vadd.s32 v26, v39;
	v44 =	vld.idx.msk [tilespmem:v44+s11+$0x0], $0xffff  }
0x276: {  	s24 =	sor.u32 s0, s2;
	v56 =	vadd.s32 v17, v33;
	[tilespmem:s20+$0xFA00] =	vst v47;
	v49 =	vand.u32 $0xFFFFFFF8, v61;
	v42 =	vld.idx.msk [tilespmem:v62+s11+$0x0], $0xffff;
	v51 =	vand.u32 $0xFFFFFFF8, v60  }
0x277: {  	[tilespmem:s24+$0xF300] =	vst v45;
	v45 =	vor.u32 v2, v49;
	v49 =	vld.idx.msk [tilespmem:v50+s11+$0x0], $0xffff;
	v62 =	vor.u32 v2, v51  }
0x278: {  	v57 =	vadd.s32 v3, v37;
	v52 =	vld.idx.msk [tilespmem:v52+s11+$0x0], $0xffff;
	v51 =	vand.u32 $0xFFFFFFF8, v56  }
0x279: {  	v58 =	vand.u32 $0xFFFFFFF8, v57;
	[tilespmem:s23+$0xFC80] =	vst v59;
	v40 =	vld.idx.msk [tilespmem:v40+s11+$0x0], $0xffff;
	v60 =	vadd.s32 v22, v35;
	v59 =	vor.u32 v2, v51  }
0x27a: {  	v63 =	vadd.s32 v8, v36;
	v46 =	vor.u32 v2, v58;
	v61 =	vld.idx.msk [tilespmem:v55+s11+$0x0], $0xffff;
	v51 =	vand.u32 $0xFFFFFFF8, v60;
	[tilespmem:s22+$0xF580] =	vst v41  }
0x27b: {  	v54 =	vand.u32 $0xFFFFFFF8, v63;
	v56 =	vadd.s32 v27, v39;
	v55 =	vor.u32 v2, v51;
	v43 =	vld.idx.msk [tilespmem:v43+s11+$0x0], $0xffff;
	[tilespmem:s25+$0xFF00] =	vst v42  }
0x27c: {  	v51 =	vand.u32 $0xFFFFFFF8, v56;
	[tilespmem:s21+$0xF800] =	vst v44;
	v42 =	vor.u32 v2, v54;
	v57 =	vld.idx.msk [tilespmem:v62+s11+$0x0], $0xffff;
	v62 =	vadd.s32 v13, v34  }
0x27d: {  	v63 =	vadd.s32 v18, v33;
	[tilespmem:s20+$0xFA80] =	vst v49;
	v49 =	vor.u32 v2, v51;
	v45 =	vld.idx.msk [tilespmem:v45+s11+$0x0], $0xffff;
	v47 =	vand.u32 $0xFFFFFFF8, v62  }
0x27e: {  	v58 =	vadd.s32 v4, v37;
	v51 =	vand.u32 $0xFFFFFFF8, v63;
	[tilespmem:s24+$0xF380] =	vst v40;
	v54 =	vld.idx.msk [tilespmem:v59+s11+$0x0], $0xffff;
	v40 =	vor.u32 v2, v47  }
0x27f: {  	[tilespmem:s23+$0xFD00] =	vst v61;
	v60 =	vor.u32 v2, v51;
	v61 =	vadd.s32 v23, v35;
	v46 =	vld.idx.msk [tilespmem:v46+s11+$0x0], $0xffff;
	v59 =	vand.u32 $0xFFFFFFF8, v58  }
0x280: {  	v51 =	vand.u32 $0xFFFFFFF8, v61;
	v62 =	vld.idx.msk [tilespmem:v55+s11+$0x0], $0xffff;
	v41 =	vor.u32 v2, v59;
	v55 =	vadd.s32 v9, v36;
	[tilespmem:s22+$0xF600] =	vst v43  }
0x281: {  	v58 =	vadd.s32 v28, v39;
	v56 =	vand.u32 $0xFFFFFFF8, v55;
	v42 =	vld.idx.msk [tilespmem:v42+s11+$0x0], $0xffff;
	[tilespmem:s25+$0xFF80] =	vst v57;
	v57 =	vor.u32 v2, v51  }
0x282: {  	v63 =	vadd.s32 v14, v34;
	[tilespmem:s21+$0xF880] =	vst v45;
	v44 =	vor.u32 v2, v56;
	v51 =	vand.u32 $0xFFFFFFF8, v58;
	v59 =	vld.idx.msk [tilespmem:v49+s11+$0x0], $0xffff  }
0x283: {  	v49 =	vand.u32 $0xFFFFFFF8, v63;
	[tilespmem:s20+$0xFB00] =	vst v54;
	v54 =	vor.u32 v2, v51;
	v40 =	vld.idx.msk [tilespmem:v40+s11+$0x0], $0xffff  }
0x284: {  	[tilespmem:s24+$0xF400] =	vst v46;
	v55 =	vor.u32 v2, v49;
	v49 =	vld.idx.msk [tilespmem:v60+s11+$0x0], $0xffff;
	v60 =	vadd.s32 v19, v33  }
0x285: {  	s8 =	sadd.s32 $0x0, s19;
	v61 =	vadd.s32 v5, v37;
	v41 =	vld.idx.msk [tilespmem:v41+s11+$0x0], $0xffff;
	[tilespmem:s23+$0xFD80] =	vst v62;
	v50 =	vand.u32 $0xFFFFFFF8, v60  }
0x286: {  	s28 =	simm.s32 $0x70;
	s26 =	sadd.s32 $0xF300, s25;
	s0 =	sshll.u32 s8, $0x7;
	v56 =	vadd.s32 v24, v35;
	v62 =	vand.u32 $0xFFFFFFF8, v61;
	[tilespmem:s22+$0xF680] =	vst v42;
	v63 =	vor.u32 v2, v50;
	v48 =	vld.idx.msk [tilespmem:v57+s11+$0x0], $0xffff  }
0x287: {  	s29 =	sand.u32 $0x70, s28;
	s0 =	sand.u32 $0x3FFFFF80, s0;
	v43 =	vor.u32 v2, v62;
	v50 =	vand.u32 $0xFFFFFFF8, v56;
	v44 =	vld.idx.msk [tilespmem:v44+s11+$0x0], $0xffff;
	v57 =	vadd.s32 v10, v36;
	[tilespmem:s26+$0xD00] =	vst v59  }
0x288: {  	s0 =	sor.u32 s29, s0;
	v50 =	vor.u32 v2, v50;
	v58 =	vand.u32 $0xFFFFFFF8, v57;
	v59 =	vadd.s32 v29, v39;
	v47 =	vld.idx.msk [tilespmem:v54+s11+$0x0], $0xffff  }
0x289: {  	v60 =	vadd.s32 v15, v34;
	[tilespmem:s21+$0xF900] =	vst v40;
	v45 =	vor.u32 v2, v58;
	v61 =	vand.u32 $0xFFFFFFF8, v59;
	v40 =	vld [tilespmem:s0+$0x3300]  }
0x28a: {  	v62 =	vadd.s32 v20, v33;
	v51 =	vand.u32 $0xFFFFFFF8, v60;
	[tilespmem:s20+$0xFB80] =	vst v49;
	v46 =	vld.idx.msk [tilespmem:v55+s11+$0x0], $0xffff;
	v49 =	vor.u32 v2, v61  }
0x28b: {  	[tilespmem:s24+$0xF480] =	vst v41;
	v41 =	vor.u32 v2, v51;
	v51 =	vand.u32 $0xFFFFFFF8, v62;
	v42 =	vld.idx.msk [tilespmem:v63+s11+$0x0], $0xffff;
	v63 =	vadd.s32 v6, v37  }
0x28c: {  	v58 =	vadd.s32 v25, v35;
	v43 =	vld.idx.msk [tilespmem:v43+s11+$0x0], $0xffff;
	v57 =	vor.u32 v2, v51;
	[tilespmem:s23+$0xFE00] =	vst v48;
	v56 =	vand.u32 $0xFFFFFFF8, v63  }
0x28d: {  	v59 =	vadd.s32 v11, v36;
	v51 =	vand.u32 $0xFFFFFFF8, v58;
	[tilespmem:s22+$0xF700] =	vst v44;
	v50 =	vld.idx.msk [tilespmem:v50+s11+$0x0], $0xffff;
	v48 =	vor.u32 v2, v56  }
0x28e: {  	v62 =	vadd.s32 v30, v39;
	v60 =	vand.u32 $0xFFFFFFF8, v59;
	v61 =	vor.u32 v2, v51;
	v45 =	vld.idx.msk [tilespmem:v45+s11+$0x0], $0xffff;
	[tilespmem:s26+$0xD80] =	vst v47  }
0x28f: {  	v54 =	vadd.s32 v1, v38;
	v51 =	vand.u32 $0xFFFFFFF8, v62;
	v47 =	vor.u32 v2, v60;
	[tilespmem:s21+$0xF980] =	vst v46;
	v49 =	vld.idx.msk [tilespmem:v49+s11+$0x0], $0xffff  }
0x290: {  	v63 =	vadd.s32 v16, v34;
	v56 =	vand.u32 $0xFFFFFFF8, v54;
	v41 =	vld.idx.msk [tilespmem:v41+s11+$0x0], $0xffff;
	[tilespmem:s20+$0xFC00] =	vst v42;
	v42 =	vor.u32 v2, v51  }
0x291: {  	v53 =	vand.u32 $0xFFFFFFF8, v63;
	[tilespmem:s24+$0xF500] =	vst v43;
	v51 =	vor.u32 v2, v56;
	v44 =	vld.idx.msk [tilespmem:v57+s11+$0x0], $0xffff;
	v57 =	vadd.s32 v21, v33  }
0x292: {  	s25 =	simm.s32 $0xC00;
	v58 =	vadd.s32 v7, v37;
	v43 =	vor.u32 v2, v53;
	v48 =	vld.idx.msk [tilespmem:v48+s11+$0x0], $0xffff;
	v53 =	vand.u32 $0xFFFFFFF8, v57;
	[tilespmem:s23+$0xFE80] =	vst v50  }
0x293: {  	s0 =	sand.u32 $0x3FFFF000, s25;
	v59 =	vand.u32 $0xFFFFFFF8, v58;
	v60 =	vadd.s32 v26, v35;
	[tilespmem:s22+$0xF780] =	vst v45;
	v45 =	vor.u32 v2, v53;
	v46 =	vld.idx.msk [tilespmem:v61+s11+$0x0], $0xffff  }
0x294: {  	s25 =	sor.u32 s30, s0;
	v50 =	vor.u32 v2, v59;
	v61 =	vadd.s32 v12, v36;
	v53 =	vand.u32 $0xFFFFFFF8, v60;
	v47 =	vld.idx.msk [tilespmem:v47+s11+$0x0], $0xffff;
	[tilespmem:s26+$0xE00] =	vst v49  }
0x295: {  	[tilespmem:s25+$0xF300] =	vst v52;
	v56 =	vadd.s32 v31, v39;
	v62 =	vand.u32 $0xFFFFFFF8, v61;
	v63 =	vor.u32 v2, v53;
	v42 =	vld.idx.msk [tilespmem:v42+s11+$0x0], $0xffff  }
0x296: {  	v58 =	vadd.s32 v3, v38;
	v53 =	vand.u32 $0xFFFFFFF8, v56;
	[tilespmem:s21+$0xFA00] =	vst v41;
	v49 =	vor.u32 v2, v62;
	v51 =	vld.idx.msk [tilespmem:v51+s11+$0x0], $0xffff  }
0x297: {  	v57 =	vadd.s32 v17, v34;
	v59 =	vand.u32 $0xFFFFFFF8, v58;
	v43 =	vld.idx.msk [tilespmem:v43+s11+$0x0], $0xffff;
	[tilespmem:s20+$0xFC80] =	vst v44;
	v44 =	vor.u32 v2, v53  }
0x298: {  	v52 =	vand.u32 $0xFFFFFFF8, v57;
	v60 =	vadd.s32 v22, v33;
	v53 =	vor.u32 v2, v59;
	[tilespmem:s24+$0xF580] =	vst v48;
	v45 =	vld.idx.msk [tilespmem:v45+s11+$0x0], $0xffff  }
0x299: {  	v61 =	vadd.s32 v8, v37;
	v48 =	vor.u32 v2, v52;
	v52 =	vand.u32 $0xFFFFFFF8, v60;
	v50 =	vld.idx.msk [tilespmem:v50+s11+$0x0], $0xffff;
	[tilespmem:s23+$0xFF00] =	vst v46  }
0x29a: {  	v62 =	vand.u32 $0xFFFFFFF8, v61;
	v52 =	vor.u32 v2, v52;
	[tilespmem:s22+$0xF800] =	vst v47;
	v54 =	vld.idx.msk [tilespmem:v63+s11+$0x0], $0xffff;
	v63 =	vadd.s32 v27, v35  }
0x29b: {  	v55 =	vor.u32 v2, v62;
	v56 =	vld.idx.msk [tilespmem:v49+s11+$0x0], $0xffff;
	v49 =	vadd.s32 v13, v36;
	v41 =	vand.u32 $0xFFFFFFF8, v63;
	[tilespmem:s26+$0xE80] =	vst v42  }
0x29c: {  	v39 =	vadd.s32 v32, v39;
	[tilespmem:s25+$0xF380] =	vst v51;
	v57 =	vand.u32 $0xFFFFFFF8, v49;
	v58 =	vor.u32 v2, v41;
	v47 =	vld.idx.msk [tilespmem:v44+s11+$0x0], $0xffff  }
0x29d: {  	v39 =	vand.u32 $0xFFFFFFF8, v39;
	v59 =	vadd.s32 v18, v34;
	[tilespmem:s21+$0xFA80] =	vst v43;
	v51 =	vld.idx.msk [tilespmem:v53+s11+$0x0], $0xffff;
	v49 =	vor.u32 v2, v57  }
0x29e: {  	v60 =	vadd.s32 v4, v38;
	v46 =	vor.u32 v2, v39;
	v41 =	vand.u32 $0xFFFFFFF8, v59;
	v44 =	vld.idx.msk [tilespmem:v48+s11+$0x0], $0xffff;
	[tilespmem:s20+$0xFD00] =	vst v45  }
0x29f: {  	v62 =	vadd.s32 v23, v33;
	v61 =	vand.u32 $0xFFFFFFF8, v60;
	v41 =	vor.u32 v2, v41;
	[tilespmem:s24+$0xF600] =	vst v50;
	v45 =	vld.idx.msk [tilespmem:v52+s11+$0x0], $0xffff  }
0x2a0: {  	v63 =	vadd.s32 v9, v37;
	v42 =	vand.u32 $0xFFFFFFF8, v62;
	v53 =	vor.u32 v2, v61;
	v50 =	vld.idx.msk [tilespmem:v55+s11+$0x0], $0xffff;
	[tilespmem:s23+$0xFF80] =	vst v54  }
0x2a1: {  	s31 =	simm.s32 $0x8;
	s30 =	simm.s32 $0x7;
	v42 =	vor.u32 v2, v42;
	v48 =	vadd.s32 v28, v35;
	v52 =	vand.u32 $0xFFFFFFF8, v63;
	[tilespmem:s22+$0xF880] =	vst v56;
	v43 =	vld.idx.msk [tilespmem:v58+s11+$0x0], $0xffff  }
.LBB2_7:
0x2a2: {  	p0 =	sne.s32 s31, $0x1F;
	v52 =	vor.u32 v2, v52;
	v49 =	vld.idx.msk [tilespmem:v49+s11+$0x0], $0xffff;
	v54 =	vadd.s32 v14, v36;
	v48 =	vand.u32 $0xFFFFFFF8, v48;
	[tilespmem:s26+$0xF00] =	vst v47  }
0x2a3: {  	v39 =	vmovc v35;
	v35 =	vmov v33;
	v47 =	vand.u32 $0xFFFFFFF8, v54;
	[tilespmem:s21+$0xFB00] =	vst v44;
	v44 =	vor.u32 v2, v48;
	v46 =	vld.idx.msk [tilespmem:v46+s11+$0x0], $0xffff  }
0x2a4: {  	v33 =	vmov v34;
	v48 =	vadd.s32 v19, v34;
	[tilespmem:s25+$0xF400] =	vst v51;
	v47 =	vor.u32 v2, v47;
	v41 =	vld.idx.msk [tilespmem:v41+s11+$0x0], $0xffff  }
0x2a5: {  	s0 =	sshrl.u32 s31, $0x3;
	v34 =	vmovc v36;
	v36 =	vmov v37;
	v48 =	vand.u32 $0xFFFFFFF8, v48;
	v51 =	vld.idx.msk [tilespmem:v53+s11+$0x0], $0xffff;
	v53 =	vadd.s32 v5, v38;
	[tilespmem:s20+$0xFD80] =	vst v45  }
0x2a6: {  	s2 =	sadd.s32 $0xF300, s23;
	s23 =	smov.u32 s20;
	s0 =	sadd.s32 s19, s0;
	v45 =	vor.u32 v2, v48;
	v48 =	vadd.s32 v24, v35;
	v37 =	vand.u32 $0xFFFFFFF8, v53;
	[tilespmem:s24+$0xF680] =	vst v50;
	v42 =	vld.idx.msk [tilespmem:v42+s11+$0x0], $0xffff  }
0x2a7: {  	s28 =	sadd.s32 $0x10, s28;
	s8 =	sshll.u32 s0, $0x7;
	s20 =	smov.u32 s21;
	v48 =	vand.u32 $0xFFFFFFF8, v48;
	v50 =	vor.u32 v2, v37;
	v52 =	vld.idx.msk [tilespmem:v52+s11+$0x0], $0xffff;
	v37 =	vadd.s32 v10, v36;
	[tilespmem:s2+$0xD00] =	vst v43  }
0x2a8: {  	s0 =	sand.u32 $0x70, s28;
	s8 =	sand.u32 $0x3FFFFF80, s8;
	s21 =	smov.u32 s22;
	v43 =	vor.u32 v2, v48;
	v48 =	vadd.s32 v29, v39;
	v55 =	vand.u32 $0xFFFFFFF8, v37;
	[tilespmem:s22+$0xF900] =	vst v49;
	v44 =	vld.idx.msk [tilespmem:v44+s11+$0x0], $0xffff  }
0x2a9: {  	v54 =	vadd.s32 v15, v34;
	s8 =	sor.u32 s0, s8;
	v48 =	vand.u32 $0xFFFFFFF8, v48;
	s22 =	smov.u32 s24;
	v49 =	vor.u32 v2, v55;
	v47 =	vld.idx.msk [tilespmem:v47+s11+$0x0], $0xffff;
	[tilespmem:s26+$0xF80] =	vst v46;
	s26 =	smov.u32 s2  }
0x2aa: {  	v53 =	vand.u32 $0xFFFFFFF8, v54;
	s24 =	smov.u32 s25;
	v46 =	vld [tilespmem:s8+$0x3300];
	[tilespmem:s20+$0xFB80] =	vst v41;
	v41 =	vor.u32 v2, v48;
	v37 =	vmov v38  }
0x2ab: {  	v38 =	vshll.u32 v40, $0x4;
	v40 =	vor.u32 v2, v53;
	v48 =	vadd.s32 v20, v33;
	[tilespmem:s24+$0xF480] =	vst v51;
	v45 =	vld.idx.msk [tilespmem:v45+s11+$0x0], $0xffff  }
0x2ac: {  	v51 =	vor.u32 v0, v38;
	v53 =	vadd.s32 v6, v37;
	v48 =	vand.u32 $0xFFFFFFF8, v48;
	v50 =	vld.idx.msk [tilespmem:v50+s11+$0x0], $0xffff;
	[tilespmem:s23+$0xFE00] =	vst v42  }
0x2ad: {  	v42 =	vand.u32 $0xFFFFFFF8, v53;
	v48 =	vor.u32 v2, v48;
	[tilespmem:s22+$0xF700] =	vst v52;
	v43 =	vld.idx.msk [tilespmem:v43+s11+$0x0], $0xffff;
	v52 =	vadd.s32 v25, v35  }
0x2ae: {  	v53 =	vadd.s32 v11, v36;
	v42 =	vor.u32 v2, v42;
	v49 =	vld.idx.msk [tilespmem:v49+s11+$0x0], $0xffff;
	v52 =	vand.u32 $0xFFFFFFF8, v52;
	[tilespmem:s26+$0xD80] =	vst v44  }
0x2af: {  	v44 =	vand.u32 $0xFFFFFFF8, v53;
	[tilespmem:s21+$0xF980] =	vst v47;
	v47 =	vor.u32 v2, v52;
	v41 =	vld.idx.msk [tilespmem:v41+s11+$0x0], $0xffff;
	v52 =	vadd.s32 v30, v39  }
0x2b0: {  	v54 =	vadd.s32 v16, v34;
	v44 =	vor.u32 v2, v44;
	v53 =	vld.idx.msk [tilespmem:v40+s11+$0x0], $0xffff;
	v52 =	vand.u32 $0xFFFFFFF8, v52;
	v40 =	vmovc v46  }
0x2b1: {  	v54 =	vand.u32 $0xFFFFFFF8, v54;
	v46 =	vld.idx.msk [tilespmem:v51+s11+$0x0], $0xffff;
	v51 =	vadd.s32 v1, v38;
	[tilespmem:s20+$0xFC00] =	vst v45;
	v45 =	vor.u32 v2, v52  }
0x2b2: {  	v52 =	vadd.s32 v21, v33;
	v51 =	vand.u32 $0xFFFFFFF8, v51;
	[tilespmem:s24+$0xF500] =	vst v50;
	v50 =	vor.u32 v2, v54;
	v48 =	vld.idx.msk [tilespmem:v48+s11+$0x0], $0xffff  }
0x2b3: {  	v54 =	vadd.s32 v7, v37;
	v52 =	vand.u32 $0xFFFFFFF8, v52;
	v51 =	vor.u32 v2, v51;
	v42 =	vld.idx.msk [tilespmem:v42+s11+$0x0], $0xffff;
	[tilespmem:s23+$0xFE80] =	vst v43  }
0x2b4: {  	s2 =	sshll.u32 s30, $0x9;
	s30 =	smov.u32 s31;
	v43 =	vand.u32 $0xFFFFFFF8, v54;
	[tilespmem:s22+$0xF780] =	vst v49;
	v49 =	vor.u32 v2, v52;
	v47 =	vld.idx.msk [tilespmem:v47+s11+$0x0], $0xffff;
	v52 =	vadd.s32 v26, v35  }
0x2b5: {  	s2 =	sand.u32 $0x3FFFF000, s2;
	v54 =	vadd.s32 v12, v36;
	v43 =	vor.u32 v2, v43;
	v44 =	vld.idx.msk [tilespmem:v44+s11+$0x0], $0xffff;
	v52 =	vand.u32 $0xFFFFFFF8, v52;
	[tilespmem:s26+$0xE00] =	vst v41  }
0x2b6: {  	s25 =	sor.u32 s29, s2;
	s29 =	smov.u32 s0;
	v41 =	vand.u32 $0xFFFFFFF8, v54;
	[tilespmem:s21+$0xFA00] =	vst v53;
	v52 =	vor.u32 v2, v52;
	v45 =	vld.idx.msk [tilespmem:v45+s11+$0x0], $0xffff;
	v53 =	vadd.s32 v31, v39  }
0x2b7: {  	v41 =	vor.u32 v2, v41;
	[tilespmem:s25+$0xF300] =	vst v46;
	v46 =	vld.idx.msk [tilespmem:v50+s11+$0x0], $0xffff;
	v50 =	vadd.s32 v17, v34;
	v53 =	vand.u32 $0xFFFFFFF8, v53  }
0x2b8: {  	v54 =	vadd.s32 v3, v38;
	v51 =	vld.idx.msk [tilespmem:v51+s11+$0x0], $0xffff;
	v50 =	vand.u32 $0xFFFFFFF8, v50;
	[tilespmem:s20+$0xFC80] =	vst v48;
	v48 =	vor.u32 v2, v53  }
0x2b9: {  	v53 =	vand.u32 $0xFFFFFFF8, v54;
	[tilespmem:s24+$0xF580] =	vst v42;
	v42 =	vor.u32 v2, v50;
	v50 =	vld.idx.msk [tilespmem:v49+s11+$0x0], $0xffff;
	v49 =	vadd.s32 v22, v33  }
0x2ba: {  	v54 =	vadd.s32 v8, v37;
	v53 =	vor.u32 v2, v53;
	v43 =	vld.idx.msk [tilespmem:v43+s11+$0x0], $0xffff;
	v49 =	vand.u32 $0xFFFFFFF8, v49;
	[tilespmem:s23+$0xFF00] =	vst v47  }
0x2bb: {  	v47 =	vand.u32 $0xFFFFFFF8, v54;
	[tilespmem:s22+$0xF800] =	vst v44;
	v54 =	vor.u32 v2, v49;
	v52 =	vld.idx.msk [tilespmem:v52+s11+$0x0], $0xffff;
	v44 =	vadd.s32 v27, v35  }
0x2bc: {  	v55 =	vor.u32 v2, v47;
	v56 =	vld.idx.msk [tilespmem:v41+s11+$0x0], $0xffff;
	v41 =	vadd.s32 v13, v36;
	v44 =	vand.u32 $0xFFFFFFF8, v44;
	[tilespmem:s26+$0xE80] =	vst v45  }
0x2bd: {  	v39 =	vadd.s32 v32, v39;
	v41 =	vand.u32 $0xFFFFFFF8, v41;
	[tilespmem:s21+$0xFA80] =	vst v46;
	v57 =	vor.u32 v2, v44;
	v47 =	vld.idx.msk [tilespmem:v48+s11+$0x0], $0xffff  }
.Ltmp2:
0x2be: {  	v39 =	vand.u32 $0xFFFFFFF8, v39;
	[tilespmem:s25+$0xF380] =	vst v51;
	v49 =	vor.u32 v2, v41;
	v44 =	vld.idx.msk [tilespmem:v42+s11+$0x0], $0xffff;
	v41 =	vadd.s32 v18, v34;
	(pc) =	sbr.rel @p0 .LBB2_7-.Ltmp2, $4  }
0x2bf: {  	v46 =	vor.u32 v2, v39;
	v42 =	vadd.s32 v4, v38;
	v51 =	vld.idx.msk [tilespmem:v53+s11+$0x0], $0xffff;
	v41 =	vand.u32 $0xFFFFFFF8, v41;
	[tilespmem:s20+$0xFD00] =	vst v50  }
0x2c0: {  	v39 =	vand.u32 $0xFFFFFFF8, v42;
	v42 =	vadd.s32 v23, v33;
	[tilespmem:s24+$0xF600] =	vst v43;
	v41 =	vor.u32 v2, v41;
	v45 =	vld.idx.msk [tilespmem:v54+s11+$0x0], $0xffff  }
0x2c1: {  	v53 =	vor.u32 v2, v39;
	v39 =	vadd.s32 v9, v37;
	v42 =	vand.u32 $0xFFFFFFF8, v42;
	v50 =	vld.idx.msk [tilespmem:v55+s11+$0x0], $0xffff;
	[tilespmem:s23+$0xFF80] =	vst v52  }
0x2c2: {  	s31 =	sadd.s32 $0x1, s31;
	v48 =	vadd.s32 v28, v35;
	v52 =	vand.u32 $0xFFFFFFF8, v39;
	v42 =	vor.u32 v2, v42;
	[tilespmem:s22+$0xF880] =	vst v56;
	v43 =	vld.idx.msk [tilespmem:v57+s11+$0x0], $0xffff  }
0x2c3: {  	v39 =	vshll.u32 v40, $0x4  }
0x2c4: {  	v40 =	vor.u32 v0, v39;
	_ =	sdelay $0x3  }
0x2c5: {  	v54 =	vadd.s32 v1, v39  }
0x2c6: {  	v54 =	vand.u32 $0xFFFFFFF8, v54;
	v40 =	vld.idx.msk [tilespmem:v40+s11+$0x0], $0xffff  }
0x2c7: {  	v54 =	vor.u32 v2, v54  }
0x2c8: {  	s0 =	sshll.u32 s30, $0x9  }
0x2c9: {  	s0 =	sand.u32 $0x3FFFF000, s0  }
0x2ca: {  	s28 =	sor.u32 s29, s0  }
0x2cb: {  	v58 =	vadd.s32 v3, v39;
	[tilespmem:s28+$0xF300] =	vst v40  }
0x2cc: {  	v40 =	vand.u32 $0xFFFFFFF8, v58;
	v54 =	vld.idx.msk [tilespmem:v54+s11+$0x0], $0xffff  }
0x2cd: {  	v40 =	vor.u32 v2, v40;
	_ =	sdelay $0x3  }
0x2ce: {  	v59 =	vadd.s32 v4, v39;
	[tilespmem:s28+$0xF380] =	vst v54  }
0x2cf: {  	v54 =	vand.u32 $0xFFFFFFF8, v59;
	v40 =	vld.idx.msk [tilespmem:v40+s11+$0x0], $0xffff  }
0x2d0: {  	v54 =	vor.u32 v2, v54;
	_ =	sdelay $0x1  }
0x2d1: {  	v60 =	vadd.s32 v5, v38;
	[tilespmem:s25+$0xF400] =	vst v51  }
0x2d2: {  	v51 =	vand.u32 $0xFFFFFFF8, v60;
	v53 =	vld.idx.msk [tilespmem:v53+s11+$0x0], $0xffff  }
0x2d3: {  	v61 =	vadd.s32 v5, v39;
	v51 =	vor.u32 v2, v51;
	[tilespmem:s28+$0xF400] =	vst v40  }
0x2d4: {  	v40 =	vand.u32 $0xFFFFFFF8, v61;
	v54 =	vld.idx.msk [tilespmem:v54+s11+$0x0], $0xffff  }
0x2d5: {  	v40 =	vor.u32 v2, v40;
	_ =	sdelay $0x1  }
0x2d6: {  	v62 =	vadd.s32 v6, v38;
	[tilespmem:s25+$0xF480] =	vst v53  }
0x2d7: {  	v53 =	vand.u32 $0xFFFFFFF8, v62;
	v51 =	vld.idx.msk [tilespmem:v51+s11+$0x0], $0xffff  }
0x2d8: {  	v63 =	vadd.s32 v6, v39;
	v53 =	vor.u32 v2, v53;
	[tilespmem:s28+$0xF480] =	vst v54  }
0x2d9: {  	v54 =	vand.u32 $0xFFFFFFF8, v63;
	v40 =	vld.idx.msk [tilespmem:v40+s11+$0x0], $0xffff  }
0x2da: {  	v54 =	vor.u32 v2, v54;
	_ =	sdelay $0x1  }
0x2db: {  	v57 =	vadd.s32 v7, v38;
	[tilespmem:s25+$0xF500] =	vst v51  }
0x2dc: {  	v51 =	vand.u32 $0xFFFFFFF8, v57;
	v53 =	vld.idx.msk [tilespmem:v53+s11+$0x0], $0xffff  }
0x2dd: {  	v58 =	vadd.s32 v7, v39;
	v51 =	vor.u32 v2, v51;
	[tilespmem:s28+$0xF500] =	vst v40  }
0x2de: {  	v40 =	vand.u32 $0xFFFFFFF8, v58;
	v54 =	vld.idx.msk [tilespmem:v54+s11+$0x0], $0xffff  }
0x2df: {  	v40 =	vor.u32 v2, v40;
	_ =	sdelay $0x1  }
0x2e0: {  	v59 =	vadd.s32 v8, v38;
	[tilespmem:s25+$0xF580] =	vst v53  }
0x2e1: {  	v53 =	vand.u32 $0xFFFFFFF8, v59;
	v51 =	vld.idx.msk [tilespmem:v51+s11+$0x0], $0xffff  }
0x2e2: {  	v60 =	vadd.s32 v8, v39;
	v53 =	vor.u32 v2, v53;
	[tilespmem:s28+$0xF580] =	vst v54  }
0x2e3: {  	v54 =	vand.u32 $0xFFFFFFF8, v60;
	v40 =	vld.idx.msk [tilespmem:v40+s11+$0x0], $0xffff  }
0x2e4: {  	v54 =	vor.u32 v2, v54;
	_ =	sdelay $0x1  }
0x2e5: {  	v52 =	vor.u32 v2, v52;
	v61 =	vadd.s32 v9, v38;
	[tilespmem:s25+$0xF600] =	vst v51  }
0x2e6: {  	v51 =	vand.u32 $0xFFFFFFF8, v61;
	v53 =	vld.idx.msk [tilespmem:v53+s11+$0x0], $0xffff  }
0x2e7: {  	v62 =	vadd.s32 v9, v39;
	v51 =	vor.u32 v2, v51;
	[tilespmem:s28+$0xF600] =	vst v40  }
0x2e8: {  	v40 =	vand.u32 $0xFFFFFFF8, v62;
	v54 =	vld.idx.msk [tilespmem:v54+s11+$0x0], $0xffff  }
0x2e9: {  	[tilespmem:s24+$0xF680] =	vst v50;
	v63 =	vadd.s32 v10, v37;
	v40 =	vor.u32 v2, v40  }
0x2ea: {  	v52 =	vld.idx.msk [tilespmem:v52+s11+$0x0], $0xffff;
	v50 =	vand.u32 $0xFFFFFFF8, v63  }
0x2eb: {  	v56 =	vadd.s32 v10, v38;
	[tilespmem:s25+$0xF680] =	vst v53;
	v50 =	vor.u32 v2, v50  }
0x2ec: {  	v53 =	vand.u32 $0xFFFFFFF8, v56;
	v51 =	vld.idx.msk [tilespmem:v51+s11+$0x0], $0xffff  }
0x2ed: {  	v57 =	vadd.s32 v10, v39;
	v53 =	vor.u32 v2, v53;
	[tilespmem:s28+$0xF680] =	vst v54  }
0x2ee: {  	v54 =	vand.u32 $0xFFFFFFF8, v57;
	v40 =	vld.idx.msk [tilespmem:v40+s11+$0x0], $0xffff  }
0x2ef: {  	[tilespmem:s24+$0xF700] =	vst v52;
	v58 =	vadd.s32 v11, v37;
	v54 =	vor.u32 v2, v54  }
0x2f0: {  	v50 =	vld.idx.msk [tilespmem:v50+s11+$0x0], $0xffff;
	v52 =	vand.u32 $0xFFFFFFF8, v58  }
0x2f1: {  	v59 =	vadd.s32 v11, v38;
	[tilespmem:s25+$0xF700] =	vst v51;
	v52 =	vor.u32 v2, v52  }
0x2f2: {  	v51 =	vand.u32 $0xFFFFFFF8, v59;
	v53 =	vld.idx.msk [tilespmem:v53+s11+$0x0], $0xffff  }
0x2f3: {  	v51 =	vor.u32 v2, v51;
	v60 =	vadd.s32 v11, v39;
	[tilespmem:s28+$0xF700] =	vst v40  }
0x2f4: {  	v40 =	vand.u32 $0xFFFFFFF8, v60;
	v54 =	vld.idx.msk [tilespmem:v54+s11+$0x0], $0xffff  }
0x2f5: {  	v61 =	vadd.s32 v12, v37;
	[tilespmem:s24+$0xF780] =	vst v50;
	v40 =	vor.u32 v2, v40  }
0x2f6: {  	v50 =	vand.u32 $0xFFFFFFF8, v61;
	v52 =	vld.idx.msk [tilespmem:v52+s11+$0x0], $0xffff  }
0x2f7: {  	v50 =	vor.u32 v2, v50;
	[tilespmem:s25+$0xF780] =	vst v53;
	v62 =	vadd.s32 v12, v38  }
0x2f8: {  	v51 =	vld.idx.msk [tilespmem:v51+s11+$0x0], $0xffff;
	v53 =	vand.u32 $0xFFFFFFF8, v62  }
0x2f9: {  	v63 =	vadd.s32 v12, v39;
	v53 =	vor.u32 v2, v53;
	[tilespmem:s28+$0xF780] =	vst v54  }
0x2fa: {  	v54 =	vand.u32 $0xFFFFFFF8, v63;
	v40 =	vld.idx.msk [tilespmem:v40+s11+$0x0], $0xffff  }
0x2fb: {  	[tilespmem:s24+$0xF800] =	vst v52;
	v57 =	vadd.s32 v13, v37;
	v54 =	vor.u32 v2, v54  }
0x2fc: {  	v50 =	vld.idx.msk [tilespmem:v50+s11+$0x0], $0xffff;
	v52 =	vand.u32 $0xFFFFFFF8, v57  }
0x2fd: {  	v58 =	vadd.s32 v13, v38;
	[tilespmem:s25+$0xF800] =	vst v51;
	v52 =	vor.u32 v2, v52  }
0x2fe: {  	v51 =	vand.u32 $0xFFFFFFF8, v58;
	v53 =	vld.idx.msk [tilespmem:v53+s11+$0x0], $0xffff  }
0x2ff: {  	v59 =	vadd.s32 v13, v39;
	v51 =	vor.u32 v2, v51;
	[tilespmem:s28+$0xF800] =	vst v40  }
0x300: {  	v40 =	vand.u32 $0xFFFFFFF8, v59;
	v54 =	vld.idx.msk [tilespmem:v54+s11+$0x0], $0xffff  }
0x301: {  	[tilespmem:s24+$0xF880] =	vst v50;
	v60 =	vadd.s32 v14, v37;
	v40 =	vor.u32 v2, v40  }
0x302: {  	v55 =	vadd.s32 v14, v36;
	v52 =	vld.idx.msk [tilespmem:v52+s11+$0x0], $0xffff;
	v50 =	vand.u32 $0xFFFFFFF8, v60  }
0x303: {  	v49 =	vld.idx.msk [tilespmem:v49+s11+$0x0], $0xffff;
	v55 =	vand.u32 $0xFFFFFFF8, v55;
	v61 =	vadd.s32 v14, v38;
	[tilespmem:s25+$0xF880] =	vst v53;
	v50 =	vor.u32 v2, v50  }
0x304: {  	v55 =	vor.u32 v2, v55;
	v53 =	vand.u32 $0xFFFFFFF8, v61;
	v51 =	vld.idx.msk [tilespmem:v51+s11+$0x0], $0xffff  }
0x305: {  	v62 =	vadd.s32 v14, v39;
	v53 =	vor.u32 v2, v53;
	[tilespmem:s28+$0xF880] =	vst v54  }
0x306: {  	v54 =	vand.u32 $0xFFFFFFF8, v62;
	v40 =	vld.idx.msk [tilespmem:v40+s11+$0x0], $0xffff  }
0x307: {  	v56 =	vadd.s32 v15, v37;
	[tilespmem:s24+$0xF900] =	vst v52;
	v54 =	vor.u32 v2, v54  }
0x308: {  	[tilespmem:s22+$0xF900] =	vst v49;
	v63 =	vadd.s32 v15, v36;
	v52 =	vand.u32 $0xFFFFFFF8, v56;
	v50 =	vld.idx.msk [tilespmem:v50+s11+$0x0], $0xffff  }
0x309: {  	v55 =	vld.idx.msk [tilespmem:v55+s11+$0x0], $0xffff;
	v57 =	vadd.s32 v15, v38;
	[tilespmem:s25+$0xF900] =	vst v51;
	v49 =	vand.u32 $0xFFFFFFF8, v63;
	v52 =	vor.u32 v2, v52  }
0x30a: {  	v51 =	vand.u32 $0xFFFFFFF8, v57;
	v53 =	vld.idx.msk [tilespmem:v53+s11+$0x0], $0xffff;
	v49 =	vor.u32 v2, v49  }
0x30b: {  	v58 =	vadd.s32 v15, v39;
	v51 =	vor.u32 v2, v51;
	[tilespmem:s28+$0xF900] =	vst v40  }
0x30c: {  	v40 =	vand.u32 $0xFFFFFFF8, v58;
	v54 =	vld.idx.msk [tilespmem:v54+s11+$0x0], $0xffff  }
0x30d: {  	v60 =	vadd.s32 v16, v37;
	[tilespmem:s24+$0xF980] =	vst v50;
	v40 =	vor.u32 v2, v40  }
0x30e: {  	[tilespmem:s22+$0xF980] =	vst v55;
	v59 =	vadd.s32 v16, v36;
	v50 =	vand.u32 $0xFFFFFFF8, v60;
	v52 =	vld.idx.msk [tilespmem:v52+s11+$0x0], $0xffff  }
0x30f: {  	v61 =	vadd.s32 v16, v38;
	[tilespmem:s25+$0xF980] =	vst v53;
	v49 =	vld.idx.msk [tilespmem:v49+s11+$0x0], $0xffff;
	v55 =	vand.u32 $0xFFFFFFF8, v59;
	v50 =	vor.u32 v2, v50  }
0x310: {  	v53 =	vand.u32 $0xFFFFFFF8, v61;
	v51 =	vld.idx.msk [tilespmem:v51+s11+$0x0], $0xffff;
	v55 =	vor.u32 v2, v55  }
0x311: {  	v53 =	vor.u32 v2, v53;
	v62 =	vadd.s32 v16, v39;
	[tilespmem:s28+$0xF980] =	vst v54  }
0x312: {  	v54 =	vand.u32 $0xFFFFFFF8, v62;
	v40 =	vld.idx.msk [tilespmem:v40+s11+$0x0], $0xffff  }
0x313: {  	v59 =	vadd.s32 v17, v37;
	[tilespmem:s24+$0xFA00] =	vst v52;
	v63 =	vor.u32 v2, v54  }
0x314: {  	v57 =	vadd.s32 v17, v36;
	[tilespmem:s22+$0xFA00] =	vst v49;
	v52 =	vand.u32 $0xFFFFFFF8, v59;
	v50 =	vld.idx.msk [tilespmem:v50+s11+$0x0], $0xffff  }
0x315: {  	v60 =	vadd.s32 v17, v38;
	v49 =	vand.u32 $0xFFFFFFF8, v57;
	[tilespmem:s25+$0xFA00] =	vst v51;
	v52 =	vor.u32 v2, v52;
	v58 =	vld.idx.msk [tilespmem:v55+s11+$0x0], $0xffff  }
0x316: {  	[tilespmem:s26+$0xF00] =	vst v47;
	v51 =	vand.u32 $0xFFFFFFF8, v60;
	v49 =	vor.u32 v2, v49;
	v53 =	vld.idx.msk [tilespmem:v53+s11+$0x0], $0xffff  }
0x317: {  	v62 =	vor.u32 v2, v51;
	[tilespmem:s28+$0xFA00] =	vst v40  }
0x318: {  	[tilespmem:s21+$0xFB00] =	vst v44;
	v61 =	vadd.s32 v17, v39;
	v47 =	vld.idx.msk [tilespmem:v63+s11+$0x0], $0xffff  }
0x319: {  	v57 =	vadd.s32 v18, v37;
	[tilespmem:s24+$0xFA80] =	vst v50;
	v40 =	vand.u32 $0xFFFFFFF8, v61;
	v63 =	vld.idx.msk [tilespmem:v46+s11+$0x0], $0xffff  }
0x31a: {  	v56 =	vadd.s32 v18, v36;
	v50 =	vand.u32 $0xFFFFFFF8, v57;
	[tilespmem:s22+$0xFA80] =	vst v58;
	v51 =	vld.idx.msk [tilespmem:v52+s11+$0x0], $0xffff;
	v40 =	vor.u32 v2, v40  }
0x31b: {  	[tilespmem:s25+$0xFA80] =	vst v53;
	v50 =	vor.u32 v2, v50;
	v58 =	vadd.s32 v18, v38;
	v49 =	vld.idx.msk [tilespmem:v49+s11+$0x0], $0xffff;
	v46 =	vand.u32 $0xFFFFFFF8, v56  }
0x31c: {  	[tilespmem:s20+$0xFD80] =	vst v45;
	v52 =	vand.u32 $0xFFFFFFF8, v58;
	v44 =	vld.idx.msk [tilespmem:v62+s11+$0x0], $0xffff;
	v46 =	vor.u32 v2, v46  }
0x31d: {  	v48 =	vand.u32 $0xFFFFFFF8, v48;
	v41 =	vld.idx.msk [tilespmem:v41+s11+$0x0], $0xffff;
	v60 =	vor.u32 v2, v52;
	v61 =	vadd.s32 v19, v34;
	[tilespmem:s28+$0xFA80] =	vst v47  }
0x31e: {  	v42 =	vld.idx.msk [tilespmem:v42+s11+$0x0], $0xffff;
	v59 =	vadd.s32 v18, v39;
	v56 =	vand.u32 $0xFFFFFFF8, v61;
	[tilespmem:s26+$0xF80] =	vst v63;
	v63 =	vor.u32 v2, v48  }
0x31f: {  	[tilespmem:s24+$0xFB00] =	vst v51;
	v47 =	vand.u32 $0xFFFFFFF8, v59;
	v48 =	vor.u32 v2, v56;
	v40 =	vld.idx.msk [tilespmem:v40+s11+$0x0], $0xffff  }
0x320: {  	v57 =	vadd.s32 v19, v36;
	[tilespmem:s22+$0xFB00] =	vst v49;
	v50 =	vld.idx.msk [tilespmem:v50+s11+$0x0], $0xffff;
	v62 =	vor.u32 v2, v47  }
0x321: {  	s23 =	sadd.s32 $0xF300, s23;
	v58 =	vadd.s32 v19, v37;
	v49 =	vand.u32 $0xFFFFFFF8, v57;
	[tilespmem:s25+$0xFB00] =	vst v44;
	v46 =	vld.idx.msk [tilespmem:v46+s11+$0x0], $0xffff  }
0x322: {  	[tilespmem:s23+$0xD00] =	vst v43;
	v51 =	vand.u32 $0xFFFFFFF8, v58;
	v49 =	vor.u32 v2, v49;
	v43 =	vld.idx.msk [tilespmem:v60+s11+$0x0], $0xffff;
	v59 =	vadd.s32 v19, v38  }
0x323: {  	[tilespmem:s21+$0xFB80] =	vst v41;
	v51 =	vor.u32 v2, v51;
	v44 =	vand.u32 $0xFFFFFFF8, v59;
	v47 =	vld.idx.msk [tilespmem:v63+s11+$0x0], $0xffff;
	v63 =	vadd.s32 v20, v34  }
0x324: {  	v60 =	vadd.s32 v19, v39;
	v41 =	vor.u32 v2, v44;
	v57 =	vld.idx.msk [tilespmem:v48+s11+$0x0], $0xffff;
	[tilespmem:s28+$0xFB00] =	vst v40;
	v58 =	vand.u32 $0xFFFFFFF8, v63  }
0x325: {  	[tilespmem:s20+$0xFE00] =	vst v42;
	v61 =	vadd.s32 v24, v33;
	v40 =	vand.u32 $0xFFFFFFF8, v60;
	v44 =	vld.idx.msk [tilespmem:v62+s11+$0x0], $0xffff;
	v48 =	vor.u32 v2, v58  }
0x326: {  	v59 =	vadd.s32 v20, v36;
	[tilespmem:s22+$0xFB80] =	vst v46;
	v62 =	vand.u32 $0xFFFFFFF8, v61;
	v40 =	vor.u32 v2, v40  }
0x327: {  	[tilespmem:s24+$0xFB80] =	vst v50;
	v46 =	vand.u32 $0xFFFFFFF8, v59;
	v60 =	vadd.s32 v20, v37;
	v49 =	vld.idx.msk [tilespmem:v49+s11+$0x0], $0xffff;
	v56 =	vor.u32 v2, v62  }
0x328: {  	v51 =	vld.idx.msk [tilespmem:v51+s11+$0x0], $0xffff;
	[tilespmem:s25+$0xFB80] =	vst v43;
	v46 =	vor.u32 v2, v46;
	v50 =	vand.u32 $0xFFFFFFF8, v60  }
0x329: {  	v61 =	vadd.s32 v20, v38;
	v41 =	vld.idx.msk [tilespmem:v41+s11+$0x0], $0xffff;
	v50 =	vor.u32 v2, v50;
	[tilespmem:s21+$0xFC00] =	vst v57  }
0x32a: {  	v63 =	vadd.s32 v29, v35;
	v43 =	vand.u32 $0xFFFFFFF8, v61;
	[tilespmem:s28+$0xFB80] =	vst v44;
	v48 =	vld.idx.msk [tilespmem:v48+s11+$0x0], $0xffff  }
0x32b: {  	v55 =	vand.u32 $0xFFFFFFF8, v63;
	v62 =	vadd.s32 v20, v39;
	v43 =	vor.u32 v2, v43;
	[tilespmem:s23+$0xD80] =	vst v47;
	v40 =	vld.idx.msk [tilespmem:v40+s11+$0x0], $0xffff  }
0x32c: {  	v47 =	vor.u32 v2, v55;
	v57 =	vadd.s32 v21, v36;
	v44 =	vand.u32 $0xFFFFFFF8, v62;
	[tilespmem:s22+$0xFC00] =	vst v49;
	v42 =	vld.idx.msk [tilespmem:v56+s11+$0x0], $0xffff  }
0x32d: {  	[tilespmem:s24+$0xFC00] =	vst v51;
	v58 =	vadd.s32 v21, v37;
	v49 =	vand.u32 $0xFFFFFFF8, v57;
	v44 =	vor.u32 v2, v44;
	v46 =	vld.idx.msk [tilespmem:v46+s11+$0x0], $0xffff  }
0x32e: {  	v51 =	vand.u32 $0xFFFFFFF8, v58;
	v56 =	vadd.s32 v21, v34;
	v49 =	vor.u32 v2, v49;
	v50 =	vld.idx.msk [tilespmem:v50+s11+$0x0], $0xffff  }
0x32f: {  	v59 =	vadd.s32 v21, v38;
	v51 =	vor.u32 v2, v51;
	[tilespmem:s25+$0xFC00] =	vst v41;
	v45 =	vand.u32 $0xFFFFFFF8, v56  }
0x330: {  	v61 =	vadd.s32 v25, v33;
	v41 =	vand.u32 $0xFFFFFFF8, v59;
	v43 =	vld.idx.msk [tilespmem:v43+s11+$0x0], $0xffff;
	v45 =	vor.u32 v2, v45;
	[tilespmem:s21+$0xFC80] =	vst v48  }
0x331: {  	v60 =	vadd.s32 v21, v39;
	v63 =	vand.u32 $0xFFFFFFF8, v61;
	v41 =	vor.u32 v2, v41;
	v47 =	vld.idx.msk [tilespmem:v47+s11+$0x0], $0xffff;
	[tilespmem:s28+$0xFC00] =	vst v40  }
0x332: {  	v53 =	vadd.s32 v22, v36;
	v40 =	vand.u32 $0xFFFFFFF8, v60;
	[tilespmem:s22+$0xFC80] =	vst v46;
	v62 =	vld.idx.msk [tilespmem:v44+s11+$0x0], $0xffff;
	v44 =	vor.u32 v2, v63  }
0x333: {  	v54 =	vadd.s32 v22, v37;
	v46 =	vand.u32 $0xFFFFFFF8, v53;
	[tilespmem:s24+$0xFC80] =	vst v50;
	v40 =	vor.u32 v2, v40;
	v49 =	vld.idx.msk [tilespmem:v49+s11+$0x0], $0xffff  }
0x334: {  	v52 =	vadd.s32 v22, v34;
	[tilespmem:s20+$0xFE80] =	vst v42;
	v50 =	vand.u32 $0xFFFFFFF8, v54;
	v46 =	vor.u32 v2, v46;
	v51 =	vld.idx.msk [tilespmem:v51+s11+$0x0], $0xffff  }
0x335: {  	v55 =	vadd.s32 v22, v38;
	v48 =	vand.u32 $0xFFFFFFF8, v52;
	[tilespmem:s25+$0xFC80] =	vst v43;
	v50 =	vor.u32 v2, v50;
	v45 =	vld.idx.msk [tilespmem:v45+s11+$0x0], $0xffff  }
0x336: {  	v57 =	vadd.s32 v30, v35;
	v48 =	vor.u32 v2, v48;
	v43 =	vand.u32 $0xFFFFFFF8, v55;
	v41 =	vld.idx.msk [tilespmem:v41+s11+$0x0], $0xffff;
	[tilespmem:s23+$0xE00] =	vst v47  }
0x337: {  	v58 =	vand.u32 $0xFFFFFFF8, v57;
	v56 =	vadd.s32 v22, v39;
	v43 =	vor.u32 v2, v43;
	[tilespmem:s28+$0xFC80] =	vst v62;
	v44 =	vld.idx.msk [tilespmem:v44+s11+$0x0], $0xffff  }
0x338: {  	v42 =	vand.u32 $0xFFFFFFF8, v56;
	v60 =	vadd.s32 v23, v36;
	v47 =	vor.u32 v2, v58;
	[tilespmem:s22+$0xFD00] =	vst v49;
	v40 =	vld.idx.msk [tilespmem:v40+s11+$0x0], $0xffff  }
0x339: {  	v61 =	vadd.s32 v23, v37;
	v42 =	vor.u32 v2, v42;
	v49 =	vand.u32 $0xFFFFFFF8, v60;
	[tilespmem:s24+$0xFD00] =	vst v51;
	v46 =	vld.idx.msk [tilespmem:v46+s11+$0x0], $0xffff  }
0x33a: {  	v59 =	vadd.s32 v23, v34;
	v51 =	vand.u32 $0xFFFFFFF8, v61;
	[tilespmem:s21+$0xFD00] =	vst v45;
	v49 =	vor.u32 v2, v49;
	v50 =	vld.idx.msk [tilespmem:v50+s11+$0x0], $0xffff  }
0x33b: {  	v62 =	vadd.s32 v23, v38;
	v45 =	vand.u32 $0xFFFFFFF8, v59;
	[tilespmem:s25+$0xFD00] =	vst v41;
	v51 =	vor.u32 v2, v51;
	v48 =	vld.idx.msk [tilespmem:v48+s11+$0x0], $0xffff  }
0x33c: {  	v56 =	vadd.s32 v26, v33;
	v41 =	vand.u32 $0xFFFFFFF8, v62;
	v45 =	vor.u32 v2, v45;
	v43 =	vld.idx.msk [tilespmem:v43+s11+$0x0], $0xffff;
	[tilespmem:s20+$0xFF00] =	vst v44  }
0x33d: {  	v63 =	vadd.s32 v23, v39;
	v57 =	vand.u32 $0xFFFFFFF8, v56;
	v47 =	vld.idx.msk [tilespmem:v47+s11+$0x0], $0xffff;
	v41 =	vor.u32 v2, v41;
	[tilespmem:s28+$0xFD00] =	vst v40  }
0x33e: {  	v59 =	vadd.s32 v24, v36;
	v44 =	vor.u32 v2, v57;
	v40 =	vand.u32 $0xFFFFFFF8, v63;
	[tilespmem:s22+$0xFD80] =	vst v46;
	v42 =	vld.idx.msk [tilespmem:v42+s11+$0x0], $0xffff  }
0x33f: {  	v60 =	vadd.s32 v24, v37;
	v46 =	vand.u32 $0xFFFFFFF8, v59;
	[tilespmem:s24+$0xFD80] =	vst v50;
	v40 =	vor.u32 v2, v40;
	v49 =	vld.idx.msk [tilespmem:v49+s11+$0x0], $0xffff  }
0x340: {  	v58 =	vadd.s32 v24, v34;
	v50 =	vand.u32 $0xFFFFFFF8, v60;
	[tilespmem:s21+$0xFD80] =	vst v48;
	v46 =	vor.u32 v2, v46;
	v51 =	vld.idx.msk [tilespmem:v51+s11+$0x0], $0xffff  }
0x341: {  	v48 =	vand.u32 $0xFFFFFFF8, v58;
	[tilespmem:s25+$0xFD80] =	vst v43;
	v50 =	vor.u32 v2, v50;
	v45 =	vld.idx.msk [tilespmem:v45+s11+$0x0], $0xffff  }
0x342: {  	v61 =	vadd.s32 v24, v38;
	[tilespmem:s23+$0xE80] =	vst v47;
	v48 =	vor.u32 v2, v48;
	v41 =	vld.idx.msk [tilespmem:v41+s11+$0x0], $0xffff  }
0x343: {  	v62 =	vadd.s32 v24, v39;
	v43 =	vand.u32 $0xFFFFFFF8, v61;
	v44 =	vld.idx.msk [tilespmem:v44+s11+$0x0], $0xffff;
	[tilespmem:s28+$0xFD80] =	vst v42  }
0x344: {  	v55 =	vadd.s32 v25, v36;
	v43 =	vor.u32 v2, v43;
	v42 =	vand.u32 $0xFFFFFFF8, v62;
	[tilespmem:s22+$0xFE00] =	vst v49;
	v40 =	vld.idx.msk [tilespmem:v40+s11+$0x0], $0xffff  }
0x345: {  	v56 =	vadd.s32 v25, v37;
	v49 =	vand.u32 $0xFFFFFFF8, v55;
	[tilespmem:s24+$0xFE00] =	vst v51;
	v42 =	vor.u32 v2, v42;
	v46 =	vld.idx.msk [tilespmem:v46+s11+$0x0], $0xffff  }
0x346: {  	v54 =	vadd.s32 v25, v34;
	v51 =	vand.u32 $0xFFFFFFF8, v56;
	[tilespmem:s21+$0xFE00] =	vst v45;
	v49 =	vor.u32 v2, v49;
	v50 =	vld.idx.msk [tilespmem:v50+s11+$0x0], $0xffff  }
0x347: {  	v63 =	vadd.s32 v31, v35;
	v45 =	vand.u32 $0xFFFFFFF8, v54;
	[tilespmem:s25+$0xFE00] =	vst v41;
	v51 =	vor.u32 v2, v51;
	v48 =	vld.idx.msk [tilespmem:v48+s11+$0x0], $0xffff  }
0x348: {  	v57 =	vadd.s32 v25, v38;
	v53 =	vand.u32 $0xFFFFFFF8, v63;
	v45 =	vor.u32 v2, v45;
	[tilespmem:s20+$0xFF80] =	vst v44  }
0x349: {  	v58 =	vadd.s32 v25, v39;
	v47 =	vor.u32 v2, v53;
	v41 =	vand.u32 $0xFFFFFFF8, v57;
	v43 =	vld.idx.msk [tilespmem:v43+s11+$0x0], $0xffff;
	[tilespmem:s28+$0xFE00] =	vst v40  }
0x34a: {  	v59 =	vadd.s32 v27, v33;
	v41 =	vor.u32 v2, v41;
	v40 =	vand.u32 $0xFFFFFFF8, v58;
	[tilespmem:s22+$0xFE80] =	vst v46;
	v42 =	vld.idx.msk [tilespmem:v42+s11+$0x0], $0xffff  }
0x34b: {  	v60 =	vand.u32 $0xFFFFFFF8, v59;
	v63 =	vadd.s32 v26, v37;
	[tilespmem:s24+$0xFE80] =	vst v50;
	v40 =	vor.u32 v2, v40;
	v49 =	vld.idx.msk [tilespmem:v49+s11+$0x0], $0xffff  }
0x34c: {  	v61 =	vadd.s32 v26, v34;
	v44 =	vor.u32 v2, v60;
	v50 =	vand.u32 $0xFFFFFFF8, v63;
	[tilespmem:s21+$0xFE80] =	vst v48;
	v51 =	vld.idx.msk [tilespmem:v51+s11+$0x0], $0xffff  }
0x34d: {  	v62 =	vadd.s32 v26, v36;
	v48 =	vand.u32 $0xFFFFFFF8, v61;
	v50 =	vor.u32 v2, v50;
	v45 =	vld.idx.msk [tilespmem:v45+s11+$0x0], $0xffff  }
0x34e: {  	v47 =	vld.idx.msk [tilespmem:v47+s11+$0x0], $0xffff;
	v54 =	vadd.s32 v26, v38;
	v46 =	vand.u32 $0xFFFFFFF8, v62;
	[tilespmem:s25+$0xFE80] =	vst v43;
	v48 =	vor.u32 v2, v48  }
0x34f: {  	v55 =	vadd.s32 v26, v39;
	v46 =	vor.u32 v2, v46;
	v43 =	vand.u32 $0xFFFFFFF8, v54;
	v41 =	vld.idx.msk [tilespmem:v41+s11+$0x0], $0xffff;
	[tilespmem:s28+$0xFE80] =	vst v42  }
0x350: {  	v56 =	vadd.s32 v32, v35;
	v43 =	vor.u32 v2, v43;
	v42 =	vand.u32 $0xFFFFFFF8, v55;
	[tilespmem:s22+$0xFF00] =	vst v49;
	v40 =	vld.idx.msk [tilespmem:v40+s11+$0x0], $0xffff  }
0x351: {  	v35 =	vand.u32 $0xFFFFFFF8, v56;
	v60 =	vadd.s32 v27, v37;
	v44 =	vld.idx.msk [tilespmem:v44+s11+$0x0], $0xffff;
	[tilespmem:s24+$0xFF00] =	vst v51;
	v42 =	vor.u32 v2, v42  }
0x352: {  	v57 =	vadd.s32 v27, v34;
	v35 =	vor.u32 v2, v35;
	v49 =	vand.u32 $0xFFFFFFF8, v60;
	[tilespmem:s21+$0xFF00] =	vst v45;
	v50 =	vld.idx.msk [tilespmem:v50+s11+$0x0], $0xffff  }
0x353: {  	v59 =	vadd.s32 v27, v36;
	[tilespmem:s23+$0xF00] =	vst v47;
	v45 =	vand.u32 $0xFFFFFFF8, v57;
	v49 =	vor.u32 v2, v49;
	v58 =	vld.idx.msk [tilespmem:v48+s11+$0x0], $0xffff  }
0x354: {  	v61 =	vadd.s32 v27, v38;
	v46 =	vld.idx.msk [tilespmem:v46+s11+$0x0], $0xffff;
	[tilespmem:s25+$0xFF00] =	vst v41;
	v45 =	vor.u32 v2, v45;
	v48 =	vand.u32 $0xFFFFFFF8, v59  }
0x355: {  	s2 =	sadd.s32 $0xF300, s20;
	v62 =	vadd.s32 v27, v39;
	v41 =	vand.u32 $0xFFFFFFF8, v61;
	v43 =	vld.idx.msk [tilespmem:v43+s11+$0x0], $0xffff;
	v48 =	vor.u32 v2, v48;
	[tilespmem:s28+$0xFF00] =	vst v40  }
0x356: {  	v63 =	vadd.s32 v28, v33;
	[tilespmem:s2+$0xD00] =	vst v44;
	v41 =	vor.u32 v2, v41;
	v40 =	vand.u32 $0xFFFFFFF8, v62;
	v42 =	vld.idx.msk [tilespmem:v42+s11+$0x0], $0xffff  }
0x357: {  	v35 =	vld.idx.msk [tilespmem:v35+s11+$0x0], $0xffff;
	v54 =	vadd.s32 v28, v37;
	v51 =	vand.u32 $0xFFFFFFF8, v63;
	[tilespmem:s24+$0xFF80] =	vst v50;
	v40 =	vor.u32 v2, v40  }
0x358: {  	v52 =	vadd.s32 v28, v34;
	v44 =	vor.u32 v2, v51;
	v50 =	vand.u32 $0xFFFFFFF8, v54;
	[tilespmem:s21+$0xFF80] =	vst v58;
	v49 =	vld.idx.msk [tilespmem:v49+s11+$0x0], $0xffff  }
0x359: {  	v53 =	vadd.s32 v28, v36;
	v47 =	vand.u32 $0xFFFFFFF8, v52;
	[tilespmem:s22+$0xFF80] =	vst v46;
	v50 =	vor.u32 v2, v50;
	v45 =	vld.idx.msk [tilespmem:v45+s11+$0x0], $0xffff  }
0x35a: {  	v47 =	vor.u32 v2, v47;
	v55 =	vadd.s32 v28, v38;
	v46 =	vand.u32 $0xFFFFFFF8, v53;
	[tilespmem:s25+$0xFF80] =	vst v43;
	v48 =	vld.idx.msk [tilespmem:v48+s11+$0x0], $0xffff  }
0x35b: {  	v56 =	vadd.s32 v28, v39;
	v46 =	vor.u32 v2, v46;
	v43 =	vand.u32 $0xFFFFFFF8, v55;
	v41 =	vld.idx.msk [tilespmem:v41+s11+$0x0], $0xffff;
	[tilespmem:s28+$0xFF80] =	vst v42  }
0x35c: {  	s26 =	sadd.s32 $0xF300, s24;
	[tilespmem:s23+$0xF80] =	vst v35;
	v57 =	vadd.s32 v29, v33;
	v58 =	vor.u32 v2, v43;
	v42 =	vand.u32 $0xFFFFFFF8, v56;
	v40 =	vld.idx.msk [tilespmem:v40+s11+$0x0], $0xffff  }
0x35d: {  	s8 =	sadd.s32 $0xF300, s21;
	v63 =	vadd.s32 v29, v37;
	v60 =	vand.u32 $0xFFFFFFF8, v57;
	v59 =	vld.idx.msk [tilespmem:v44+s11+$0x0], $0xffff;
	[tilespmem:s26+$0xD00] =	vst v49;
	v42 =	vor.u32 v2, v42  }
0x35e: {  	s23 =	sadd.s32 $0xF300, s22;
	v61 =	vadd.s32 v29, v34;
	v44 =	vor.u32 v2, v60;
	v49 =	vand.u32 $0xFFFFFFF8, v63;
	[tilespmem:s8+$0xD00] =	vst v45;
	v50 =	vld.idx.msk [tilespmem:v50+s11+$0x0], $0xffff  }
0x35f: {  	s29 =	sadd.s32 $0xF300, s25;
	v62 =	vadd.s32 v29, v36;
	v45 =	vand.u32 $0xFFFFFFF8, v61;
	[tilespmem:s23+$0xD00] =	vst v48;
	v49 =	vor.u32 v2, v49;
	v47 =	vld.idx.msk [tilespmem:v47+s11+$0x0], $0xffff  }
0x360: {  	s30 =	sadd.s32 $0xF300, s28;
	v52 =	vadd.s32 v29, v38;
	v48 =	vand.u32 $0xFFFFFFF8, v62;
	[tilespmem:s29+$0xD00] =	vst v41;
	v45 =	vor.u32 v2, v45;
	v46 =	vld.idx.msk [tilespmem:v46+s11+$0x0], $0xffff  }
0x361: {  	v53 =	vadd.s32 v29, v39;
	v41 =	vand.u32 $0xFFFFFFF8, v52;
	v48 =	vor.u32 v2, v48;
	v35 =	vld.idx.msk [tilespmem:v58+s11+$0x0], $0xffff;
	[tilespmem:s30+$0xD00] =	vst v40  }
0x362: {  	v54 =	vadd.s32 v30, v33;
	[tilespmem:s2+$0xD80] =	vst v59;
	v41 =	vor.u32 v2, v41;
	v40 =	vand.u32 $0xFFFFFFF8, v53;
	v42 =	vld.idx.msk [tilespmem:v42+s11+$0x0], $0xffff  }
0x363: {  	v57 =	vadd.s32 v30, v37;
	v43 =	vand.u32 $0xFFFFFFF8, v54;
	v44 =	vld.idx.msk [tilespmem:v44+s11+$0x0], $0xffff;
	[tilespmem:s26+$0xD80] =	vst v50;
	v40 =	vor.u32 v2, v40  }
0x364: {  	v55 =	vadd.s32 v30, v34;
	v43 =	vor.u32 v2, v43;
	v50 =	vand.u32 $0xFFFFFFF8, v57;
	[tilespmem:s8+$0xD80] =	vst v47;
	v49 =	vld.idx.msk [tilespmem:v49+s11+$0x0], $0xffff  }
0x365: {  	v56 =	vadd.s32 v30, v36;
	v47 =	vand.u32 $0xFFFFFFF8, v55;
	[tilespmem:s23+$0xD80] =	vst v46;
	v50 =	vor.u32 v2, v50;
	v45 =	vld.idx.msk [tilespmem:v45+s11+$0x0], $0xffff  }
0x366: {  	v58 =	vadd.s32 v30, v38;
	v46 =	vand.u32 $0xFFFFFFF8, v56;
	[tilespmem:s29+$0xD80] =	vst v35;
	v47 =	vor.u32 v2, v47;
	v48 =	vld.idx.msk [tilespmem:v48+s11+$0x0], $0xffff  }
0x367: {  	v59 =	vadd.s32 v30, v39;
	v35 =	vand.u32 $0xFFFFFFF8, v58;
	v46 =	vor.u32 v2, v46;
	v41 =	vld.idx.msk [tilespmem:v41+s11+$0x0], $0xffff;
	[tilespmem:s30+$0xD80] =	vst v42  }
0x368: {  	v60 =	vadd.s32 v31, v33;
	[tilespmem:s2+$0xE00] =	vst v44;
	v35 =	vor.u32 v2, v35;
	v42 =	vand.u32 $0xFFFFFFF8, v59;
	v40 =	vld.idx.msk [tilespmem:v40+s11+$0x0], $0xffff  }
0x369: {  	v63 =	vadd.s32 v31, v37;
	v44 =	vand.u32 $0xFFFFFFF8, v60;
	v43 =	vld.idx.msk [tilespmem:v43+s11+$0x0], $0xffff;
	[tilespmem:s26+$0xE00] =	vst v49;
	v42 =	vor.u32 v2, v42  }
0x36a: {  	v61 =	vadd.s32 v31, v34;
	v44 =	vor.u32 v2, v44;
	v49 =	vand.u32 $0xFFFFFFF8, v63;
	[tilespmem:s8+$0xE00] =	vst v45;
	v50 =	vld.idx.msk [tilespmem:v50+s11+$0x0], $0xffff  }
0x36b: {  	v62 =	vadd.s32 v31, v36;
	v45 =	vand.u32 $0xFFFFFFF8, v61;
	[tilespmem:s23+$0xE00] =	vst v48;
	v49 =	vor.u32 v2, v49;
	v47 =	vld.idx.msk [tilespmem:v47+s11+$0x0], $0xffff  }
0x36c: {  	v52 =	vadd.s32 v31, v38;
	v48 =	vand.u32 $0xFFFFFFF8, v62;
	[tilespmem:s29+$0xE00] =	vst v41;
	v45 =	vor.u32 v2, v45;
	v46 =	vld.idx.msk [tilespmem:v46+s11+$0x0], $0xffff  }
0x36d: {  	v53 =	vadd.s32 v31, v39;
	v41 =	vand.u32 $0xFFFFFFF8, v52;
	v48 =	vor.u32 v2, v48;
	v35 =	vld.idx.msk [tilespmem:v35+s11+$0x0], $0xffff;
	[tilespmem:s30+$0xE00] =	vst v40  }
0x36e: {  	v54 =	vadd.s32 v32, v33;
	[tilespmem:s2+$0xE80] =	vst v43;
	v41 =	vor.u32 v2, v41;
	v40 =	vand.u32 $0xFFFFFFF8, v53;
	v42 =	vld.idx.msk [tilespmem:v42+s11+$0x0], $0xffff  }
0x36f: {  	v33 =	vand.u32 $0xFFFFFFF8, v54;
	v43 =	vld.idx.msk [tilespmem:v44+s11+$0x0], $0xffff;
	v59 =	vadd.s32 v32, v37;
	[tilespmem:s26+$0xE80] =	vst v50;
	v40 =	vor.u32 v2, v40  }
0x370: {  	v33 =	vor.u32 v2, v33;
	v55 =	vadd.s32 v32, v34;
	v37 =	vand.u32 $0xFFFFFFF8, v59;
	[tilespmem:s8+$0xE80] =	vst v47;
	v60 =	vld.idx.msk [tilespmem:v49+s11+$0x0], $0xffff  }
0x371: {  	v57 =	vadd.s32 v32, v36;
	v34 =	vand.u32 $0xFFFFFFF8, v55;
	v37 =	vor.u32 v2, v37;
	[tilespmem:s23+$0xE80] =	vst v46;
	v56 =	vld.idx.msk [tilespmem:v45+s11+$0x0], $0xffff  }
0x372: {  	v36 =	vand.u32 $0xFFFFFFF8, v57;
	v34 =	vor.u32 v2, v34;
	v61 =	vadd.s32 v32, v38;
	[tilespmem:s29+$0xE80] =	vst v35;
	v58 =	vld.idx.msk [tilespmem:v48+s11+$0x0], $0xffff  }
0x373: {  	v39 =	vadd.s32 v32, v39;
	v36 =	vor.u32 v2, v36;
	v35 =	vand.u32 $0xFFFFFFF8, v61;
	v62 =	vld.idx.msk [tilespmem:v41+s11+$0x0], $0xffff;
	[tilespmem:s30+$0xE80] =	vst v42  }
0x374: {  	v39 =	vand.u32 $0xFFFFFFF8, v39;
	[tilespmem:s2+$0xF00] =	vst v43;
	v35 =	vor.u32 v2, v35;
	v40 =	vld.idx.msk [tilespmem:v40+s11+$0x0], $0xffff  }
0x375: {  	v39 =	vor.u32 v2, v39;
	v33 =	vld.idx.msk [tilespmem:v33+s11+$0x0], $0xffff;
	[tilespmem:s26+$0xF00] =	vst v60  }
0x376: {  	[tilespmem:s8+$0xF00] =	vst v56;
	v37 =	vld.idx.msk [tilespmem:v37+s11+$0x0], $0xffff  }
0x377: {  	[tilespmem:s23+$0xF00] =	vst v58;
	v34 =	vld.idx.msk [tilespmem:v34+s11+$0x0], $0xffff  }
0x378: {  	[tilespmem:s29+$0xF00] =	vst v62;
	v36 =	vld.idx.msk [tilespmem:v36+s11+$0x0], $0xffff  }
0x379: {  	v35 =	vld.idx.msk [tilespmem:v35+s11+$0x0], $0xffff;
	[tilespmem:s30+$0xF00] =	vst v40  }
0x37a: {  	s18 =	sadd.s32 $0x1, s18;
	[tilespmem:s2+$0xF80] =	vst v33;
	v63 =	vld.idx.msk [tilespmem:v39+s11+$0x0], $0xffff  }
0x37b: {  	p0 =	sne.s32 s18, $0x20;
	[tilespmem:s26+$0xF80] =	vst v37  }
.Ltmp3:
0x37c: {  	s31 =	sadd.s32 s6, s19;
	[tilespmem:s8+$0xF80] =	vst v34;
	(pc) =	sbr.rel @p0 .LBB2_4-.Ltmp3, $4  }
0x37d: {  	s0 =	sshll.u32 s31, $0x9;
	[tilespmem:s23+$0xF80] =	vst v36  }
0x37e: {  	s0 =	sand.u32 $0x1FFFF800, s0;
	[tilespmem:s29+$0xF80] =	vst v35  }
0x37f: {  	s0 =	sadd.s32 s1, s0;
	[tilespmem:s30+$0xF80] =	vst v63  }
0x380: {  	[hbm4b:s0+s3] =	stream.linear.scatter [tilespmem:s13], [sflag:$0x3], $0x4000, $0x38;
	[tilespmem:$0x13300] =	vst v63  }
0x381: {  	s16 =	sadd.s32 $0x1, s16  }
0x382: {  	_ =	swait.ge [sflag:s14], $0x4000;
	p0 =	sne.s32 s16, s7  }
.Ltmp4:
0x383: {  	[sflag:s14] =	ssyncset.done $0x0;
	(pc) =	sbr.rel @p0 .LBB2_1-.Ltmp4, $4  }
0x384: {  	[sflag:s14] =	ssyncadd.s32 $0xFFFFC000  }
0x385: {  	_ =	swait.ge [sflag:s15], $0x4000  }
0x386: {  	[sflag:s15] =	ssyncset.done $0x0  }
0x387: {  	[sflag:s15] =	ssyncadd.s32 $0xFFFFC000  }
0x388: {  	_ =	sfence.sel $0x180000  }
0x389: {  	[bflag:$0x0] =	sbarrier.arrive $0xFFFF  }
0x38a: {  	_ =	strace $0x90000047  }
0x38b: {  	s0 =	stileid.u32;
	[bflag:$0x2] =	sbarrier.arrive $0xFFFF  }
0x38c: {  	p0 =	sne.s32 s0, $0x0;
	s0 =	rddreg [dreg:$0x3]  }
0x38d: {  	s0 =	sadd.s32 @!p0 $0x100000, s0  }
0x38e: {  	[sflag:s0] =	ssyncadd.tile.s32 @!p0 $0x1;
	_ =	shalt  }
.Lfunc_end2:
_tile_overlayer_lowered:
.L_overlay_start_2:
0x38f: {  	(tag) =	ssettag $0x2  }
0x390: {  	s0 =	rddreg [dreg:$0x0];
	s2 =	stileid.u32  }
0x391: {  	s1 =	rddreg [dreg:$0x1];
	p0 =	sne.s32 s2, $0x0  }
0x392: {  	s3 =	rddreg [dreg:$0x2];
	[bflag:$0x3] =	sbarrier.arrive $0xFFFF;
	s2 =	simm.s32 @!p0 $0x1C04  }
0x393: {  	[timem:s3], [sflag:s2] =	dma.local @!p0 [hbm:s0], s1  }
0x394: {  	s0 =	simm.s32 @!p0 $0x4  }
0x395: {  	_ =	swait.ge @!p0 [sflag:s0], s1  }
0x396: {  	s1 =	ssub.s32 @!p0 $0x0, s1;
	[sflag:s0] =	ssyncset.done @!p0 $0x0  }
0x397: {  	[sflag:s0] =	ssyncadd.s32 @!p0 s1  }
0x398: {  	[bflag:$0x3] =	sbarrier.arrive $0xFFFF  }
0x399: {  	_ =	shalt  }

</sc_bundles>
